<compile_context>
chip_gen: v7x
topology: tpu7x:2x2x1
jax: 0.10.2.dev20260603
libtpu: 0.0.44.dev20260713+nightly
codegen_flags: <defaults>
</compile_context>

<pallas_src>
import functools

import jax
import jax.numpy as jnp
from jax import lax
from jax.experimental import pallas as pl
from jax.experimental.pallas import tpu as pltpu
from jax.experimental.pallas import tpu_sc as plsc

N_NODES = 10000
N_EDGES = 320000
D_EDGE = 16
D_NODE = 128
D_GLOBAL = 64
N_GRAPHS = 16

NC = 2
NS = 16
NW = NC * NS
SUB = 128
IDX_ROWS = N_EDGES // SUB
ROWS_PER_TILE = IDX_ROWS // NW
ROWS_PER_CHUNK = 6
NCHUNKS = ROWS_PER_TILE // ROWS_PER_CHUNK
CHUNK = SUB * ROWS_PER_CHUNK
N_TAIL = IDX_ROWS - ROWS_PER_TILE * NW

NODE_BLK = 1000
N_BLKS = N_NODES // NODE_BLK


def _sc_scatter_body(ea4_hbm, ei3_hbm, out_s_hbm, out_c_hbm,
                     vals_v, ch_v, idx_v, ones_v, acc_sh, cnt_sh, sem):
    c = lax.axis_index("c")
    s = lax.axis_index("s")
    w = s * NC + c
    i32 = jnp.int32

    zero16 = jnp.zeros((16,), jnp.float32)
    one16 = jnp.ones((16,), jnp.float32)

    def zrow(i, carry):
        vals_v[i, :] = zero16
        return carry

    lax.fori_loop(0, NODE_BLK, zrow, 0)

    def fill1(i, carry):
        ones_v[pl.ds(i * 16, 16)] = zero16
        return carry

    lax.fori_loop(0, NODE_BLK // 16, fill1, 0)

    @pl.when(s < N_BLKS)
    def _zero_shared():
        pltpu.sync_copy(vals_v.at[pl.ds(0, NODE_BLK)],
                        acc_sh.at[pl.ds(s * NODE_BLK, NODE_BLK)])
        pltpu.sync_copy(ones_v.at[pl.ds(0, NODE_BLK)],
                        cnt_sh.at[pl.ds(s * NODE_BLK, NODE_BLK)])

    def fill2(i, carry):
        ones_v[pl.ds(i * 16, 16)] = one16
        return carry

    lax.fori_loop(0, NODE_BLK // 16, fill2, 0)

    plsc.subcore_barrier()

    PITCH = SUB + 1
    lane = lax.iota(i32, 16)
    one_v = jnp.full((16,), 1, i32)

    UNROLL = 4

    def transpose_blocks(nblocks):
        rvs = tuple(lane + jnp.full((16,), b * 16, i32)
                    for b in range(nblocks))

        def ebody(eu, cvec):
            e0 = eu * UNROLL
            gs = []
            cv = cvec
            for u in range(UNROLL):
                for b in range(nblocks):
                    gs.append(plsc.load_gather(ch_v, [rvs[b], cv]))
                cv = cv + one_v
            i = 0
            for u in range(UNROLL):
                for b in range(nblocks):
                    vals_v[b * SUB + e0 + u, :] = gs[i]
                    i += 1
            return cv

        lax.fori_loop(0, SUB // UNROLL, ebody, jnp.full((16,), 0, i32))

    def chunk_body(k, carry):
        row0 = w * ROWS_PER_TILE + k * ROWS_PER_CHUNK
        loads = [
            pltpu.async_copy(ei3_hbm.at[pl.ds(row0, ROWS_PER_CHUNK), 0],
                             idx_v, sem),
        ]
        for b in range(ROWS_PER_CHUNK):
            for tf in range(2):
                loads.append(pltpu.async_copy(
                    ea4_hbm.at[tf, row0 + b],
                    ch_v.at[pl.ds(b * 16 + tf * 8, 8), pl.ds(0, SUB)], sem))
        for d in loads:
            d.wait()
        transpose_blocks(ROWS_PER_CHUNK)
        scats = [pltpu.async_copy(vals_v.at[pl.ds(j * SUB, SUB)],
                                  acc_sh.at[idx_v.at[j]], sem, add=True)
                 for j in range(ROWS_PER_CHUNK)]
        scats += [pltpu.async_copy(ones_v.at[pl.ds(j * SUB, SUB)],
                                   cnt_sh.at[idx_v.at[j]], sem, add=True)
                  for j in range(ROWS_PER_CHUNK)]
        for d in scats:
            d.wait()
        return carry

    lax.fori_loop(0, NCHUNKS, chunk_body, 0)

    @pl.when(w < N_TAIL)
    def _tail():
        row = ROWS_PER_TILE * NW + w
        pltpu.sync_copy(ei3_hbm.at[row, 0], idx_v.at[0])
        pltpu.sync_copy(ea4_hbm.at[0, row],
                        ch_v.at[pl.ds(0, 8), pl.ds(0, SUB)])
        pltpu.sync_copy(ea4_hbm.at[1, row],
                        ch_v.at[pl.ds(8, 8), pl.ds(0, SUB)])
        transpose_blocks(1)
        pltpu.sync_copy(vals_v.at[pl.ds(0, SUB)],
                        acc_sh.at[idx_v.at[0]], add=True)
        pltpu.sync_copy(ones_v.at[pl.ds(0, SUB)],
                        cnt_sh.at[idx_v.at[0]], add=True)

    plsc.subcore_barrier()

    @pl.when(s < N_BLKS)
    def _writeback():
        pltpu.sync_copy(acc_sh.at[pl.ds(s * NODE_BLK, NODE_BLK)],
                        vals_v.at[pl.ds(0, NODE_BLK)])
        pltpu.sync_copy(vals_v.at[pl.ds(0, NODE_BLK)],
                        out_s_hbm.at[c, pl.ds(s * NODE_BLK, NODE_BLK)])
        pltpu.sync_copy(cnt_sh.at[pl.ds(s * NODE_BLK, NODE_BLK)],
                        ones_v.at[pl.ds(0, NODE_BLK)])
        pltpu.sync_copy(ones_v.at[pl.ds(0, NODE_BLK)],
                        out_c_hbm.at[c, pl.ds(s * NODE_BLK, NODE_BLK)])


@functools.lru_cache(maxsize=1)
def _sc_scatter():
    return pl.kernel(
        _sc_scatter_body,
        out_type=(jax.ShapeDtypeStruct((NC, N_NODES, D_EDGE), jnp.float32),
                  jax.ShapeDtypeStruct((NC, N_NODES), jnp.float32)),
        mesh=plsc.VectorSubcoreMesh(core_axis_name="c", subcore_axis_name="s",
                                    num_cores=NC, num_subcores=NS),
        compiler_params=pltpu.CompilerParams(use_tc_tiling_on_sc=False,
                                             needs_layout_passes=False),
        scratch_types=[
            pltpu.VMEM((NODE_BLK, D_EDGE), jnp.float32),
            pltpu.VMEM((ROWS_PER_CHUNK * 16, SUB + 1), jnp.float32),
            pltpu.VMEM((ROWS_PER_CHUNK, SUB), jnp.int32),
            pltpu.VMEM((NODE_BLK,), jnp.float32),
            pltpu.VMEM_SHARED((N_NODES, D_EDGE), jnp.float32),
            pltpu.VMEM_SHARED((N_NODES,), jnp.float32),
            pltpu.SemaphoreType.DMA,
        ],
    )


def _tc_mlp_body(x_ref, p_ref, c_ref, b_ref, u_ref, w1x_ref, w1e_ref,
                 w1u_ref, b1_ref, w2_ref, b2_ref, out_ref):
    f32 = jnp.float32
    p = p_ref[...]
    sums = p[0] + p[1]
    cnt = c_ref[...]
    denom = jnp.maximum(cnt[:, 0:1] + cnt[:, 1:2], 1.0)
    agg = sums / denom

    bvec = b_ref[0]
    ids = lax.broadcasted_iota(jnp.int32, (N_GRAPHS, NODE_BLK), 0)
    oht = (ids == jnp.broadcast_to(bvec, (N_GRAPHS, NODE_BLK))).astype(f32)

    uw = jnp.dot(u_ref[...], w1u_ref[...], preferred_element_type=f32)
    u_contrib = lax.dot_general(oht, uw, (((0,), (0,)), ((), ())),
                                preferred_element_type=f32)

    pre = (jnp.dot(x_ref[...], w1x_ref[...], preferred_element_type=f32)
           + jnp.dot(agg, w1e_ref[...], preferred_element_type=f32)
           + u_contrib + b1_ref[...])
    h = jnp.maximum(pre, 0.0)
    out_ref[...] = jnp.dot(h, w2_ref[...], preferred_element_type=f32) + b2_ref[...]


def kernel(x, edge_index, edge_attr, u, batch, W1, b1, W2, b2):
    f32 = jnp.float32
    ea4 = (edge_attr.astype(f32).T.reshape(2, 8, IDX_ROWS, SUB)
           .transpose(0, 2, 1, 3))
    ei3 = (edge_index.astype(jnp.int32).transpose(1, 0)
           .reshape(IDX_ROWS, SUB, 2).transpose(0, 2, 1))

    sums2, cnt2 = _sc_scatter()(ea4, ei3)
    cnt_t = cnt2.T

    batch3 = batch.astype(jnp.int32).reshape(N_BLKS, 1, NODE_BLK)
    W1x = W1[:D_NODE]
    W1e = W1[D_NODE:D_NODE + D_EDGE]
    W1u = W1[D_NODE + D_EDGE:]
    b1r = b1.reshape(1, -1)
    b2r = b2.reshape(1, -1)

    out = pl.pallas_call(
        _tc_mlp_body,
        grid=(N_BLKS,),
        in_specs=[
            pl.BlockSpec((NODE_BLK, D_NODE), lambda i: (i, 0)),
            pl.BlockSpec((NC, NODE_BLK, D_EDGE), lambda i: (0, i, 0)),
            pl.BlockSpec((NODE_BLK, NC), lambda i: (i, 0)),
            pl.BlockSpec((1, 1, NODE_BLK), lambda i: (i, 0, 0)),
            pl.BlockSpec((N_GRAPHS, D_GLOBAL), lambda i: (0, 0)),
            pl.BlockSpec((D_NODE, 128), lambda i: (0, 0)),
            pl.BlockSpec((D_EDGE, 128), lambda i: (0, 0)),
            pl.BlockSpec((D_GLOBAL, 128), lambda i: (0, 0)),
            pl.BlockSpec((1, 128), lambda i: (0, 0)),
            pl.BlockSpec((128, 128), lambda i: (0, 0)),
            pl.BlockSpec((1, 128), lambda i: (0, 0)),
        ],
        out_specs=pl.BlockSpec((NODE_BLK, 128), lambda i: (i, 0)),
        out_shape=jax.ShapeDtypeStruct((N_NODES, 128), f32),
    )(x, sums2, cnt_t, batch3, u, W1x, W1e, W1u, b1r, W2, b2r)
    return out

# --- scband reference (transcript-rebuilt; emitter-appended) ---
"""Pipeline reference for scband-node-model-with-global-5428838662515 (READ-ONLY COPY).

The authoritative reference and input builder live on the scoring server;
editing this copy changes nothing except your own understanding.
"""

import jax, jax.numpy as jnp
import numpy as np

N_NODES = 10000
N_EDGES = 320000
D_NODE = 128
D_EDGE = 16
D_GLOBAL = 64
D_HIDDEN = 128
D_OUT = 128
N_GRAPHS = 16


def setup_inputs(seed: int = 0) -> dict:
    key = jax.random.key(seed)
    ks = jax.random.split(key, 10)
    x = jax.random.normal(ks[0], (N_NODES, D_NODE), dtype=jnp.float32)
    edge_index = jax.random.randint(ks[1], (2, N_EDGES), 0, N_NODES, dtype=jnp.int64)
    edge_attr = jax.random.normal(ks[2], (N_EDGES, D_EDGE), dtype=jnp.float32)
    u = jax.random.normal(ks[3], (N_GRAPHS, D_GLOBAL), dtype=jnp.float32)
    batch = jnp.sort(jax.random.randint(ks[4], (N_NODES,), 0, N_GRAPHS, dtype=jnp.int64))
    d_in = D_NODE + D_EDGE + D_GLOBAL
    W1 = jax.random.normal(ks[5], (d_in, D_HIDDEN), dtype=jnp.float32) * 0.02
    b1 = jnp.zeros((D_HIDDEN,), dtype=jnp.float32)
    W2 = jax.random.normal(ks[6], (D_HIDDEN, D_OUT), dtype=jnp.float32) * 0.02
    b2 = jnp.zeros((D_OUT,), dtype=jnp.float32)
    return {"x": x, "edge_index": edge_index, "edge_attr": edge_attr, "u": u,
            "batch": batch, "W1": W1, "b1": b1, "W2": W2, "b2": b2}


def reference(x, edge_index, edge_attr, u, batch, W1, b1, W2, b2):
    # u_expanded = u[batch]
    u_expanded = jnp.take(u, batch, axis=0)
    # scatter_mean(edge_attr, edge_index[0], dim=0, dim_size=N)
    src = edge_index[0]
    sums = jax.ops.segment_sum(edge_attr, src, num_segments=x.shape[0])
    counts = jax.ops.segment_sum(jnp.ones((src.shape[0],), dtype=jnp.float32), src,
                                 num_segments=x.shape[0])
    edge_attr_agg = sums / jnp.maximum(counts, 1.0)[:, None]
    combined = jnp.concatenate([x, edge_attr_agg, u_expanded], axis=1)
    h = jax.nn.relu(combined @ W1 + b1)
    out = h @ W2 + b2
    return out

if __name__ == "__main__":
    import jax
    _d = setup_inputs()
    print(jax.jit(kernel)(*tuple(_d.values())))

</pallas_src>

<mosaic_0001>
#map = affine_map<(d0, d1) -> (0, 0, 0, 0)>
#map1 = affine_map<(d0, d1) -> (0, 0, 0)>
#map2 = affine_map<(d0, d1) -> (0, 0)>
module attributes {stable_mosaic.version = 14 : i64} {
  func.func @_sc_scatter_body(%arg0: i32, %arg1: i32, %arg2: memref<2x2500x8x128xf32, #tpu.memory_space<hbm>>, %arg3: memref<2500x2x128xi32, #tpu.memory_space<hbm>>, %arg4: memref<2x10000x16xf32, #tpu.memory_space<hbm>>, %arg5: memref<2x10000xf32, #tpu.memory_space<hbm>>, %arg6: memref<1000x16xf32, #tpu.memory_space<vmem>>, %arg7: memref<96x129xf32, #tpu.memory_space<vmem>>, %arg8: memref<6x128xi32, #tpu.memory_space<vmem>>, %arg9: memref<1000xf32, #tpu.memory_space<vmem>>, %arg10: memref<10000x16xf32, #tpu.memory_space<vmem_shared>>, %arg11: memref<10000xf32, #tpu.memory_space<vmem_shared>>, %arg12: memref<!tpu.dma_semaphore, #tpu.memory_space<semaphore_mem>>) attributes {dimension_semantics = [#tpu.dimension_semantics<core_parallel>, #tpu.dimension_semantics<subcore_parallel>], iteration_bounds = array<i64: 2, 16>, scalar_prefetch = 0 : i64, scratch_operands = 7 : i64, tpu.core_type = #tpu.core_type<sc_vector_subcore>, window_params = [{transform_indices = #map}, {transform_indices = #map1}, {transform_indices = #map1}, {transform_indices = #map2}]} {
    %mul3A = arith.constant 2 : i32
    %mul3A_0 = arith.muli %arg1, %mul3A : i32
    %add3A = arith.addi %mul3A_0, %arg0 : i32
    %broadcast_in_dim3A = arith.constant 0.000000e+00 : f32
    %broadcast_in_dim3A_1 = vector.broadcast %broadcast_in_dim3A : f32 to vector<16xf32>
    %broadcast_in_dim3A_2 = arith.constant 1.000000e+00 : f32
    %broadcast_in_dim3A_3 = vector.broadcast %broadcast_in_dim3A_2 : f32 to vector<16xf32>
    %scan3A = arith.constant 0 : i32
    %scan3A_4 = arith.constant 0 : i32
    %scan3A_5 = arith.constant 1000 : i32
    %scan3A_6 = arith.addi %scan3A_4, %scan3A_5 : i32
    %scan3A_7 = arith.constant 1 : i32
    scf.for %scan3A_42 = %scan3A_4 to %scan3A_6 step %scan3A_7  : i32 {
      %swap3A = arith.index_cast %scan3A_42 : i32 to index
      %swap3A_43 = arith.constant 0 : index
      %swap3A_44 = tpu.vector_load %arg6[%swap3A, %swap3A_43] {strides = array<i32>} : memref<1000x16xf32, #tpu.memory_space<vmem>>, vector<16xf32>,
      tpu.vector_store %arg6[%swap3A, %swap3A_43], %broadcast_in_dim3A_1 {strides = array<i32>} : memref<1000x16xf32, #tpu.memory_space<vmem>>, vector<16xf32>,
    }
    %scan3A_8 = arith.constant 1000 : i32
    %scan3A_9 = arith.constant 0 : i32
    %scan3A_10 = arith.constant 0 : i32
    %scan3A_11 = arith.constant 62 : i32
    %scan3A_12 = arith.addi %scan3A_10, %scan3A_11 : i32
    %scan3A_13 = arith.constant 1 : i32
    scf.for %scan3A_42 = %scan3A_10 to %scan3A_12 step %scan3A_13  : i32 {
      %mul3A_43 = arith.constant 16 : i32
      %mul3A_44 = arith.muli %scan3A_42, %mul3A_43 : i32
      %swap3A = arith.index_cast %mul3A_44 : i32 to index
      %swap3A_45 = tpu.vector_load %arg9[%swap3A] {strides = array<i32>} : memref<1000xf32, #tpu.memory_space<vmem>>, vector<16xf32>,
      tpu.vector_store %arg9[%swap3A], %broadcast_in_dim3A_1 {strides = array<i32>} : memref<1000xf32, #tpu.memory_space<vmem>>, vector<16xf32>,
    }
    %scan3A_14 = arith.constant 62 : i32
    %lt3A = arith.constant 10 : i32
    %lt3A_15 = arith.cmpi slt, %arg1, %lt3A : i32
    %convert_element_type3A = arith.extui %lt3A_15 : i1 to i32
    %cond3A = arith.constant 0 : i32
    %cond3A_16 = arith.cmpi ne, %convert_element_type3A, %cond3A : i32
    scf.if %cond3A_16 {
      %mul3A_42 = arith.constant 1000 : i32
      %mul3A_43 = arith.muli %arg1, %mul3A_42 : i32
      "tpu.region"() ({
        %run_scoped3A = tpu.sem_alloc : memref<!tpu.dma_semaphore, #tpu.memory_space<semaphore_mem>>
        %dma_start3A = arith.constant 0 : i32
        %dma_start3A_46 = arith.constant 0 : i32
        %dma_start3A_47 = tpu.memref_slice %arg6[%dma_start3A, %dma_start3A_46] : memref<1000x16xf32, #tpu.memory_space<vmem>> -> memref<1000x16xf32, #tpu.memory_space<vmem>>
        %dma_start3A_48 = arith.constant 0 : i32
        %dma_start3A_49 = tpu.memref_slice %arg10[%mul3A_43, %dma_start3A_48] : memref<10000x16xf32, #tpu.memory_space<vmem_shared>> -> memref<1000x16xf32, #tpu.memory_space<vmem_shared>>
        %dma_start3A_50 = arith.constant 0 : i32
        %dma_start3A_51 = tpu.memref_slice %arg10[%mul3A_43, %dma_start3A_50] : memref<10000x16xf32, #tpu.memory_space<vmem_shared>> -> memref<1000x16xf32, #tpu.memory_space<vmem_shared>>
        %dma_start3A_52 = arith.constant 0 : i32
        %dma_start3A_53 = arith.constant 0 : i32
        %dma_start3A_54 = tpu.memref_slice %arg6[%dma_start3A_52, %dma_start3A_53] : memref<1000x16xf32, #tpu.memory_space<vmem>> -> memref<1000x16xf32, #tpu.memory_space<vmem>>
        tpu.enqueue_dma source(%dma_start3A_54 : memref<1000x16xf32, #tpu.memory_space<vmem>>) target(%dma_start3A_51 : memref<1000x16xf32, #tpu.memory_space<vmem_shared>>) target_semaphore(%run_scoped3A : memref<!tpu.dma_semaphore, #tpu.memory_space<semaphore_mem>>)
        %dma_wait3A = arith.constant 0 : i32
        %dma_wait3A_55 = arith.constant 0 : i32
        %dma_wait3A_56 = tpu.memref_slice %arg6[%dma_wait3A, %dma_wait3A_55] : memref<1000x16xf32, #tpu.memory_space<vmem>> -> memref<1000x16xf32, #tpu.memory_space<vmem>>
        %dma_wait3A_57 = arith.constant 0 : i32
        %dma_wait3A_58 = tpu.memref_slice %arg10[%mul3A_43, %dma_wait3A_57] : memref<10000x16xf32, #tpu.memory_space<vmem_shared>> -> memref<1000x16xf32, #tpu.memory_space<vmem_shared>>
        %dma_wait3A_59 = arith.constant 0 : i32
        %dma_wait3A_60 = tpu.memref_slice %arg10[%mul3A_43, %dma_wait3A_59] : memref<10000x16xf32, #tpu.memory_space<vmem_shared>> -> memref<1000x16xf32, #tpu.memory_space<vmem_shared>>
        %dma_wait3A_61 = arith.constant 0 : i32
        %dma_wait3A_62 = arith.constant 0 : i32
        %dma_wait3A_63 = tpu.memref_slice %arg6[%dma_wait3A_61, %dma_wait3A_62] : memref<1000x16xf32, #tpu.memory_space<vmem>> -> memref<1000x16xf32, #tpu.memory_space<vmem>>
        tpu.wait_dma2 semaphore(%run_scoped3A : memref<!tpu.dma_semaphore, #tpu.memory_space<semaphore_mem>>) src(%dma_wait3A_63 : memref<1000x16xf32, #tpu.memory_space<vmem>>) dst(%dma_wait3A_60 : memref<1000x16xf32, #tpu.memory_space<vmem_shared>>)
        tpu.yield
      }) : () -> ()
      %mul3A_44 = arith.constant 1000 : i32
      %mul3A_45 = arith.muli %arg1, %mul3A_44 : i32
      "tpu.region"() ({
        %run_scoped3A = tpu.sem_alloc : memref<!tpu.dma_semaphore, #tpu.memory_space<semaphore_mem>>
        %dma_start3A = arith.constant 0 : i32
        %dma_start3A_46 = tpu.memref_slice %arg9[%dma_start3A] : memref<1000xf32, #tpu.memory_space<vmem>> -> memref<1000xf32, #tpu.memory_space<vmem>>
        %dma_start3A_47 = tpu.memref_slice %arg11[%mul3A_45] : memref<10000xf32, #tpu.memory_space<vmem_shared>> -> memref<1000xf32, #tpu.memory_space<vmem_shared>>
        %dma_start3A_48 = tpu.memref_slice %arg11[%mul3A_45] : memref<10000xf32, #tpu.memory_space<vmem_shared>> -> memref<1000xf32, #tpu.memory_space<vmem_shared>>
        %dma_start3A_49 = arith.constant 0 : i32
        %dma_start3A_50 = tpu.memref_slice %arg9[%dma_start3A_49] : memref<1000xf32, #tpu.memory_space<vmem>> -> memref<1000xf32, #tpu.memory_space<vmem>>
        tpu.enqueue_dma source(%dma_start3A_50 : memref<1000xf32, #tpu.memory_space<vmem>>) target(%dma_start3A_48 : memref<1000xf32, #tpu.memory_space<vmem_shared>>) target_semaphore(%run_scoped3A : memref<!tpu.dma_semaphore, #tpu.memory_space<semaphore_mem>>)
        %dma_wait3A = arith.constant 0 : i32
        %dma_wait3A_51 = tpu.memref_slice %arg9[%dma_wait3A] : memref<1000xf32, #tpu.memory_space<vmem>> -> memref<1000xf32, #tpu.memory_space<vmem>>
        %dma_wait3A_52 = tpu.memref_slice %arg11[%mul3A_45] : memref<10000xf32, #tpu.memory_space<vmem_shared>> -> memref<1000xf32, #tpu.memory_space<vmem_shared>>
        %dma_wait3A_53 = tpu.memref_slice %arg11[%mul3A_45] : memref<10000xf32, #tpu.memory_space<vmem_shared>> -> memref<1000xf32, #tpu.memory_space<vmem_shared>>
        %dma_wait3A_54 = arith.constant 0 : i32
        %dma_wait3A_55 = tpu.memref_slice %arg9[%dma_wait3A_54] : memref<1000xf32, #tpu.memory_space<vmem>> -> memref<1000xf32, #tpu.memory_space<vmem>>
        tpu.wait_dma2 semaphore(%run_scoped3A : memref<!tpu.dma_semaphore, #tpu.memory_space<semaphore_mem>>) src(%dma_wait3A_55 : memref<1000xf32, #tpu.memory_space<vmem>>) dst(%dma_wait3A_53 : memref<1000xf32, #tpu.memory_space<vmem_shared>>)
        tpu.yield
      }) : () -> ()
    } else {
    }
    %scan3A_17 = arith.constant 0 : i32
    %scan3A_18 = arith.constant 0 : i32
    %scan3A_19 = arith.constant 62 : i32
    %scan3A_20 = arith.addi %scan3A_18, %scan3A_19 : i32
    %scan3A_21 = arith.constant 1 : i32
    scf.for %scan3A_42 = %scan3A_18 to %scan3A_20 step %scan3A_21  : i32 {
      %mul3A_43 = arith.constant 16 : i32
      %mul3A_44 = arith.muli %scan3A_42, %mul3A_43 : i32
      %swap3A = arith.index_cast %mul3A_44 : i32 to index
      %swap3A_45 = tpu.vector_load %arg9[%swap3A] {strides = array<i32>} : memref<1000xf32, #tpu.memory_space<vmem>>, vector<16xf32>,
      tpu.vector_store %arg9[%swap3A], %broadcast_in_dim3A_3 {strides = array<i32>} : memref<1000xf32, #tpu.memory_space<vmem>>, vector<16xf32>,
    }
    %scan3A_22 = arith.constant 62 : i32
    %barrier3A = arith.constant 0 : index
    tpu.barrier barrier_id(%barrier3A)
    %iota3A = tpu.iota {dimensions = array<i32: 0>} : vector<16xi32>
    %broadcast_in_dim3A_23 = arith.constant 1 : i32
    %broadcast_in_dim3A_24 = vector.broadcast %broadcast_in_dim3A_23 : i32 to vector<16xi32>
    %scan3A_25 = arith.constant 0 : i32
    %scan3A_26 = arith.constant 0 : i32
    %scan3A_27 = arith.constant 13 : i32
    %scan3A_28 = arith.addi %scan3A_26, %scan3A_27 : i32
    %scan3A_29 = arith.constant 1 : i32
    scf.for %scan3A_42 = %scan3A_26 to %scan3A_28 step %scan3A_29  : i32 {
      %mul3A_43 = arith.constant 78 : i32
      %mul3A_44 = arith.muli %add3A, %mul3A_43 : i32
      %mul3A_45 = arith.constant 6 : i32
      %mul3A_46 = arith.muli %scan3A_42, %mul3A_45 : i32
      %add3A_47 = arith.addi %mul3A_44, %mul3A_46 : i32
      %dma_start3A = arith.constant 0 : i32
      %dma_start3A_48 = arith.constant 0 : i32
      %dma_start3A_49 = tpu.memref_slice %arg3[%add3A_47, %dma_start3A, %dma_start3A_48] : memref<2500x2x128xi32, #tpu.memory_space<hbm>> -> memref<6x1x128xi32, #tpu.memory_space<hbm>>
      %dma_start3A_50 = tpu.memref_squeeze %dma_start3A_49 : memref<6x1x128xi32, #tpu.memory_space<hbm>> -> memref<6x128xi32, #tpu.memory_space<hbm>>
      %dma_start3A_51 = arith.constant 0 : i32
      %dma_start3A_52 = tpu.memref_slice %arg3[%add3A_47, %dma_start3A, %dma_start3A_51] : memref<2500x2x128xi32, #tpu.memory_space<hbm>> -> memref<6x1x128xi32, #tpu.memory_space<hbm>>
      %dma_start3A_53 = tpu.memref_squeeze %dma_start3A_52 : memref<6x1x128xi32, #tpu.memory_space<hbm>> -> memref<6x128xi32, #tpu.memory_space<hbm>>
      tpu.enqueue_dma source(%dma_start3A_53 : memref<6x128xi32, #tpu.memory_space<hbm>>) target(%arg8 : memref<6x128xi32, #tpu.memory_space<vmem>>) target_semaphore(%arg12 : memref<!tpu.dma_semaphore, #tpu.memory_space<semaphore_mem>>)
      %add3A_54 = arith.constant 0 : i32
      %add3A_55 = arith.addi %add3A_47, %add3A_54 : i32
      %dma_start3A_56 = arith.constant 0 : i32
      %dma_start3A_57 = arith.constant 0 : i32
      %dma_start3A_58 = arith.constant 0 : i32
      %dma_start3A_59 = tpu.memref_slice %arg7[%dma_start3A_57, %dma_start3A_58] : memref<96x129xf32, #tpu.memory_space<vmem>> -> memref<8x128xf32, #tpu.memory_space<vmem>>
      %dma_start3A_60 = arith.constant 0 : i32
      %dma_start3A_61 = arith.constant 0 : i32
      %dma_start3A_62 = tpu.memref_slice %arg2[%dma_start3A_56, %add3A_55, %dma_start3A_60, %dma_start3A_61] : memref<2x2500x8x128xf32, #tpu.memory_space<hbm>> -> memref<1x1x8x128xf32, #tpu.memory_space<hbm>>
      %dma_start3A_63 = tpu.memref_squeeze %dma_start3A_62 : memref<1x1x8x128xf32, #tpu.memory_space<hbm>> -> memref<8x128xf32, #tpu.memory_space<hbm>>
      %dma_start3A_64 = arith.constant 0 : i32
      %dma_start3A_65 = arith.constant 0 : i32
      %dma_start3A_66 = tpu.memref_slice %arg7[%dma_start3A_64, %dma_start3A_65] : memref<96x129xf32, #tpu.memory_space<vmem>> -> memref<8x128xf32, #tpu.memory_space<vmem>>
      %dma_start3A_67 = arith.constant 0 : i32
      %dma_start3A_68 = arith.constant 0 : i32
      %dma_start3A_69 = tpu.memref_slice %arg2[%dma_start3A_56, %add3A_55, %dma_start3A_67, %dma_start3A_68] : memref<2x2500x8x128xf32, #tpu.memory_space<hbm>> -> memref<1x1x8x128xf32, #tpu.memory_space<hbm>>
      %dma_start3A_70 = tpu.memref_squeeze %dma_start3A_69 : memref<1x1x8x128xf32, #tpu.memory_space<hbm>> -> memref<8x128xf32, #tpu.memory_space<hbm>>
      tpu.enqueue_dma source(%dma_start3A_70 : memref<8x128xf32, #tpu.memory_space<hbm>>) target(%dma_start3A_66 : memref<8x128xf32, #tpu.memory_space<vmem>>) target_semaphore(%arg12 : memref<!tpu.dma_semaphore, #tpu.memory_space<semaphore_mem>>)
      %add3A_71 = arith.constant 0 : i32
      %add3A_72 = arith.addi %add3A_47, %add3A_71 : i32
      %dma_start3A_73 = arith.constant 1 : i32
      %dma_start3A_74 = arith.constant 8 : i32
      %dma_start3A_75 = arith.constant 0 : i32
      %dma_start3A_76 = tpu.memref_slice %arg7[%dma_start3A_74, %dma_start3A_75] : memref<96x129xf32, #tpu.memory_space<vmem>> -> memref<8x128xf32, #tpu.memory_space<vmem>>
      %dma_start3A_77 = arith.constant 0 : i32
      %dma_start3A_78 = arith.constant 0 : i32
      %dma_start3A_79 = tpu.memref_slice %arg2[%dma_start3A_73, %add3A_72, %dma_start3A_77, %dma_start3A_78] : memref<2x2500x8x128xf32, #tpu.memory_space<hbm>> -> memref<1x1x8x128xf32, #tpu.memory_space<hbm>>
      %dma_start3A_80 = tpu.memref_squeeze %dma_start3A_79 : memref<1x1x8x128xf32, #tpu.memory_space<hbm>> -> memref<8x128xf32, #tpu.memory_space<hbm>>
      %dma_start3A_81 = arith.constant 8 : i32
      %dma_start3A_82 = arith.constant 0 : i32
      %dma_start3A_83 = tpu.memref_slice %arg7[%dma_start3A_81, %dma_start3A_82] : memref<96x129xf32, #tpu.memory_space<vmem>> -> memref<8x128xf32, #tpu.memory_space<vmem>>
      %dma_start3A_84 = arith.constant 0 : i32
      %dma_start3A_85 = arith.constant 0 : i32
      %dma_start3A_86 = tpu.memref_slice %arg2[%dma_start3A_73, %add3A_72, %dma_start3A_84, %dma_start3A_85] : memref<2x2500x8x128xf32, #tpu.memory_space<hbm>> -> memref<1x1x8x128xf32, #tpu.memory_space<hbm>>
      %dma_start3A_87 = tpu.memref_squeeze %dma_start3A_86 : memref<1x1x8x128xf32, #tpu.memory_space<hbm>> -> memref<8x128xf32, #tpu.memory_space<hbm>>
      tpu.enqueue_dma source(%dma_start3A_87 : memref<8x128xf32, #tpu.memory_space<hbm>>) target(%dma_start3A_83 : memref<8x128xf32, #tpu.memory_space<vmem>>) target_semaphore(%arg12 : memref<!tpu.dma_semaphore, #tpu.memory_space<semaphore_mem>>)
      %add3A_88 = arith.constant 1 : i32
      %add3A_89 = arith.addi %add3A_47, %add3A_88 : i32
      %dma_start3A_90 = arith.constant 0 : i32
      %dma_start3A_91 = arith.constant 16 : i32
      %dma_start3A_92 = arith.constant 0 : i32
      %dma_start3A_93 = tpu.memref_slice %arg7[%dma_start3A_91, %dma_start3A_92] : memref<96x129xf32, #tpu.memory_space<vmem>> -> memref<8x128xf32, #tpu.memory_space<vmem>>
      %dma_start3A_94 = arith.constant 0 : i32
      %dma_start3A_95 = arith.constant 0 : i32
      %dma_start3A_96 = tpu.memref_slice %arg2[%dma_start3A_90, %add3A_89, %dma_start3A_94, %dma_start3A_95] : memref<2x2500x8x128xf32, #tpu.memory_space<hbm>> -> memref<1x1x8x128xf32, #tpu.memory_space<hbm>>
      %dma_start3A_97 = tpu.memref_squeeze %dma_start3A_96 : memref<1x1x8x128xf32, #tpu.memory_space<hbm>> -> memref<8x128xf32, #tpu.memory_space<hbm>>
      %dma_start3A_98 = arith.constant 16 : i32
      %dma_start3A_99 = arith.constant 0 : i32
      %dma_start3A_100 = tpu.memref_slice %arg7[%dma_start3A_98, %dma_start3A_99] : memref<96x129xf32, #tpu.memory_space<vmem>> -> memref<8x128xf32, #tpu.memory_space<vmem>>
      %dma_start3A_101 = arith.constant 0 : i32
      %dma_start3A_102 = arith.constant 0 : i32
      %dma_start3A_103 = tpu.memref_slice %arg2[%dma_start3A_90, %add3A_89, %dma_start3A_101, %dma_start3A_102] : memref<2x2500x8x128xf32, #tpu.memory_space<hbm>> -> memref<1x1x8x128xf32, #tpu.memory_space<hbm>>
      %dma_start3A_104 = tpu.memref_squeeze %dma_start3A_103 : memref<1x1x8x128xf32, #tpu.memory_space<hbm>> -> memref<8x128xf32, #tpu.memory_space<hbm>>
      tpu.enqueue_dma source(%dma_start3A_104 : memref<8x128xf32, #tpu.memory_space<hbm>>) target(%dma_start3A_100 : memref<8x128xf32, #tpu.memory_space<vmem>>) target_semaphore(%arg12 : memref<!tpu.dma_semaphore, #tpu.memory_space<semaphore_mem>>)
      %add3A_105 = arith.constant 1 : i32
      %add3A_106 = arith.addi %add3A_47, %add3A_105 : i32
      %dma_start3A_107 = arith.constant 1 : i32
      %dma_start3A_108 = arith.constant 24 : i32
      %dma_start3A_109 = arith.constant 0 : i32
      %dma_start3A_110 = tpu.memref_slice %arg7[%dma_start3A_108, %dma_start3A_109] : memref<96x129xf32, #tpu.memory_space<vmem>> -> memref<8x128xf32, #tpu.memory_space<vmem>>
      %dma_start3A_111 = arith.constant 0 : i32
      %dma_start3A_112 = arith.constant 0 : i32
      %dma_start3A_113 = tpu.memref_slice %arg2[%dma_start3A_107, %add3A_106, %dma_start3A_111, %dma_start3A_112] : memref<2x2500x8x128xf32, #tpu.memory_space<hbm>> -> memref<1x1x8x128xf32, #tpu.memory_space<hbm>>
      %dma_start3A_114 = tpu.memref_squeeze %dma_start3A_113 : memref<1x1x8x128xf32, #tpu.memory_space<hbm>> -> memref<8x128xf32, #tpu.memory_space<hbm>>
      %dma_start3A_115 = arith.constant 24 : i32
      %dma_start3A_116 = arith.constant 0 : i32
      %dma_start3A_117 = tpu.memref_slice %arg7[%dma_start3A_115, %dma_start3A_116] : memref<96x129xf32, #tpu.memory_space<vmem>> -> memref<8x128xf32, #tpu.memory_space<vmem>>
      %dma_start3A_118 = arith.constant 0 : i32
      %dma_start3A_119 = arith.constant 0 : i32
      %dma_start3A_120 = tpu.memref_slice %arg2[%dma_start3A_107, %add3A_106, %dma_start3A_118, %dma_start3A_119] : memref<2x2500x8x128xf32, #tpu.memory_space<hbm>> -> memref<1x1x8x128xf32, #tpu.memory_space<hbm>>
      %dma_start3A_121 = tpu.memref_squeeze %dma_start3A_120 : memref<1x1x8x128xf32, #tpu.memory_space<hbm>> -> memref<8x128xf32, #tpu.memory_space<hbm>>
      tpu.enqueue_dma source(%dma_start3A_121 : memref<8x128xf32, #tpu.memory_space<hbm>>) target(%dma_start3A_117 : memref<8x128xf32, #tpu.memory_space<vmem>>) target_semaphore(%arg12 : memref<!tpu.dma_semaphore, #tpu.memory_space<semaphore_mem>>)
      %add3A_122 = arith.constant 2 : i32
      %add3A_123 = arith.addi %add3A_47, %add3A_122 : i32
      %dma_start3A_124 = arith.constant 0 : i32
      %dma_start3A_125 = arith.constant 32 : i32
      %dma_start3A_126 = arith.constant 0 : i32
      %dma_start3A_127 = tpu.memref_slice %arg7[%dma_start3A_125, %dma_start3A_126] : memref<96x129xf32, #tpu.memory_space<vmem>> -> memref<8x128xf32, #tpu.memory_space<vmem>>
      %dma_start3A_128 = arith.constant 0 : i32
      %dma_start3A_129 = arith.constant 0 : i32
      %dma_start3A_130 = tpu.memref_slice %arg2[%dma_start3A_124, %add3A_123, %dma_start3A_128, %dma_start3A_129] : memref<2x2500x8x128xf32, #tpu.memory_space<hbm>> -> memref<1x1x8x128xf32, #tpu.memory_space<hbm>>
      %dma_start3A_131 = tpu.memref_squeeze %dma_start3A_130 : memref<1x1x8x128xf32, #tpu.memory_space<hbm>> -> memref<8x128xf32, #tpu.memory_space<hbm>>
      %dma_start3A_132 = arith.constant 32 : i32
      %dma_start3A_133 = arith.constant 0 : i32
      %dma_start3A_134 = tpu.memref_slice %arg7[%dma_start3A_132, %dma_start3A_133] : memref<96x129xf32, #tpu.memory_space<vmem>> -> memref<8x128xf32, #tpu.memory_space<vmem>>
      %dma_start3A_135 = arith.constant 0 : i32
      %dma_start3A_136 = arith.constant 0 : i32
      %dma_start3A_137 = tpu.memref_slice %arg2[%dma_start3A_124, %add3A_123, %dma_start3A_135, %dma_start3A_136] : memref<2x2500x8x128xf32, #tpu.memory_space<hbm>> -> memref<1x1x8x128xf32, #tpu.memory_space<hbm>>
      %dma_start3A_138 = tpu.memref_squeeze %dma_start3A_137 : memref<1x1x8x128xf32, #tpu.memory_space<hbm>> -> memref<8x128xf32, #tpu.memory_space<hbm>>
      tpu.enqueue_dma source(%dma_start3A_138 : memref<8x128xf32, #tpu.memory_space<hbm>>) target(%dma_start3A_134 : memref<8x128xf32, #tpu.memory_space<vmem>>) target_semaphore(%arg12 : memref<!tpu.dma_semaphore, #tpu.memory_space<semaphore_mem>>)
      %add3A_139 = arith.constant 2 : i32
      %add3A_140 = arith.addi %add3A_47, %add3A_139 : i32
      %dma_start3A_141 = arith.constant 1 : i32
      %dma_start3A_142 = arith.constant 40 : i32
      %dma_start3A_143 = arith.constant 0 : i32
      %dma_start3A_144 = tpu.memref_slice %arg7[%dma_start3A_142, %dma_start3A_143] : memref<96x129xf32, #tpu.memory_space<vmem>> -> memref<8x128xf32, #tpu.memory_space<vmem>>
      %dma_start3A_145 = arith.constant 0 : i32
      %dma_start3A_146 = arith.constant 0 : i32
      %dma_start3A_147 = tpu.memref_slice %arg2[%dma_start3A_141, %add3A_140, %dma_start3A_145, %dma_start3A_146] : memref<2x2500x8x128xf32, #tpu.memory_space<hbm>> -> memref<1x1x8x128xf32, #tpu.memory_space<hbm>>
      %dma_start3A_148 = tpu.memref_squeeze %dma_start3A_147 : memref<1x1x8x128xf32, #tpu.memory_space<hbm>> -> memref<8x128xf32, #tpu.memory_space<hbm>>
      %dma_start3A_149 = arith.constant 40 : i32
      %dma_start3A_150 = arith.constant 0 : i32
      %dma_start3A_151 = tpu.memref_slice %arg7[%dma_start3A_149, %dma_start3A_150] : memref<96x129xf32, #tpu.memory_space<vmem>> -> memref<8x128xf32, #tpu.memory_space<vmem>>
      %dma_start3A_152 = arith.constant 0 : i32
      %dma_start3A_153 = arith.constant 0 : i32
      %dma_start3A_154 = tpu.memref_slice %arg2[%dma_start3A_141, %add3A_140, %dma_start3A_152, %dma_start3A_153] : memref<2x2500x8x128xf32, #tpu.memory_space<hbm>> -> memref<1x1x8x128xf32, #tpu.memory_space<hbm>>
      %dma_start3A_155 = tpu.memref_squeeze %dma_start3A_154 : memref<1x1x8x128xf32, #tpu.memory_space<hbm>> -> memref<8x128xf32, #tpu.memory_space<hbm>>
      tpu.enqueue_dma source(%dma_start3A_155 : memref<8x128xf32, #tpu.memory_space<hbm>>) target(%dma_start3A_151 : memref<8x128xf32, #tpu.memory_space<vmem>>) target_semaphore(%arg12 : memref<!tpu.dma_semaphore, #tpu.memory_space<semaphore_mem>>)
      %add3A_156 = arith.constant 3 : i32
      %add3A_157 = arith.addi %add3A_47, %add3A_156 : i32
      %dma_start3A_158 = arith.constant 0 : i32
      %dma_start3A_159 = arith.constant 48 : i32
      %dma_start3A_160 = arith.constant 0 : i32
      %dma_start3A_161 = tpu.memref_slice %arg7[%dma_start3A_159, %dma_start3A_160] : memref<96x129xf32, #tpu.memory_space<vmem>> -> memref<8x128xf32, #tpu.memory_space<vmem>>
      %dma_start3A_162 = arith.constant 0 : i32
      %dma_start3A_163 = arith.constant 0 : i32
      %dma_start3A_164 = tpu.memref_slice %arg2[%dma_start3A_158, %add3A_157, %dma_start3A_162, %dma_start3A_163] : memref<2x2500x8x128xf32, #tpu.memory_space<hbm>> -> memref<1x1x8x128xf32, #tpu.memory_space<hbm>>
      %dma_start3A_165 = tpu.memref_squeeze %dma_start3A_164 : memref<1x1x8x128xf32, #tpu.memory_space<hbm>> -> memref<8x128xf32, #tpu.memory_space<hbm>>
      %dma_start3A_166 = arith.constant 48 : i32
      %dma_start3A_167 = arith.constant 0 : i32
      %dma_start3A_168 = tpu.memref_slice %arg7[%dma_start3A_166, %dma_start3A_167] : memref<96x129xf32, #tpu.memory_space<vmem>> -> memref<8x128xf32, #tpu.memory_space<vmem>>
      %dma_start3A_169 = arith.constant 0 : i32
      %dma_start3A_170 = arith.constant 0 : i32
      %dma_start3A_171 = tpu.memref_slice %arg2[%dma_start3A_158, %add3A_157, %dma_start3A_169, %dma_start3A_170] : memref<2x2500x8x128xf32, #tpu.memory_space<hbm>> -> memref<1x1x8x128xf32, #tpu.memory_space<hbm>>
      %dma_start3A_172 = tpu.memref_squeeze %dma_start3A_171 : memref<1x1x8x128xf32, #tpu.memory_space<hbm>> -> memref<8x128xf32, #tpu.memory_space<hbm>>
      tpu.enqueue_dma source(%dma_start3A_172 : memref<8x128xf32, #tpu.memory_space<hbm>>) target(%dma_start3A_168 : memref<8x128xf32, #tpu.memory_space<vmem>>) target_semaphore(%arg12 : memref<!tpu.dma_semaphore, #tpu.memory_space<semaphore_mem>>)
      %add3A_173 = arith.constant 3 : i32
      %add3A_174 = arith.addi %add3A_47, %add3A_173 : i32
      %dma_start3A_175 = arith.constant 1 : i32
      %dma_start3A_176 = arith.constant 56 : i32
      %dma_start3A_177 = arith.constant 0 : i32
      %dma_start3A_178 = tpu.memref_slice %arg7[%dma_start3A_176, %dma_start3A_177] : memref<96x129xf32, #tpu.memory_space<vmem>> -> memref<8x128xf32, #tpu.memory_space<vmem>>
      %dma_start3A_179 = arith.constant 0 : i32
      %dma_start3A_180 = arith.constant 0 : i32
      %dma_start3A_181 = tpu.memref_slice %arg2[%dma_start3A_175, %add3A_174, %dma_start3A_179, %dma_start3A_180] : memref<2x2500x8x128xf32, #tpu.memory_space<hbm>> -> memref<1x1x8x128xf32, #tpu.memory_space<hbm>>
      %dma_start3A_182 = tpu.memref_squeeze %dma_start3A_181 : memref<1x1x8x128xf32, #tpu.memory_space<hbm>> -> memref<8x128xf32, #tpu.memory_space<hbm>>
      %dma_start3A_183 = arith.constant 56 : i32
      %dma_start3A_184 = arith.constant 0 : i32
      %dma_start3A_185 = tpu.memref_slice %arg7[%dma_start3A_183, %dma_start3A_184] : memref<96x129xf32, #tpu.memory_space<vmem>> -> memref<8x128xf32, #tpu.memory_space<vmem>>
      %dma_start3A_186 = arith.constant 0 : i32
      %dma_start3A_187 = arith.constant 0 : i32
      %dma_start3A_188 = tpu.memref_slice %arg2[%dma_start3A_175, %add3A_174, %dma_start3A_186, %dma_start3A_187] : memref<2x2500x8x128xf32, #tpu.memory_space<hbm>> -> memref<1x1x8x128xf32, #tpu.memory_space<hbm>>
      %dma_start3A_189 = tpu.memref_squeeze %dma_start3A_188 : memref<1x1x8x128xf32, #tpu.memory_space<hbm>> -> memref<8x128xf32, #tpu.memory_space<hbm>>
      tpu.enqueue_dma source(%dma_start3A_189 : memref<8x128xf32, #tpu.memory_space<hbm>>) target(%dma_start3A_185 : memref<8x128xf32, #tpu.memory_space<vmem>>) target_semaphore(%arg12 : memref<!tpu.dma_semaphore, #tpu.memory_space<semaphore_mem>>)
      %add3A_190 = arith.constant 4 : i32
      %add3A_191 = arith.addi %add3A_47, %add3A_190 : i32
      %dma_start3A_192 = arith.constant 0 : i32
      %dma_start3A_193 = arith.constant 64 : i32
      %dma_start3A_194 = arith.constant 0 : i32
      %dma_start3A_195 = tpu.memref_slice %arg7[%dma_start3A_193, %dma_start3A_194] : memref<96x129xf32, #tpu.memory_space<vmem>> -> memref<8x128xf32, #tpu.memory_space<vmem>>
      %dma_start3A_196 = arith.constant 0 : i32
      %dma_start3A_197 = arith.constant 0 : i32
      %dma_start3A_198 = tpu.memref_slice %arg2[%dma_start3A_192, %add3A_191, %dma_start3A_196, %dma_start3A_197] : memref<2x2500x8x128xf32, #tpu.memory_space<hbm>> -> memref<1x1x8x128xf32, #tpu.memory_space<hbm>>
      %dma_start3A_199 = tpu.memref_squeeze %dma_start3A_198 : memref<1x1x8x128xf32, #tpu.memory_space<hbm>> -> memref<8x128xf32, #tpu.memory_space<hbm>>
      %dma_start3A_200 = arith.constant 64 : i32
      %dma_start3A_201 = arith.constant 0 : i32
      %dma_start3A_202 = tpu.memref_slice %arg7[%dma_start3A_200, %dma_start3A_201] : memref<96x129xf32, #tpu.memory_space<vmem>> -> memref<8x128xf32, #tpu.memory_space<vmem>>
      %dma_start3A_203 = arith.constant 0 : i32
      %dma_start3A_204 = arith.constant 0 : i32
      %dma_start3A_205 = tpu.memref_slice %arg2[%dma_start3A_192, %add3A_191, %dma_start3A_203, %dma_start3A_204] : memref<2x2500x8x128xf32, #tpu.memory_space<hbm>> -> memref<1x1x8x128xf32, #tpu.memory_space<hbm>>
      %dma_start3A_206 = tpu.memref_squeeze %dma_start3A_205 : memref<1x1x8x128xf32, #tpu.memory_space<hbm>> -> memref<8x128xf32, #tpu.memory_space<hbm>>
      tpu.enqueue_dma source(%dma_start3A_206 : memref<8x128xf32, #tpu.memory_space<hbm>>) target(%dma_start3A_202 : memref<8x128xf32, #tpu.memory_space<vmem>>) target_semaphore(%arg12 : memref<!tpu.dma_semaphore, #tpu.memory_space<semaphore_mem>>)
      %add3A_207 = arith.constant 4 : i32
      %add3A_208 = arith.addi %add3A_47, %add3A_207 : i32
      %dma_start3A_209 = arith.constant 1 : i32
      %dma_start3A_210 = arith.constant 72 : i32
      %dma_start3A_211 = arith.constant 0 : i32
      %dma_start3A_212 = tpu.memref_slice %arg7[%dma_start3A_210, %dma_start3A_211] : memref<96x129xf32, #tpu.memory_space<vmem>> -> memref<8x128xf32, #tpu.memory_space<vmem>>
      %dma_start3A_213 = arith.constant 0 : i32
      %dma_start3A_214 = arith.constant 0 : i32
      %dma_start3A_215 = tpu.memref_slice %arg2[%dma_start3A_209, %add3A_208, %dma_start3A_213, %dma_start3A_214] : memref<2x2500x8x128xf32, #tpu.memory_space<hbm>> -> memref<1x1x8x128xf32, #tpu.memory_space<hbm>>
      %dma_start3A_216 = tpu.memref_squeeze %dma_start3A_215 : memref<1x1x8x128xf32, #tpu.memory_space<hbm>> -> memref<8x128xf32, #tpu.memory_space<hbm>>
      %dma_start3A_217 = arith.constant 72 : i32
      %dma_start3A_218 = arith.constant 0 : i32
      %dma_start3A_219 = tpu.memref_slice %arg7[%dma_start3A_217, %dma_start3A_218] : memref<96x129xf32, #tpu.memory_space<vmem>> -> memref<8x128xf32, #tpu.memory_space<vmem>>
      %dma_start3A_220 = arith.constant 0 : i32
      %dma_start3A_221 = arith.constant 0 : i32
      %dma_start3A_222 = tpu.memref_slice %arg2[%dma_start3A_209, %add3A_208, %dma_start3A_220, %dma_start3A_221] : memref<2x2500x8x128xf32, #tpu.memory_space<hbm>> -> memref<1x1x8x128xf32, #tpu.memory_space<hbm>>
      %dma_start3A_223 = tpu.memref_squeeze %dma_start3A_222 : memref<1x1x8x128xf32, #tpu.memory_space<hbm>> -> memref<8x128xf32, #tpu.memory_space<hbm>>
      tpu.enqueue_dma source(%dma_start3A_223 : memref<8x128xf32, #tpu.memory_space<hbm>>) target(%dma_start3A_219 : memref<8x128xf32, #tpu.memory_space<vmem>>) target_semaphore(%arg12 : memref<!tpu.dma_semaphore, #tpu.memory_space<semaphore_mem>>)
      %add3A_224 = arith.constant 5 : i32
      %add3A_225 = arith.addi %add3A_47, %add3A_224 : i32
      %dma_start3A_226 = arith.constant 0 : i32
      %dma_start3A_227 = arith.constant 80 : i32
      %dma_start3A_228 = arith.constant 0 : i32
      %dma_start3A_229 = tpu.memref_slice %arg7[%dma_start3A_227, %dma_start3A_228] : memref<96x129xf32, #tpu.memory_space<vmem>> -> memref<8x128xf32, #tpu.memory_space<vmem>>
      %dma_start3A_230 = arith.constant 0 : i32
      %dma_start3A_231 = arith.constant 0 : i32
      %dma_start3A_232 = tpu.memref_slice %arg2[%dma_start3A_226, %add3A_225, %dma_start3A_230, %dma_start3A_231] : memref<2x2500x8x128xf32, #tpu.memory_space<hbm>> -> memref<1x1x8x128xf32, #tpu.memory_space<hbm>>
      %dma_start3A_233 = tpu.memref_squeeze %dma_start3A_232 : memref<1x1x8x128xf32, #tpu.memory_space<hbm>> -> memref<8x128xf32, #tpu.memory_space<hbm>>
      %dma_start3A_234 = arith.constant 80 : i32
      %dma_start3A_235 = arith.constant 0 : i32
      %dma_start3A_236 = tpu.memref_slice %arg7[%dma_start3A_234, %dma_start3A_235] : memref<96x129xf32, #tpu.memory_space<vmem>> -> memref<8x128xf32, #tpu.memory_space<vmem>>
      %dma_start3A_237 = arith.constant 0 : i32
      %dma_start3A_238 = arith.constant 0 : i32
      %dma_start3A_239 = tpu.memref_slice %arg2[%dma_start3A_226, %add3A_225, %dma_start3A_237, %dma_start3A_238] : memref<2x2500x8x128xf32, #tpu.memory_space<hbm>> -> memref<1x1x8x128xf32, #tpu.memory_space<hbm>>
      %dma_start3A_240 = tpu.memref_squeeze %dma_start3A_239 : memref<1x1x8x128xf32, #tpu.memory_space<hbm>> -> memref<8x128xf32, #tpu.memory_space<hbm>>
      tpu.enqueue_dma source(%dma_start3A_240 : memref<8x128xf32, #tpu.memory_space<hbm>>) target(%dma_start3A_236 : memref<8x128xf32, #tpu.memory_space<vmem>>) target_semaphore(%arg12 : memref<!tpu.dma_semaphore, #tpu.memory_space<semaphore_mem>>)
      %add3A_241 = arith.constant 5 : i32
      %add3A_242 = arith.addi %add3A_47, %add3A_241 : i32
      %dma_start3A_243 = arith.constant 1 : i32
      %dma_start3A_244 = arith.constant 88 : i32
      %dma_start3A_245 = arith.constant 0 : i32
      %dma_start3A_246 = tpu.memref_slice %arg7[%dma_start3A_244, %dma_start3A_245] : memref<96x129xf32, #tpu.memory_space<vmem>> -> memref<8x128xf32, #tpu.memory_space<vmem>>
      %dma_start3A_247 = arith.constant 0 : i32
      %dma_start3A_248 = arith.constant 0 : i32
      %dma_start3A_249 = tpu.memref_slice %arg2[%dma_start3A_243, %add3A_242, %dma_start3A_247, %dma_start3A_248] : memref<2x2500x8x128xf32, #tpu.memory_space<hbm>> -> memref<1x1x8x128xf32, #tpu.memory_space<hbm>>
      %dma_start3A_250 = tpu.memref_squeeze %dma_start3A_249 : memref<1x1x8x128xf32, #tpu.memory_space<hbm>> -> memref<8x128xf32, #tpu.memory_space<hbm>>
      %dma_start3A_251 = arith.constant 88 : i32
      %dma_start3A_252 = arith.constant 0 : i32
      %dma_start3A_253 = tpu.memref_slice %arg7[%dma_start3A_251, %dma_start3A_252] : memref<96x129xf32, #tpu.memory_space<vmem>> -> memref<8x128xf32, #tpu.memory_space<vmem>>
      %dma_start3A_254 = arith.constant 0 : i32
      %dma_start3A_255 = arith.constant 0 : i32
      %dma_start3A_256 = tpu.memref_slice %arg2[%dma_start3A_243, %add3A_242, %dma_start3A_254, %dma_start3A_255] : memref<2x2500x8x128xf32, #tpu.memory_space<hbm>> -> memref<1x1x8x128xf32, #tpu.memory_space<hbm>>
      %dma_start3A_257 = tpu.memref_squeeze %dma_start3A_256 : memref<1x1x8x128xf32, #tpu.memory_space<hbm>> -> memref<8x128xf32, #tpu.memory_space<hbm>>
      tpu.enqueue_dma source(%dma_start3A_257 : memref<8x128xf32, #tpu.memory_space<hbm>>) target(%dma_start3A_253 : memref<8x128xf32, #tpu.memory_space<vmem>>) target_semaphore(%arg12 : memref<!tpu.dma_semaphore, #tpu.memory_space<semaphore_mem>>)
      %dma_wait3A = arith.constant 0 : i32
      %dma_wait3A_258 = arith.constant 0 : i32
      %dma_wait3A_259 = tpu.memref_slice %arg3[%add3A_47, %dma_wait3A, %dma_wait3A_258] : memref<2500x2x128xi32, #tpu.memory_space<hbm>> -> memref<6x1x128xi32, #tpu.memory_space<hbm>>
      %dma_wait3A_260 = tpu.memref_squeeze %dma_wait3A_259 : memref<6x1x128xi32, #tpu.memory_space<hbm>> -> memref<6x128xi32, #tpu.memory_space<hbm>>
      %dma_wait3A_261 = arith.constant 0 : i32
      %dma_wait3A_262 = tpu.memref_slice %arg3[%add3A_47, %dma_wait3A, %dma_wait3A_261] : memref<2500x2x128xi32, #tpu.memory_space<hbm>> -> memref<6x1x128xi32, #tpu.memory_space<hbm>>
      %dma_wait3A_263 = tpu.memref_squeeze %dma_wait3A_262 : memref<6x1x128xi32, #tpu.memory_space<hbm>> -> memref<6x128xi32, #tpu.memory_space<hbm>>
      tpu.wait_dma2 semaphore(%arg12 : memref<!tpu.dma_semaphore, #tpu.memory_space<semaphore_mem>>) src(%dma_wait3A_263 : memref<6x128xi32, #tpu.memory_space<hbm>>) dst(%arg8 : memref<6x128xi32, #tpu.memory_space<vmem>>)
      %dma_wait3A_264 = arith.constant 0 : i32
      %dma_wait3A_265 = arith.constant 0 : i32
      %dma_wait3A_266 = arith.constant 0 : i32
      %dma_wait3A_267 = tpu.memref_slice %arg7[%dma_wait3A_265, %dma_wait3A_266] : memref<96x129xf32, #tpu.memory_space<vmem>> -> memref<8x128xf32, #tpu.memory_space<vmem>>
      %dma_wait3A_268 = arith.constant 0 : i32
      %dma_wait3A_269 = arith.constant 0 : i32
      %dma_wait3A_270 = tpu.memref_slice %arg2[%dma_wait3A_264, %add3A_55, %dma_wait3A_268, %dma_wait3A_269] : memref<2x2500x8x128xf32, #tpu.memory_space<hbm>> -> memref<1x1x8x128xf32, #tpu.memory_space<hbm>>
      %dma_wait3A_271 = tpu.memref_squeeze %dma_wait3A_270 : memref<1x1x8x128xf32, #tpu.memory_space<hbm>> -> memref<8x128xf32, #tpu.memory_space<hbm>>
      %dma_wait3A_272 = arith.constant 0 : i32
      %dma_wait3A_273 = arith.constant 0 : i32
      %dma_wait3A_274 = tpu.memref_slice %arg7[%dma_wait3A_272, %dma_wait3A_273] : memref<96x129xf32, #tpu.memory_space<vmem>> -> memref<8x128xf32, #tpu.memory_space<vmem>>
      %dma_wait3A_275 = arith.constant 0 : i32
      %dma_wait3A_276 = arith.constant 0 : i32
      %dma_wait3A_277 = tpu.memref_slice %arg2[%dma_wait3A_264, %add3A_55, %dma_wait3A_275, %dma_wait3A_276] : memref<2x2500x8x128xf32, #tpu.memory_space<hbm>> -> memref<1x1x8x128xf32, #tpu.memory_space<hbm>>
      %dma_wait3A_278 = tpu.memref_squeeze %dma_wait3A_277 : memref<1x1x8x128xf32, #tpu.memory_space<hbm>> -> memref<8x128xf32, #tpu.memory_space<hbm>>
      tpu.wait_dma2 semaphore(%arg12 : memref<!tpu.dma_semaphore, #tpu.memory_space<semaphore_mem>>) src(%dma_wait3A_278 : memref<8x128xf32, #tpu.memory_space<hbm>>) dst(%dma_wait3A_274 : memref<8x128xf32, #tpu.memory_space<vmem>>)
      %dma_wait3A_279 = arith.constant 1 : i32
      %dma_wait3A_280 = arith.constant 8 : i32
      %dma_wait3A_281 = arith.constant 0 : i32
      %dma_wait3A_282 = tpu.memref_slice %arg7[%dma_wait3A_280, %dma_wait3A_281] : memref<96x129xf32, #tpu.memory_space<vmem>> -> memref<8x128xf32, #tpu.memory_space<vmem>>
      %dma_wait3A_283 = arith.constant 0 : i32
      %dma_wait3A_284 = arith.constant 0 : i32
      %dma_wait3A_285 = tpu.memref_slice %arg2[%dma_wait3A_279, %add3A_72, %dma_wait3A_283, %dma_wait3A_284] : memref<2x2500x8x128xf32, #tpu.memory_space<hbm>> -> memref<1x1x8x128xf32, #tpu.memory_space<hbm>>
      %dma_wait3A_286 = tpu.memref_squeeze %dma_wait3A_285 : memref<1x1x8x128xf32, #tpu.memory_space<hbm>> -> memref<8x128xf32, #tpu.memory_space<hbm>>
      %dma_wait3A_287 = arith.constant 8 : i32
      %dma_wait3A_288 = arith.constant 0 : i32
      %dma_wait3A_289 = tpu.memref_slice %arg7[%dma_wait3A_287, %dma_wait3A_288] : memref<96x129xf32, #tpu.memory_space<vmem>> -> memref<8x128xf32, #tpu.memory_space<vmem>>
      %dma_wait3A_290 = arith.constant 0 : i32
      %dma_wait3A_291 = arith.constant 0 : i32
      %dma_wait3A_292 = tpu.memref_slice %arg2[%dma_wait3A_279, %add3A_72, %dma_wait3A_290, %dma_wait3A_291] : memref<2x2500x8x128xf32, #tpu.memory_space<hbm>> -> memref<1x1x8x128xf32, #tpu.memory_space<hbm>>
      %dma_wait3A_293 = tpu.memref_squeeze %dma_wait3A_292 : memref<1x1x8x128xf32, #tpu.memory_space<hbm>> -> memref<8x128xf32, #tpu.memory_space<hbm>>
      tpu.wait_dma2 semaphore(%arg12 : memref<!tpu.dma_semaphore, #tpu.memory_space<semaphore_mem>>) src(%dma_wait3A_293 : memref<8x128xf32, #tpu.memory_space<hbm>>) dst(%dma_wait3A_289 : memref<8x128xf32, #tpu.memory_space<vmem>>)
      %dma_wait3A_294 = arith.constant 0 : i32
      %dma_wait3A_295 = arith.constant 16 : i32
      %dma_wait3A_296 = arith.constant 0 : i32
      %dma_wait3A_297 = tpu.memref_slice %arg7[%dma_wait3A_295, %dma_wait3A_296] : memref<96x129xf32, #tpu.memory_space<vmem>> -> memref<8x128xf32, #tpu.memory_space<vmem>>
      %dma_wait3A_298 = arith.constant 0 : i32
      %dma_wait3A_299 = arith.constant 0 : i32
      %dma_wait3A_300 = tpu.memref_slice %arg2[%dma_wait3A_294, %add3A_89, %dma_wait3A_298, %dma_wait3A_299] : memref<2x2500x8x128xf32, #tpu.memory_space<hbm>> -> memref<1x1x8x128xf32, #tpu.memory_space<hbm>>
      %dma_wait3A_301 = tpu.memref_squeeze %dma_wait3A_300 : memref<1x1x8x128xf32, #tpu.memory_space<hbm>> -> memref<8x128xf32, #tpu.memory_space<hbm>>
      %dma_wait3A_302 = arith.constant 16 : i32
      %dma_wait3A_303 = arith.constant 0 : i32
      %dma_wait3A_304 = tpu.memref_slice %arg7[%dma_wait3A_302, %dma_wait3A_303] : memref<96x129xf32, #tpu.memory_space<vmem>> -> memref<8x128xf32, #tpu.memory_space<vmem>>
      %dma_wait3A_305 = arith.constant 0 : i32
      %dma_wait3A_306 = arith.constant 0 : i32
      %dma_wait3A_307 = tpu.memref_slice %arg2[%dma_wait3A_294, %add3A_89, %dma_wait3A_305, %dma_wait3A_306] : memref<2x2500x8x128xf32, #tpu.memory_space<hbm>> -> memref<1x1x8x128xf32, #tpu.memory_space<hbm>>
      %dma_wait3A_308 = tpu.memref_squeeze %dma_wait3A_307 : memref<1x1x8x128xf32, #tpu.memory_space<hbm>> -> memref<8x128xf32, #tpu.memory_space<hbm>>
      tpu.wait_dma2 semaphore(%arg12 : memref<!tpu.dma_semaphore, #tpu.memory_space<semaphore_mem>>) src(%dma_wait3A_308 : memref<8x128xf32, #tpu.memory_space<hbm>>) dst(%dma_wait3A_304 : memref<8x128xf32, #tpu.memory_space<vmem>>)
      %dma_wait3A_309 = arith.constant 1 : i32
      %dma_wait3A_310 = arith.constant 24 : i32
      %dma_wait3A_311 = arith.constant 0 : i32
      %dma_wait3A_312 = tpu.memref_slice %arg7[%dma_wait3A_310, %dma_wait3A_311] : memref<96x129xf32, #tpu.memory_space<vmem>> -> memref<8x128xf32, #tpu.memory_space<vmem>>
      %dma_wait3A_313 = arith.constant 0 : i32
      %dma_wait3A_314 = arith.constant 0 : i32
      %dma_wait3A_315 = tpu.memref_slice %arg2[%dma_wait3A_309, %add3A_106, %dma_wait3A_313, %dma_wait3A_314] : memref<2x2500x8x128xf32, #tpu.memory_space<hbm>> -> memref<1x1x8x128xf32, #tpu.memory_space<hbm>>
      %dma_wait3A_316 = tpu.memref_squeeze %dma_wait3A_315 : memref<1x1x8x128xf32, #tpu.memory_space<hbm>> -> memref<8x128xf32, #tpu.memory_space<hbm>>
      %dma_wait3A_317 = arith.constant 24 : i32
      %dma_wait3A_318 = arith.constant 0 : i32
      %dma_wait3A_319 = tpu.memref_slice %arg7[%dma_wait3A_317, %dma_wait3A_318] : memref<96x129xf32, #tpu.memory_space<vmem>> -> memref<8x128xf32, #tpu.memory_space<vmem>>
      %dma_wait3A_320 = arith.constant 0 : i32
      %dma_wait3A_321 = arith.constant 0 : i32
      %dma_wait3A_322 = tpu.memref_slice %arg2[%dma_wait3A_309, %add3A_106, %dma_wait3A_320, %dma_wait3A_321] : memref<2x2500x8x128xf32, #tpu.memory_space<hbm>> -> memref<1x1x8x128xf32, #tpu.memory_space<hbm>>
      %dma_wait3A_323 = tpu.memref_squeeze %dma_wait3A_322 : memref<1x1x8x128xf32, #tpu.memory_space<hbm>> -> memref<8x128xf32, #tpu.memory_space<hbm>>
      tpu.wait_dma2 semaphore(%arg12 : memref<!tpu.dma_semaphore, #tpu.memory_space<semaphore_mem>>) src(%dma_wait3A_323 : memref<8x128xf32, #tpu.memory_space<hbm>>) dst(%dma_wait3A_319 : memref<8x128xf32, #tpu.memory_space<vmem>>)
      %dma_wait3A_324 = arith.constant 0 : i32
      %dma_wait3A_325 = arith.constant 32 : i32
      %dma_wait3A_326 = arith.constant 0 : i32
      %dma_wait3A_327 = tpu.memref_slice %arg7[%dma_wait3A_325, %dma_wait3A_326] : memref<96x129xf32, #tpu.memory_space<vmem>> -> memref<8x128xf32, #tpu.memory_space<vmem>>
      %dma_wait3A_328 = arith.constant 0 : i32
      %dma_wait3A_329 = arith.constant 0 : i32
      %dma_wait3A_330 = tpu.memref_slice %arg2[%dma_wait3A_324, %add3A_123, %dma_wait3A_328, %dma_wait3A_329] : memref<2x2500x8x128xf32, #tpu.memory_space<hbm>> -> memref<1x1x8x128xf32, #tpu.memory_space<hbm>>
      %dma_wait3A_331 = tpu.memref_squeeze %dma_wait3A_330 : memref<1x1x8x128xf32, #tpu.memory_space<hbm>> -> memref<8x128xf32, #tpu.memory_space<hbm>>
      %dma_wait3A_332 = arith.constant 32 : i32
      %dma_wait3A_333 = arith.constant 0 : i32
      %dma_wait3A_334 = tpu.memref_slice %arg7[%dma_wait3A_332, %dma_wait3A_333] : memref<96x129xf32, #tpu.memory_space<vmem>> -> memref<8x128xf32, #tpu.memory_space<vmem>>
      %dma_wait3A_335 = arith.constant 0 : i32
      %dma_wait3A_336 = arith.constant 0 : i32
      %dma_wait3A_337 = tpu.memref_slice %arg2[%dma_wait3A_324, %add3A_123, %dma_wait3A_335, %dma_wait3A_336] : memref<2x2500x8x128xf32, #tpu.memory_space<hbm>> -> memref<1x1x8x128xf32, #tpu.memory_space<hbm>>
      %dma_wait3A_338 = tpu.memref_squeeze %dma_wait3A_337 : memref<1x1x8x128xf32, #tpu.memory_space<hbm>> -> memref<8x128xf32, #tpu.memory_space<hbm>>
      tpu.wait_dma2 semaphore(%arg12 : memref<!tpu.dma_semaphore, #tpu.memory_space<semaphore_mem>>) src(%dma_wait3A_338 : memref<8x128xf32, #tpu.memory_space<hbm>>) dst(%dma_wait3A_334 : memref<8x128xf32, #tpu.memory_space<vmem>>)
      %dma_wait3A_339 = arith.constant 1 : i32
      %dma_wait3A_340 = arith.constant 40 : i32
      %dma_wait3A_341 = arith.constant 0 : i32
      %dma_wait3A_342 = tpu.memref_slice %arg7[%dma_wait3A_340, %dma_wait3A_341] : memref<96x129xf32, #tpu.memory_space<vmem>> -> memref<8x128xf32, #tpu.memory_space<vmem>>
      %dma_wait3A_343 = arith.constant 0 : i32
      %dma_wait3A_344 = arith.constant 0 : i32
      %dma_wait3A_345 = tpu.memref_slice %arg2[%dma_wait3A_339, %add3A_140, %dma_wait3A_343, %dma_wait3A_344] : memref<2x2500x8x128xf32, #tpu.memory_space<hbm>> -> memref<1x1x8x128xf32, #tpu.memory_space<hbm>>
      %dma_wait3A_346 = tpu.memref_squeeze %dma_wait3A_345 : memref<1x1x8x128xf32, #tpu.memory_space<hbm>> -> memref<8x128xf32, #tpu.memory_space<hbm>>
      %dma_wait3A_347 = arith.constant 40 : i32
      %dma_wait3A_348 = arith.constant 0 : i32
      %dma_wait3A_349 = tpu.memref_slice %arg7[%dma_wait3A_347, %dma_wait3A_348] : memref<96x129xf32, #tpu.memory_space<vmem>> -> memref<8x128xf32, #tpu.memory_space<vmem>>
      %dma_wait3A_350 = arith.constant 0 : i32
      %dma_wait3A_351 = arith.constant 0 : i32
      %dma_wait3A_352 = tpu.memref_slice %arg2[%dma_wait3A_339, %add3A_140, %dma_wait3A_350, %dma_wait3A_351] : memref<2x2500x8x128xf32, #tpu.memory_space<hbm>> -> memref<1x1x8x128xf32, #tpu.memory_space<hbm>>
      %dma_wait3A_353 = tpu.memref_squeeze %dma_wait3A_352 : memref<1x1x8x128xf32, #tpu.memory_space<hbm>> -> memref<8x128xf32, #tpu.memory_space<hbm>>
      tpu.wait_dma2 semaphore(%arg12 : memref<!tpu.dma_semaphore, #tpu.memory_space<semaphore_mem>>) src(%dma_wait3A_353 : memref<8x128xf32, #tpu.memory_space<hbm>>) dst(%dma_wait3A_349 : memref<8x128xf32, #tpu.memory_space<vmem>>)
      %dma_wait3A_354 = arith.constant 0 : i32
      %dma_wait3A_355 = arith.constant 48 : i32
      %dma_wait3A_356 = arith.constant 0 : i32
      %dma_wait3A_357 = tpu.memref_slice %arg7[%dma_wait3A_355, %dma_wait3A_356] : memref<96x129xf32, #tpu.memory_space<vmem>> -> memref<8x128xf32, #tpu.memory_space<vmem>>
      %dma_wait3A_358 = arith.constant 0 : i32
      %dma_wait3A_359 = arith.constant 0 : i32
      %dma_wait3A_360 = tpu.memref_slice %arg2[%dma_wait3A_354, %add3A_157, %dma_wait3A_358, %dma_wait3A_359] : memref<2x2500x8x128xf32, #tpu.memory_space<hbm>> -> memref<1x1x8x128xf32, #tpu.memory_space<hbm>>
      %dma_wait3A_361 = tpu.memref_squeeze %dma_wait3A_360 : memref<1x1x8x128xf32, #tpu.memory_space<hbm>> -> memref<8x128xf32, #tpu.memory_space<hbm>>
      %dma_wait3A_362 = arith.constant 48 : i32
      %dma_wait3A_363 = arith.constant 0 : i32
      %dma_wait3A_364 = tpu.memref_slice %arg7[%dma_wait3A_362, %dma_wait3A_363] : memref<96x129xf32, #tpu.memory_space<vmem>> -> memref<8x128xf32, #tpu.memory_space<vmem>>
      %dma_wait3A_365 = arith.constant 0 : i32
      %dma_wait3A_366 = arith.constant 0 : i32
      %dma_wait3A_367 = tpu.memref_slice %arg2[%dma_wait3A_354, %add3A_157, %dma_wait3A_365, %dma_wait3A_366] : memref<2x2500x8x128xf32, #tpu.memory_space<hbm>> -> memref<1x1x8x128xf32, #tpu.memory_space<hbm>>
      %dma_wait3A_368 = tpu.memref_squeeze %dma_wait3A_367 : memref<1x1x8x128xf32, #tpu.memory_space<hbm>> -> memref<8x128xf32, #tpu.memory_space<hbm>>
      tpu.wait_dma2 semaphore(%arg12 : memref<!tpu.dma_semaphore, #tpu.memory_space<semaphore_mem>>) src(%dma_wait3A_368 : memref<8x128xf32, #tpu.memory_space<hbm>>) dst(%dma_wait3A_364 : memref<8x128xf32, #tpu.memory_space<vmem>>)
      %dma_wait3A_369 = arith.constant 1 : i32
      %dma_wait3A_370 = arith.constant 56 : i32
      %dma_wait3A_371 = arith.constant 0 : i32
      %dma_wait3A_372 = tpu.memref_slice %arg7[%dma_wait3A_370, %dma_wait3A_371] : memref<96x129xf32, #tpu.memory_space<vmem>> -> memref<8x128xf32, #tpu.memory_space<vmem>>
      %dma_wait3A_373 = arith.constant 0 : i32
      %dma_wait3A_374 = arith.constant 0 : i32
      %dma_wait3A_375 = tpu.memref_slice %arg2[%dma_wait3A_369, %add3A_174, %dma_wait3A_373, %dma_wait3A_374] : memref<2x2500x8x128xf32, #tpu.memory_space<hbm>> -> memref<1x1x8x128xf32, #tpu.memory_space<hbm>>
      %dma_wait3A_376 = tpu.memref_squeeze %dma_wait3A_375 : memref<1x1x8x128xf32, #tpu.memory_space<hbm>> -> memref<8x128xf32, #tpu.memory_space<hbm>>
      %dma_wait3A_377 = arith.constant 56 : i32
      %dma_wait3A_378 = arith.constant 0 : i32
      %dma_wait3A_379 = tpu.memref_slice %arg7[%dma_wait3A_377, %dma_wait3A_378] : memref<96x129xf32, #tpu.memory_space<vmem>> -> memref<8x128xf32, #tpu.memory_space<vmem>>
      %dma_wait3A_380 = arith.constant 0 : i32
      %dma_wait3A_381 = arith.constant 0 : i32
      %dma_wait3A_382 = tpu.memref_slice %arg2[%dma_wait3A_369, %add3A_174, %dma_wait3A_380, %dma_wait3A_381] : memref<2x2500x8x128xf32, #tpu.memory_space<hbm>> -> memref<1x1x8x128xf32, #tpu.memory_space<hbm>>
      %dma_wait3A_383 = tpu.memref_squeeze %dma_wait3A_382 : memref<1x1x8x128xf32, #tpu.memory_space<hbm>> -> memref<8x128xf32, #tpu.memory_space<hbm>>
      tpu.wait_dma2 semaphore(%arg12 : memref<!tpu.dma_semaphore, #tpu.memory_space<semaphore_mem>>) src(%dma_wait3A_383 : memref<8x128xf32, #tpu.memory_space<hbm>>) dst(%dma_wait3A_379 : memref<8x128xf32, #tpu.memory_space<vmem>>)
      %dma_wait3A_384 = arith.constant 0 : i32
      %dma_wait3A_385 = arith.constant 64 : i32
      %dma_wait3A_386 = arith.constant 0 : i32
      %dma_wait3A_387 = tpu.memref_slice %arg7[%dma_wait3A_385, %dma_wait3A_386] : memref<96x129xf32, #tpu.memory_space<vmem>> -> memref<8x128xf32, #tpu.memory_space<vmem>>
      %dma_wait3A_388 = arith.constant 0 : i32
      %dma_wait3A_389 = arith.constant 0 : i32
      %dma_wait3A_390 = tpu.memref_slice %arg2[%dma_wait3A_384, %add3A_191, %dma_wait3A_388, %dma_wait3A_389] : memref<2x2500x8x128xf32, #tpu.memory_space<hbm>> -> memref<1x1x8x128xf32, #tpu.memory_space<hbm>>
      %dma_wait3A_391 = tpu.memref_squeeze %dma_wait3A_390 : memref<1x1x8x128xf32, #tpu.memory_space<hbm>> -> memref<8x128xf32, #tpu.memory_space<hbm>>
      %dma_wait3A_392 = arith.constant 64 : i32
      %dma_wait3A_393 = arith.constant 0 : i32
      %dma_wait3A_394 = tpu.memref_slice %arg7[%dma_wait3A_392, %dma_wait3A_393] : memref<96x129xf32, #tpu.memory_space<vmem>> -> memref<8x128xf32, #tpu.memory_space<vmem>>
      %dma_wait3A_395 = arith.constant 0 : i32
      %dma_wait3A_396 = arith.constant 0 : i32
      %dma_wait3A_397 = tpu.memref_slice %arg2[%dma_wait3A_384, %add3A_191, %dma_wait3A_395, %dma_wait3A_396] : memref<2x2500x8x128xf32, #tpu.memory_space<hbm>> -> memref<1x1x8x128xf32, #tpu.memory_space<hbm>>
      %dma_wait3A_398 = tpu.memref_squeeze %dma_wait3A_397 : memref<1x1x8x128xf32, #tpu.memory_space<hbm>> -> memref<8x128xf32, #tpu.memory_space<hbm>>
      tpu.wait_dma2 semaphore(%arg12 : memref<!tpu.dma_semaphore, #tpu.memory_space<semaphore_mem>>) src(%dma_wait3A_398 : memref<8x128xf32, #tpu.memory_space<hbm>>) dst(%dma_wait3A_394 : memref<8x128xf32, #tpu.memory_space<vmem>>)
      %dma_wait3A_399 = arith.constant 1 : i32
      %dma_wait3A_400 = arith.constant 72 : i32
      %dma_wait3A_401 = arith.constant 0 : i32
      %dma_wait3A_402 = tpu.memref_slice %arg7[%dma_wait3A_400, %dma_wait3A_401] : memref<96x129xf32, #tpu.memory_space<vmem>> -> memref<8x128xf32, #tpu.memory_space<vmem>>
      %dma_wait3A_403 = arith.constant 0 : i32
      %dma_wait3A_404 = arith.constant 0 : i32
      %dma_wait3A_405 = tpu.memref_slice %arg2[%dma_wait3A_399, %add3A_208, %dma_wait3A_403, %dma_wait3A_404] : memref<2x2500x8x128xf32, #tpu.memory_space<hbm>> -> memref<1x1x8x128xf32, #tpu.memory_space<hbm>>
      %dma_wait3A_406 = tpu.memref_squeeze %dma_wait3A_405 : memref<1x1x8x128xf32, #tpu.memory_space<hbm>> -> memref<8x128xf32, #tpu.memory_space<hbm>>
      %dma_wait3A_407 = arith.constant 72 : i32
      %dma_wait3A_408 = arith.constant 0 : i32
      %dma_wait3A_409 = tpu.memref_slice %arg7[%dma_wait3A_407, %dma_wait3A_408] : memref<96x129xf32, #tpu.memory_space<vmem>> -> memref<8x128xf32, #tpu.memory_space<vmem>>
      %dma_wait3A_410 = arith.constant 0 : i32
      %dma_wait3A_411 = arith.constant 0 : i32
      %dma_wait3A_412 = tpu.memref_slice %arg2[%dma_wait3A_399, %add3A_208, %dma_wait3A_410, %dma_wait3A_411] : memref<2x2500x8x128xf32, #tpu.memory_space<hbm>> -> memref<1x1x8x128xf32, #tpu.memory_space<hbm>>
      %dma_wait3A_413 = tpu.memref_squeeze %dma_wait3A_412 : memref<1x1x8x128xf32, #tpu.memory_space<hbm>> -> memref<8x128xf32, #tpu.memory_space<hbm>>
      tpu.wait_dma2 semaphore(%arg12 : memref<!tpu.dma_semaphore, #tpu.memory_space<semaphore_mem>>) src(%dma_wait3A_413 : memref<8x128xf32, #tpu.memory_space<hbm>>) dst(%dma_wait3A_409 : memref<8x128xf32, #tpu.memory_space<vmem>>)
      %dma_wait3A_414 = arith.constant 0 : i32
      %dma_wait3A_415 = arith.constant 80 : i32
      %dma_wait3A_416 = arith.constant 0 : i32
      %dma_wait3A_417 = tpu.memref_slice %arg7[%dma_wait3A_415, %dma_wait3A_416] : memref<96x129xf32, #tpu.memory_space<vmem>> -> memref<8x128xf32, #tpu.memory_space<vmem>>
      %dma_wait3A_418 = arith.constant 0 : i32
      %dma_wait3A_419 = arith.constant 0 : i32
      %dma_wait3A_420 = tpu.memref_slice %arg2[%dma_wait3A_414, %add3A_225, %dma_wait3A_418, %dma_wait3A_419] : memref<2x2500x8x128xf32, #tpu.memory_space<hbm>> -> memref<1x1x8x128xf32, #tpu.memory_space<hbm>>
      %dma_wait3A_421 = tpu.memref_squeeze %dma_wait3A_420 : memref<1x1x8x128xf32, #tpu.memory_space<hbm>> -> memref<8x128xf32, #tpu.memory_space<hbm>>
      %dma_wait3A_422 = arith.constant 80 : i32
      %dma_wait3A_423 = arith.constant 0 : i32
      %dma_wait3A_424 = tpu.memref_slice %arg7[%dma_wait3A_422, %dma_wait3A_423] : memref<96x129xf32, #tpu.memory_space<vmem>> -> memref<8x128xf32, #tpu.memory_space<vmem>>
      %dma_wait3A_425 = arith.constant 0 : i32
      %dma_wait3A_426 = arith.constant 0 : i32
      %dma_wait3A_427 = tpu.memref_slice %arg2[%dma_wait3A_414, %add3A_225, %dma_wait3A_425, %dma_wait3A_426] : memref<2x2500x8x128xf32, #tpu.memory_space<hbm>> -> memref<1x1x8x128xf32, #tpu.memory_space<hbm>>
      %dma_wait3A_428 = tpu.memref_squeeze %dma_wait3A_427 : memref<1x1x8x128xf32, #tpu.memory_space<hbm>> -> memref<8x128xf32, #tpu.memory_space<hbm>>
      tpu.wait_dma2 semaphore(%arg12 : memref<!tpu.dma_semaphore, #tpu.memory_space<semaphore_mem>>) src(%dma_wait3A_428 : memref<8x128xf32, #tpu.memory_space<hbm>>) dst(%dma_wait3A_424 : memref<8x128xf32, #tpu.memory_space<vmem>>)
      %dma_wait3A_429 = arith.constant 1 : i32
      %dma_wait3A_430 = arith.constant 88 : i32
      %dma_wait3A_431 = arith.constant 0 : i32
      %dma_wait3A_432 = tpu.memref_slice %arg7[%dma_wait3A_430, %dma_wait3A_431] : memref<96x129xf32, #tpu.memory_space<vmem>> -> memref<8x128xf32, #tpu.memory_space<vmem>>
      %dma_wait3A_433 = arith.constant 0 : i32
      %dma_wait3A_434 = arith.constant 0 : i32
      %dma_wait3A_435 = tpu.memref_slice %arg2[%dma_wait3A_429, %add3A_242, %dma_wait3A_433, %dma_wait3A_434] : memref<2x2500x8x128xf32, #tpu.memory_space<hbm>> -> memref<1x1x8x128xf32, #tpu.memory_space<hbm>>
      %dma_wait3A_436 = tpu.memref_squeeze %dma_wait3A_435 : memref<1x1x8x128xf32, #tpu.memory_space<hbm>> -> memref<8x128xf32, #tpu.memory_space<hbm>>
      %dma_wait3A_437 = arith.constant 88 : i32
      %dma_wait3A_438 = arith.constant 0 : i32
      %dma_wait3A_439 = tpu.memref_slice %arg7[%dma_wait3A_437, %dma_wait3A_438] : memref<96x129xf32, #tpu.memory_space<vmem>> -> memref<8x128xf32, #tpu.memory_space<vmem>>
      %dma_wait3A_440 = arith.constant 0 : i32
      %dma_wait3A_441 = arith.constant 0 : i32
      %dma_wait3A_442 = tpu.memref_slice %arg2[%dma_wait3A_429, %add3A_242, %dma_wait3A_440, %dma_wait3A_441] : memref<2x2500x8x128xf32, #tpu.memory_space<hbm>> -> memref<1x1x8x128xf32, #tpu.memory_space<hbm>>
      %dma_wait3A_443 = tpu.memref_squeeze %dma_wait3A_442 : memref<1x1x8x128xf32, #tpu.memory_space<hbm>> -> memref<8x128xf32, #tpu.memory_space<hbm>>
      tpu.wait_dma2 semaphore(%arg12 : memref<!tpu.dma_semaphore, #tpu.memory_space<semaphore_mem>>) src(%dma_wait3A_443 : memref<8x128xf32, #tpu.memory_space<hbm>>) dst(%dma_wait3A_439 : memref<8x128xf32, #tpu.memory_space<vmem>>)
      %broadcast_in_dim3A_444 = arith.constant 0 : i32
      %broadcast_in_dim3A_445 = vector.broadcast %broadcast_in_dim3A_444 : i32 to vector<16xi32>
      %add3A_446 = arith.addi %iota3A, %broadcast_in_dim3A_445 : vector<16xi32>
      %broadcast_in_dim3A_447 = arith.constant 16 : i32
      %broadcast_in_dim3A_448 = vector.broadcast %broadcast_in_dim3A_447 : i32 to vector<16xi32>
      %add3A_449 = arith.addi %iota3A, %broadcast_in_dim3A_448 : vector<16xi32>
      %broadcast_in_dim3A_450 = arith.constant 32 : i32
      %broadcast_in_dim3A_451 = vector.broadcast %broadcast_in_dim3A_450 : i32 to vector<16xi32>
      %add3A_452 = arith.addi %iota3A, %broadcast_in_dim3A_451 : vector<16xi32>
      %broadcast_in_dim3A_453 = arith.constant 48 : i32
      %broadcast_in_dim3A_454 = vector.broadcast %broadcast_in_dim3A_453 : i32 to vector<16xi32>
      %add3A_455 = arith.addi %iota3A, %broadcast_in_dim3A_454 : vector<16xi32>
      %broadcast_in_dim3A_456 = arith.constant 64 : i32
      %broadcast_in_dim3A_457 = vector.broadcast %broadcast_in_dim3A_456 : i32 to vector<16xi32>
      %add3A_458 = arith.addi %iota3A, %broadcast_in_dim3A_457 : vector<16xi32>
      %broadcast_in_dim3A_459 = arith.constant 80 : i32
      %broadcast_in_dim3A_460 = vector.broadcast %broadcast_in_dim3A_459 : i32 to vector<16xi32>
      %add3A_461 = arith.addi %iota3A, %broadcast_in_dim3A_460 : vector<16xi32>
      %broadcast_in_dim3A_462 = arith.constant 0 : i32
      %broadcast_in_dim3A_463 = vector.broadcast %broadcast_in_dim3A_462 : i32 to vector<16xi32>
      %scan3A_464 = arith.constant 0 : i32
      %scan3A_465 = arith.constant 32 : i32
      %scan3A_466 = arith.addi %scan3A_464, %scan3A_465 : i32
      %scan3A_467 = arith.constant 1 : i32
      %scan3A_468 = scf.for %scan3A_686 = %scan3A_464 to %scan3A_466 step %scan3A_467 iter_args(%scan3A_687 = %broadcast_in_dim3A_463) -> (vector<16xi32>)  : i32 {
        %mul3A_688 = arith.constant 4 : i32
        %mul3A_689 = arith.muli %scan3A_686, %mul3A_688 : i32
        %gather3A = tpu.vector_load_idx %arg7[%add3A_446, %scan3A_687] : memref<96x129xf32, #tpu.memory_space<vmem>>[vector<16xi32>, vector<16xi32>], vector<16xf32>,
        %gather3A_690 = tpu.vector_load_idx %arg7[%add3A_449, %scan3A_687] : memref<96x129xf32, #tpu.memory_space<vmem>>[vector<16xi32>, vector<16xi32>], vector<16xf32>,
        %gather3A_691 = tpu.vector_load_idx %arg7[%add3A_452, %scan3A_687] : memref<96x129xf32, #tpu.memory_space<vmem>>[vector<16xi32>, vector<16xi32>], vector<16xf32>,
        %gather3A_692 = tpu.vector_load_idx %arg7[%add3A_455, %scan3A_687] : memref<96x129xf32, #tpu.memory_space<vmem>>[vector<16xi32>, vector<16xi32>], vector<16xf32>,
        %gather3A_693 = tpu.vector_load_idx %arg7[%add3A_458, %scan3A_687] : memref<96x129xf32, #tpu.memory_space<vmem>>[vector<16xi32>, vector<16xi32>], vector<16xf32>,
        %gather3A_694 = tpu.vector_load_idx %arg7[%add3A_461, %scan3A_687] : memref<96x129xf32, #tpu.memory_space<vmem>>[vector<16xi32>, vector<16xi32>], vector<16xf32>,
        %add3A_695 = arith.addi %scan3A_687, %broadcast_in_dim3A_24 : vector<16xi32>
        %gather3A_696 = tpu.vector_load_idx %arg7[%add3A_446, %add3A_695] : memref<96x129xf32, #tpu.memory_space<vmem>>[vector<16xi32>, vector<16xi32>], vector<16xf32>,
        %gather3A_697 = tpu.vector_load_idx %arg7[%add3A_449, %add3A_695] : memref<96x129xf32, #tpu.memory_space<vmem>>[vector<16xi32>, vector<16xi32>], vector<16xf32>,
        %gather3A_698 = tpu.vector_load_idx %arg7[%add3A_452, %add3A_695] : memref<96x129xf32, #tpu.memory_space<vmem>>[vector<16xi32>, vector<16xi32>], vector<16xf32>,
        %gather3A_699 = tpu.vector_load_idx %arg7[%add3A_455, %add3A_695] : memref<96x129xf32, #tpu.memory_space<vmem>>[vector<16xi32>, vector<16xi32>], vector<16xf32>,
        %gather3A_700 = tpu.vector_load_idx %arg7[%add3A_458, %add3A_695] : memref<96x129xf32, #tpu.memory_space<vmem>>[vector<16xi32>, vector<16xi32>], vector<16xf32>,
        %gather3A_701 = tpu.vector_load_idx %arg7[%add3A_461, %add3A_695] : memref<96x129xf32, #tpu.memory_space<vmem>>[vector<16xi32>, vector<16xi32>], vector<16xf32>,
        %add3A_702 = arith.addi %add3A_695, %broadcast_in_dim3A_24 : vector<16xi32>
        %gather3A_703 = tpu.vector_load_idx %arg7[%add3A_446, %add3A_702] : memref<96x129xf32, #tpu.memory_space<vmem>>[vector<16xi32>, vector<16xi32>], vector<16xf32>,
        %gather3A_704 = tpu.vector_load_idx %arg7[%add3A_449, %add3A_702] : memref<96x129xf32, #tpu.memory_space<vmem>>[vector<16xi32>, vector<16xi32>], vector<16xf32>,
        %gather3A_705 = tpu.vector_load_idx %arg7[%add3A_452, %add3A_702] : memref<96x129xf32, #tpu.memory_space<vmem>>[vector<16xi32>, vector<16xi32>], vector<16xf32>,
        %gather3A_706 = tpu.vector_load_idx %arg7[%add3A_455, %add3A_702] : memref<96x129xf32, #tpu.memory_space<vmem>>[vector<16xi32>, vector<16xi32>], vector<16xf32>,
        %gather3A_707 = tpu.vector_load_idx %arg7[%add3A_458, %add3A_702] : memref<96x129xf32, #tpu.memory_space<vmem>>[vector<16xi32>, vector<16xi32>], vector<16xf32>,
        %gather3A_708 = tpu.vector_load_idx %arg7[%add3A_461, %add3A_702] : memref<96x129xf32, #tpu.memory_space<vmem>>[vector<16xi32>, vector<16xi32>], vector<16xf32>,
        %add3A_709 = arith.addi %add3A_702, %broadcast_in_dim3A_24 : vector<16xi32>
        %gather3A_710 = tpu.vector_load_idx %arg7[%add3A_446, %add3A_709] : memref<96x129xf32, #tpu.memory_space<vmem>>[vector<16xi32>, vector<16xi32>], vector<16xf32>,
        %gather3A_711 = tpu.vector_load_idx %arg7[%add3A_449, %add3A_709] : memref<96x129xf32, #tpu.memory_space<vmem>>[vector<16xi32>, vector<16xi32>], vector<16xf32>,
        %gather3A_712 = tpu.vector_load_idx %arg7[%add3A_452, %add3A_709] : memref<96x129xf32, #tpu.memory_space<vmem>>[vector<16xi32>, vector<16xi32>], vector<16xf32>,
        %gather3A_713 = tpu.vector_load_idx %arg7[%add3A_455, %add3A_709] : memref<96x129xf32, #tpu.memory_space<vmem>>[vector<16xi32>, vector<16xi32>], vector<16xf32>,
        %gather3A_714 = tpu.vector_load_idx %arg7[%add3A_458, %add3A_709] : memref<96x129xf32, #tpu.memory_space<vmem>>[vector<16xi32>, vector<16xi32>], vector<16xf32>,
        %gather3A_715 = tpu.vector_load_idx %arg7[%add3A_461, %add3A_709] : memref<96x129xf32, #tpu.memory_space<vmem>>[vector<16xi32>, vector<16xi32>], vector<16xf32>,
        %add3A_716 = arith.addi %add3A_709, %broadcast_in_dim3A_24 : vector<16xi32>
        %add3A_717 = arith.constant 0 : i32
        %add3A_718 = arith.addi %add3A_717, %mul3A_689 : i32
        %add3A_719 = arith.constant 0 : i32
        %add3A_720 = arith.addi %add3A_718, %add3A_719 : i32
        %swap3A = arith.index_cast %add3A_720 : i32 to index
        %swap3A_721 = arith.constant 0 : index
        %swap3A_722 = tpu.vector_load %arg6[%swap3A, %swap3A_721] {strides = array<i32>} : memref<1000x16xf32, #tpu.memory_space<vmem>>, vector<16xf32>,
        tpu.vector_store %arg6[%swap3A, %swap3A_721], %gather3A {strides = array<i32>} : memref<1000x16xf32, #tpu.memory_space<vmem>>, vector<16xf32>,
        %add3A_723 = arith.constant 128 : i32
        %add3A_724 = arith.addi %add3A_723, %mul3A_689 : i32
        %add3A_725 = arith.constant 0 : i32
        %add3A_726 = arith.addi %add3A_724, %add3A_725 : i32
        %swap3A_727 = arith.index_cast %add3A_726 : i32 to index
        %swap3A_728 = arith.constant 0 : index
        %swap3A_729 = tpu.vector_load %arg6[%swap3A_727, %swap3A_728] {strides = array<i32>} : memref<1000x16xf32, #tpu.memory_space<vmem>>, vector<16xf32>,
        tpu.vector_store %arg6[%swap3A_727, %swap3A_728], %gather3A_690 {strides = array<i32>} : memref<1000x16xf32, #tpu.memory_space<vmem>>, vector<16xf32>,
        %add3A_730 = arith.constant 256 : i32
        %add3A_731 = arith.addi %add3A_730, %mul3A_689 : i32
        %add3A_732 = arith.constant 0 : i32
        %add3A_733 = arith.addi %add3A_731, %add3A_732 : i32
        %swap3A_734 = arith.index_cast %add3A_733 : i32 to index
        %swap3A_735 = arith.constant 0 : index
        %swap3A_736 = tpu.vector_load %arg6[%swap3A_734, %swap3A_735] {strides = array<i32>} : memref<1000x16xf32, #tpu.memory_space<vmem>>, vector<16xf32>,
        tpu.vector_store %arg6[%swap3A_734, %swap3A_735], %gather3A_691 {strides = array<i32>} : memref<1000x16xf32, #tpu.memory_space<vmem>>, vector<16xf32>,
        %add3A_737 = arith.constant 384 : i32
        %add3A_738 = arith.addi %add3A_737, %mul3A_689 : i32
        %add3A_739 = arith.constant 0 : i32
        %add3A_740 = arith.addi %add3A_738, %add3A_739 : i32
        %swap3A_741 = arith.index_cast %add3A_740 : i32 to index
        %swap3A_742 = arith.constant 0 : index
        %swap3A_743 = tpu.vector_load %arg6[%swap3A_741, %swap3A_742] {strides = array<i32>} : memref<1000x16xf32, #tpu.memory_space<vmem>>, vector<16xf32>,
        tpu.vector_store %arg6[%swap3A_741, %swap3A_742], %gather3A_692 {strides = array<i32>} : memref<1000x16xf32, #tpu.memory_space<vmem>>, vector<16xf32>,
        %add3A_744 = arith.constant 512 : i32
        %add3A_745 = arith.addi %add3A_744, %mul3A_689 : i32
        %add3A_746 = arith.constant 0 : i32
        %add3A_747 = arith.addi %add3A_745, %add3A_746 : i32
        %swap3A_748 = arith.index_cast %add3A_747 : i32 to index
        %swap3A_749 = arith.constant 0 : index
        %swap3A_750 = tpu.vector_load %arg6[%swap3A_748, %swap3A_749] {strides = array<i32>} : memref<1000x16xf32, #tpu.memory_space<vmem>>, vector<16xf32>,
        tpu.vector_store %arg6[%swap3A_748, %swap3A_749], %gather3A_693 {strides = array<i32>} : memref<1000x16xf32, #tpu.memory_space<vmem>>, vector<16xf32>,
        %add3A_751 = arith.constant 640 : i32
        %add3A_752 = arith.addi %add3A_751, %mul3A_689 : i32
        %add3A_753 = arith.constant 0 : i32
        %add3A_754 = arith.addi %add3A_752, %add3A_753 : i32
        %swap3A_755 = arith.index_cast %add3A_754 : i32 to index
        %swap3A_756 = arith.constant 0 : index
        %swap3A_757 = tpu.vector_load %arg6[%swap3A_755, %swap3A_756] {strides = array<i32>} : memref<1000x16xf32, #tpu.memory_space<vmem>>, vector<16xf32>,
        tpu.vector_store %arg6[%swap3A_755, %swap3A_756], %gather3A_694 {strides = array<i32>} : memref<1000x16xf32, #tpu.memory_space<vmem>>, vector<16xf32>,
        %add3A_758 = arith.constant 0 : i32
        %add3A_759 = arith.addi %add3A_758, %mul3A_689 : i32
        %add3A_760 = arith.constant 1 : i32
        %add3A_761 = arith.addi %add3A_759, %add3A_760 : i32
        %swap3A_762 = arith.index_cast %add3A_761 : i32 to index
        %swap3A_763 = arith.constant 0 : index
        %swap3A_764 = tpu.vector_load %arg6[%swap3A_762, %swap3A_763] {strides = array<i32>} : memref<1000x16xf32, #tpu.memory_space<vmem>>, vector<16xf32>,
        tpu.vector_store %arg6[%swap3A_762, %swap3A_763], %gather3A_696 {strides = array<i32>} : memref<1000x16xf32, #tpu.memory_space<vmem>>, vector<16xf32>,
        %add3A_765 = arith.constant 128 : i32
        %add3A_766 = arith.addi %add3A_765, %mul3A_689 : i32
        %add3A_767 = arith.constant 1 : i32
        %add3A_768 = arith.addi %add3A_766, %add3A_767 : i32
        %swap3A_769 = arith.index_cast %add3A_768 : i32 to index
        %swap3A_770 = arith.constant 0 : index
        %swap3A_771 = tpu.vector_load %arg6[%swap3A_769, %swap3A_770] {strides = array<i32>} : memref<1000x16xf32, #tpu.memory_space<vmem>>, vector<16xf32>,
        tpu.vector_store %arg6[%swap3A_769, %swap3A_770], %gather3A_697 {strides = array<i32>} : memref<1000x16xf32, #tpu.memory_space<vmem>>, vector<16xf32>,
        %add3A_772 = arith.constant 256 : i32
        %add3A_773 = arith.addi %add3A_772, %mul3A_689 : i32
        %add3A_774 = arith.constant 1 : i32
        %add3A_775 = arith.addi %add3A_773, %add3A_774 : i32
        %swap3A_776 = arith.index_cast %add3A_775 : i32 to index
        %swap3A_777 = arith.constant 0 : index
        %swap3A_778 = tpu.vector_load %arg6[%swap3A_776, %swap3A_777] {strides = array<i32>} : memref<1000x16xf32, #tpu.memory_space<vmem>>, vector<16xf32>,
        tpu.vector_store %arg6[%swap3A_776, %swap3A_777], %gather3A_698 {strides = array<i32>} : memref<1000x16xf32, #tpu.memory_space<vmem>>, vector<16xf32>,
        %add3A_779 = arith.constant 384 : i32
        %add3A_780 = arith.addi %add3A_779, %mul3A_689 : i32
        %add3A_781 = arith.constant 1 : i32
        %add3A_782 = arith.addi %add3A_780, %add3A_781 : i32
        %swap3A_783 = arith.index_cast %add3A_782 : i32 to index
        %swap3A_784 = arith.constant 0 : index
        %swap3A_785 = tpu.vector_load %arg6[%swap3A_783, %swap3A_784] {strides = array<i32>} : memref<1000x16xf32, #tpu.memory_space<vmem>>, vector<16xf32>,
        tpu.vector_store %arg6[%swap3A_783, %swap3A_784], %gather3A_699 {strides = array<i32>} : memref<1000x16xf32, #tpu.memory_space<vmem>>, vector<16xf32>,
        %add3A_786 = arith.constant 512 : i32
        %add3A_787 = arith.addi %add3A_786, %mul3A_689 : i32
        %add3A_788 = arith.constant 1 : i32
        %add3A_789 = arith.addi %add3A_787, %add3A_788 : i32
        %swap3A_790 = arith.index_cast %add3A_789 : i32 to index
        %swap3A_791 = arith.constant 0 : index
        %swap3A_792 = tpu.vector_load %arg6[%swap3A_790, %swap3A_791] {strides = array<i32>} : memref<1000x16xf32, #tpu.memory_space<vmem>>, vector<16xf32>,
        tpu.vector_store %arg6[%swap3A_790, %swap3A_791], %gather3A_700 {strides = array<i32>} : memref<1000x16xf32, #tpu.memory_space<vmem>>, vector<16xf32>,
        %add3A_793 = arith.constant 640 : i32
        %add3A_794 = arith.addi %add3A_793, %mul3A_689 : i32
        %add3A_795 = arith.constant 1 : i32
        %add3A_796 = arith.addi %add3A_794, %add3A_795 : i32
        %swap3A_797 = arith.index_cast %add3A_796 : i32 to index
        %swap3A_798 = arith.constant 0 : index
        %swap3A_799 = tpu.vector_load %arg6[%swap3A_797, %swap3A_798] {strides = array<i32>} : memref<1000x16xf32, #tpu.memory_space<vmem>>, vector<16xf32>,
        tpu.vector_store %arg6[%swap3A_797, %swap3A_798], %gather3A_701 {strides = array<i32>} : memref<1000x16xf32, #tpu.memory_space<vmem>>, vector<16xf32>,
        %add3A_800 = arith.constant 0 : i32
        %add3A_801 = arith.addi %add3A_800, %mul3A_689 : i32
        %add3A_802 = arith.constant 2 : i32
        %add3A_803 = arith.addi %add3A_801, %add3A_802 : i32
        %swap3A_804 = arith.index_cast %add3A_803 : i32 to index
        %swap3A_805 = arith.constant 0 : index
        %swap3A_806 = tpu.vector_load %arg6[%swap3A_804, %swap3A_805] {strides = array<i32>} : memref<1000x16xf32, #tpu.memory_space<vmem>>, vector<16xf32>,
        tpu.vector_store %arg6[%swap3A_804, %swap3A_805], %gather3A_703 {strides = array<i32>} : memref<1000x16xf32, #tpu.memory_space<vmem>>, vector<16xf32>,
        %add3A_807 = arith.constant 128 : i32
        %add3A_808 = arith.addi %add3A_807, %mul3A_689 : i32
        %add3A_809 = arith.constant 2 : i32
        %add3A_810 = arith.addi %add3A_808, %add3A_809 : i32
        %swap3A_811 = arith.index_cast %add3A_810 : i32 to index
        %swap3A_812 = arith.constant 0 : index
        %swap3A_813 = tpu.vector_load %arg6[%swap3A_811, %swap3A_812] {strides = array<i32>} : memref<1000x16xf32, #tpu.memory_space<vmem>>, vector<16xf32>,
        tpu.vector_store %arg6[%swap3A_811, %swap3A_812], %gather3A_704 {strides = array<i32>} : memref<1000x16xf32, #tpu.memory_space<vmem>>, vector<16xf32>,
        %add3A_814 = arith.constant 256 : i32
        %add3A_815 = arith.addi %add3A_814, %mul3A_689 : i32
        %add3A_816 = arith.constant 2 : i32
        %add3A_817 = arith.addi %add3A_815, %add3A_816 : i32
        %swap3A_818 = arith.index_cast %add3A_817 : i32 to index
        %swap3A_819 = arith.constant 0 : index
        %swap3A_820 = tpu.vector_load %arg6[%swap3A_818, %swap3A_819] {strides = array<i32>} : memref<1000x16xf32, #tpu.memory_space<vmem>>, vector<16xf32>,
        tpu.vector_store %arg6[%swap3A_818, %swap3A_819], %gather3A_705 {strides = array<i32>} : memref<1000x16xf32, #tpu.memory_space<vmem>>, vector<16xf32>,
        %add3A_821 = arith.constant 384 : i32
        %add3A_822 = arith.addi %add3A_821, %mul3A_689 : i32
        %add3A_823 = arith.constant 2 : i32
        %add3A_824 = arith.addi %add3A_822, %add3A_823 : i32
        %swap3A_825 = arith.index_cast %add3A_824 : i32 to index
        %swap3A_826 = arith.constant 0 : index
        %swap3A_827 = tpu.vector_load %arg6[%swap3A_825, %swap3A_826] {strides = array<i32>} : memref<1000x16xf32, #tpu.memory_space<vmem>>, vector<16xf32>,
        tpu.vector_store %arg6[%swap3A_825, %swap3A_826], %gather3A_706 {strides = array<i32>} : memref<1000x16xf32, #tpu.memory_space<vmem>>, vector<16xf32>,
        %add3A_828 = arith.constant 512 : i32
        %add3A_829 = arith.addi %add3A_828, %mul3A_689 : i32
        %add3A_830 = arith.constant 2 : i32
        %add3A_831 = arith.addi %add3A_829, %add3A_830 : i32
        %swap3A_832 = arith.index_cast %add3A_831 : i32 to index
        %swap3A_833 = arith.constant 0 : index
        %swap3A_834 = tpu.vector_load %arg6[%swap3A_832, %swap3A_833] {strides = array<i32>} : memref<1000x16xf32, #tpu.memory_space<vmem>>, vector<16xf32>,
        tpu.vector_store %arg6[%swap3A_832, %swap3A_833], %gather3A_707 {strides = array<i32>} : memref<1000x16xf32, #tpu.memory_space<vmem>>, vector<16xf32>,
        %add3A_835 = arith.constant 640 : i32
        %add3A_836 = arith.addi %add3A_835, %mul3A_689 : i32
        %add3A_837 = arith.constant 2 : i32
        %add3A_838 = arith.addi %add3A_836, %add3A_837 : i32
        %swap3A_839 = arith.index_cast %add3A_838 : i32 to index
        %swap3A_840 = arith.constant 0 : index
        %swap3A_841 = tpu.vector_load %arg6[%swap3A_839, %swap3A_840] {strides = array<i32>} : memref<1000x16xf32, #tpu.memory_space<vmem>>, vector<16xf32>,
        tpu.vector_store %arg6[%swap3A_839, %swap3A_840], %gather3A_708 {strides = array<i32>} : memref<1000x16xf32, #tpu.memory_space<vmem>>, vector<16xf32>,
        %add3A_842 = arith.constant 0 : i32
        %add3A_843 = arith.addi %add3A_842, %mul3A_689 : i32
        %add3A_844 = arith.constant 3 : i32
        %add3A_845 = arith.addi %add3A_843, %add3A_844 : i32
        %swap3A_846 = arith.index_cast %add3A_845 : i32 to index
        %swap3A_847 = arith.constant 0 : index
        %swap3A_848 = tpu.vector_load %arg6[%swap3A_846, %swap3A_847] {strides = array<i32>} : memref<1000x16xf32, #tpu.memory_space<vmem>>, vector<16xf32>,
        tpu.vector_store %arg6[%swap3A_846, %swap3A_847], %gather3A_710 {strides = array<i32>} : memref<1000x16xf32, #tpu.memory_space<vmem>>, vector<16xf32>,
        %add3A_849 = arith.constant 128 : i32
        %add3A_850 = arith.addi %add3A_849, %mul3A_689 : i32
        %add3A_851 = arith.constant 3 : i32
        %add3A_852 = arith.addi %add3A_850, %add3A_851 : i32
        %swap3A_853 = arith.index_cast %add3A_852 : i32 to index
        %swap3A_854 = arith.constant 0 : index
        %swap3A_855 = tpu.vector_load %arg6[%swap3A_853, %swap3A_854] {strides = array<i32>} : memref<1000x16xf32, #tpu.memory_space<vmem>>, vector<16xf32>,
        tpu.vector_store %arg6[%swap3A_853, %swap3A_854], %gather3A_711 {strides = array<i32>} : memref<1000x16xf32, #tpu.memory_space<vmem>>, vector<16xf32>,
        %add3A_856 = arith.constant 256 : i32
        %add3A_857 = arith.addi %add3A_856, %mul3A_689 : i32
        %add3A_858 = arith.constant 3 : i32
        %add3A_859 = arith.addi %add3A_857, %add3A_858 : i32
        %swap3A_860 = arith.index_cast %add3A_859 : i32 to index
        %swap3A_861 = arith.constant 0 : index
        %swap3A_862 = tpu.vector_load %arg6[%swap3A_860, %swap3A_861] {strides = array<i32>} : memref<1000x16xf32, #tpu.memory_space<vmem>>, vector<16xf32>,
        tpu.vector_store %arg6[%swap3A_860, %swap3A_861], %gather3A_712 {strides = array<i32>} : memref<1000x16xf32, #tpu.memory_space<vmem>>, vector<16xf32>,
        %add3A_863 = arith.constant 384 : i32
        %add3A_864 = arith.addi %add3A_863, %mul3A_689 : i32
        %add3A_865 = arith.constant 3 : i32
        %add3A_866 = arith.addi %add3A_864, %add3A_865 : i32
        %swap3A_867 = arith.index_cast %add3A_866 : i32 to index
        %swap3A_868 = arith.constant 0 : index
        %swap3A_869 = tpu.vector_load %arg6[%swap3A_867, %swap3A_868] {strides = array<i32>} : memref<1000x16xf32, #tpu.memory_space<vmem>>, vector<16xf32>,
        tpu.vector_store %arg6[%swap3A_867, %swap3A_868], %gather3A_713 {strides = array<i32>} : memref<1000x16xf32, #tpu.memory_space<vmem>>, vector<16xf32>,
        %add3A_870 = arith.constant 512 : i32
        %add3A_871 = arith.addi %add3A_870, %mul3A_689 : i32
        %add3A_872 = arith.constant 3 : i32
        %add3A_873 = arith.addi %add3A_871, %add3A_872 : i32
        %swap3A_874 = arith.index_cast %add3A_873 : i32 to index
        %swap3A_875 = arith.constant 0 : index
        %swap3A_876 = tpu.vector_load %arg6[%swap3A_874, %swap3A_875] {strides = array<i32>} : memref<1000x16xf32, #tpu.memory_space<vmem>>, vector<16xf32>,
        tpu.vector_store %arg6[%swap3A_874, %swap3A_875], %gather3A_714 {strides = array<i32>} : memref<1000x16xf32, #tpu.memory_space<vmem>>, vector<16xf32>,
        %add3A_877 = arith.constant 640 : i32
        %add3A_878 = arith.addi %add3A_877, %mul3A_689 : i32
        %add3A_879 = arith.constant 3 : i32
        %add3A_880 = arith.addi %add3A_878, %add3A_879 : i32
        %swap3A_881 = arith.index_cast %add3A_880 : i32 to index
        %swap3A_882 = arith.constant 0 : index
        %swap3A_883 = tpu.vector_load %arg6[%swap3A_881, %swap3A_882] {strides = array<i32>} : memref<1000x16xf32, #tpu.memory_space<vmem>>, vector<16xf32>,
        tpu.vector_store %arg6[%swap3A_881, %swap3A_882], %gather3A_715 {strides = array<i32>} : memref<1000x16xf32, #tpu.memory_space<vmem>>, vector<16xf32>,
        scf.yield %add3A_716 : vector<16xi32>
      }
      %scan3A_469 = arith.constant 32 : i32
      %dma_start3A_470 = arith.constant 0 : i32
      %dma_start3A_471 = arith.constant 0 : i32
      %dma_start3A_472 = arith.constant 0 : i32
      %dma_start3A_473 = tpu.memref_slice %arg6[%dma_start3A_471, %dma_start3A_472] : memref<1000x16xf32, #tpu.memory_space<vmem>> -> memref<128x16xf32, #tpu.memory_space<vmem>>
      %dma_start3A_474 = arith.constant 0 : i32
      %dma_start3A_475 = tpu.memref_slice %arg8[%dma_start3A_470, %dma_start3A_474] : memref<6x128xi32, #tpu.memory_space<vmem>> -> memref<1x128xi32, #tpu.memory_space<vmem>>
      %dma_start3A_476 = tpu.memref_squeeze %dma_start3A_475 : memref<1x128xi32, #tpu.memory_space<vmem>> -> memref<128xi32, #tpu.memory_space<vmem>>
      %dma_start3A_477 = arith.constant 0 : i32
      %dma_start3A_478 = arith.constant 0 : i32
      %dma_start3A_479 = tpu.memref_slice %arg10[%dma_start3A_477, %dma_start3A_478] : memref<10000x16xf32, #tpu.memory_space<vmem_shared>> -> memref<10000x16xf32, #tpu.memory_space<vmem_shared>>
      tpu.enqueue_indirect_dma source(%dma_start3A_473 : memref<128x16xf32, #tpu.memory_space<vmem>>) target(%dma_start3A_479 : memref<10000x16xf32, #tpu.memory_space<vmem_shared>>) offsets(%dma_start3A_476 : memref<128xi32, #tpu.memory_space<vmem>>) semaphore(%arg12 : memref<!tpu.dma_semaphore, #tpu.memory_space<semaphore_mem>>) {add = true}
      %dma_start3A_480 = arith.constant 1 : i32
      %dma_start3A_481 = arith.constant 128 : i32
      %dma_start3A_482 = arith.constant 0 : i32
      %dma_start3A_483 = tpu.memref_slice %arg6[%dma_start3A_481, %dma_start3A_482] : memref<1000x16xf32, #tpu.memory_space<vmem>> -> memref<128x16xf32, #tpu.memory_space<vmem>>
      %dma_start3A_484 = arith.constant 0 : i32
      %dma_start3A_485 = tpu.memref_slice %arg8[%dma_start3A_480, %dma_start3A_484] : memref<6x128xi32, #tpu.memory_space<vmem>> -> memref<1x128xi32, #tpu.memory_space<vmem>>
      %dma_start3A_486 = tpu.memref_squeeze %dma_start3A_485 : memref<1x128xi32, #tpu.memory_space<vmem>> -> memref<128xi32, #tpu.memory_space<vmem>>
      %dma_start3A_487 = arith.constant 0 : i32
      %dma_start3A_488 = arith.constant 0 : i32
      %dma_start3A_489 = tpu.memref_slice %arg10[%dma_start3A_487, %dma_start3A_488] : memref<10000x16xf32, #tpu.memory_space<vmem_shared>> -> memref<10000x16xf32, #tpu.memory_space<vmem_shared>>
      tpu.enqueue_indirect_dma source(%dma_start3A_483 : memref<128x16xf32, #tpu.memory_space<vmem>>) target(%dma_start3A_489 : memref<10000x16xf32, #tpu.memory_space<vmem_shared>>) offsets(%dma_start3A_486 : memref<128xi32, #tpu.memory_space<vmem>>) semaphore(%arg12 : memref<!tpu.dma_semaphore, #tpu.memory_space<semaphore_mem>>) {add = true}
      %dma_start3A_490 = arith.constant 2 : i32
      %dma_start3A_491 = arith.constant 256 : i32
      %dma_start3A_492 = arith.constant 0 : i32
      %dma_start3A_493 = tpu.memref_slice %arg6[%dma_start3A_491, %dma_start3A_492] : memref<1000x16xf32, #tpu.memory_space<vmem>> -> memref<128x16xf32, #tpu.memory_space<vmem>>
      %dma_start3A_494 = arith.constant 0 : i32
      %dma_start3A_495 = tpu.memref_slice %arg8[%dma_start3A_490, %dma_start3A_494] : memref<6x128xi32, #tpu.memory_space<vmem>> -> memref<1x128xi32, #tpu.memory_space<vmem>>
      %dma_start3A_496 = tpu.memref_squeeze %dma_start3A_495 : memref<1x128xi32, #tpu.memory_space<vmem>> -> memref<128xi32, #tpu.memory_space<vmem>>
      %dma_start3A_497 = arith.constant 0 : i32
      %dma_start3A_498 = arith.constant 0 : i32
      %dma_start3A_499 = tpu.memref_slice %arg10[%dma_start3A_497, %dma_start3A_498] : memref<10000x16xf32, #tpu.memory_space<vmem_shared>> -> memref<10000x16xf32, #tpu.memory_space<vmem_shared>>
      tpu.enqueue_indirect_dma source(%dma_start3A_493 : memref<128x16xf32, #tpu.memory_space<vmem>>) target(%dma_start3A_499 : memref<10000x16xf32, #tpu.memory_space<vmem_shared>>) offsets(%dma_start3A_496 : memref<128xi32, #tpu.memory_space<vmem>>) semaphore(%arg12 : memref<!tpu.dma_semaphore, #tpu.memory_space<semaphore_mem>>) {add = true}
      %dma_start3A_500 = arith.constant 3 : i32
      %dma_start3A_501 = arith.constant 384 : i32
      %dma_start3A_502 = arith.constant 0 : i32
      %dma_start3A_503 = tpu.memref_slice %arg6[%dma_start3A_501, %dma_start3A_502] : memref<1000x16xf32, #tpu.memory_space<vmem>> -> memref<128x16xf32, #tpu.memory_space<vmem>>
      %dma_start3A_504 = arith.constant 0 : i32
      %dma_start3A_505 = tpu.memref_slice %arg8[%dma_start3A_500, %dma_start3A_504] : memref<6x128xi32, #tpu.memory_space<vmem>> -> memref<1x128xi32, #tpu.memory_space<vmem>>
      %dma_start3A_506 = tpu.memref_squeeze %dma_start3A_505 : memref<1x128xi32, #tpu.memory_space<vmem>> -> memref<128xi32, #tpu.memory_space<vmem>>
      %dma_start3A_507 = arith.constant 0 : i32
      %dma_start3A_508 = arith.constant 0 : i32
      %dma_start3A_509 = tpu.memref_slice %arg10[%dma_start3A_507, %dma_start3A_508] : memref<10000x16xf32, #tpu.memory_space<vmem_shared>> -> memref<10000x16xf32, #tpu.memory_space<vmem_shared>>
      tpu.enqueue_indirect_dma source(%dma_start3A_503 : memref<128x16xf32, #tpu.memory_space<vmem>>) target(%dma_start3A_509 : memref<10000x16xf32, #tpu.memory_space<vmem_shared>>) offsets(%dma_start3A_506 : memref<128xi32, #tpu.memory_space<vmem>>) semaphore(%arg12 : memref<!tpu.dma_semaphore, #tpu.memory_space<semaphore_mem>>) {add = true}
      %dma_start3A_510 = arith.constant 4 : i32
      %dma_start3A_511 = arith.constant 512 : i32
      %dma_start3A_512 = arith.constant 0 : i32
      %dma_start3A_513 = tpu.memref_slice %arg6[%dma_start3A_511, %dma_start3A_512] : memref<1000x16xf32, #tpu.memory_space<vmem>> -> memref<128x16xf32, #tpu.memory_space<vmem>>
      %dma_start3A_514 = arith.constant 0 : i32
      %dma_start3A_515 = tpu.memref_slice %arg8[%dma_start3A_510, %dma_start3A_514] : memref<6x128xi32, #tpu.memory_space<vmem>> -> memref<1x128xi32, #tpu.memory_space<vmem>>
      %dma_start3A_516 = tpu.memref_squeeze %dma_start3A_515 : memref<1x128xi32, #tpu.memory_space<vmem>> -> memref<128xi32, #tpu.memory_space<vmem>>
      %dma_start3A_517 = arith.constant 0 : i32
      %dma_start3A_518 = arith.constant 0 : i32
      %dma_start3A_519 = tpu.memref_slice %arg10[%dma_start3A_517, %dma_start3A_518] : memref<10000x16xf32, #tpu.memory_space<vmem_shared>> -> memref<10000x16xf32, #tpu.memory_space<vmem_shared>>
      tpu.enqueue_indirect_dma source(%dma_start3A_513 : memref<128x16xf32, #tpu.memory_space<vmem>>) target(%dma_start3A_519 : memref<10000x16xf32, #tpu.memory_space<vmem_shared>>) offsets(%dma_start3A_516 : memref<128xi32, #tpu.memory_space<vmem>>) semaphore(%arg12 : memref<!tpu.dma_semaphore, #tpu.memory_space<semaphore_mem>>) {add = true}
      %dma_start3A_520 = arith.constant 5 : i32
      %dma_start3A_521 = arith.constant 640 : i32
      %dma_start3A_522 = arith.constant 0 : i32
      %dma_start3A_523 = tpu.memref_slice %arg6[%dma_start3A_521, %dma_start3A_522] : memref<1000x16xf32, #tpu.memory_space<vmem>> -> memref<128x16xf32, #tpu.memory_space<vmem>>
      %dma_start3A_524 = arith.constant 0 : i32
      %dma_start3A_525 = tpu.memref_slice %arg8[%dma_start3A_520, %dma_start3A_524] : memref<6x128xi32, #tpu.memory_space<vmem>> -> memref<1x128xi32, #tpu.memory_space<vmem>>
      %dma_start3A_526 = tpu.memref_squeeze %dma_start3A_525 : memref<1x128xi32, #tpu.memory_space<vmem>> -> memref<128xi32, #tpu.memory_space<vmem>>
      %dma_start3A_527 = arith.constant 0 : i32
      %dma_start3A_528 = arith.constant 0 : i32
      %dma_start3A_529 = tpu.memref_slice %arg10[%dma_start3A_527, %dma_start3A_528] : memref<10000x16xf32, #tpu.memory_space<vmem_shared>> -> memref<10000x16xf32, #tpu.memory_space<vmem_shared>>
      tpu.enqueue_indirect_dma source(%dma_start3A_523 : memref<128x16xf32, #tpu.memory_space<vmem>>) target(%dma_start3A_529 : memref<10000x16xf32, #tpu.memory_space<vmem_shared>>) offsets(%dma_start3A_526 : memref<128xi32, #tpu.memory_space<vmem>>) semaphore(%arg12 : memref<!tpu.dma_semaphore, #tpu.memory_space<semaphore_mem>>) {add = true}
      %dma_start3A_530 = arith.constant 0 : i32
      %dma_start3A_531 = arith.constant 0 : i32
      %dma_start3A_532 = tpu.memref_slice %arg9[%dma_start3A_531] : memref<1000xf32, #tpu.memory_space<vmem>> -> memref<128xf32, #tpu.memory_space<vmem>>
      %dma_start3A_533 = arith.constant 0 : i32
      %dma_start3A_534 = tpu.memref_slice %arg8[%dma_start3A_530, %dma_start3A_533] : memref<6x128xi32, #tpu.memory_space<vmem>> -> memref<1x128xi32, #tpu.memory_space<vmem>>
      %dma_start3A_535 = tpu.memref_squeeze %dma_start3A_534 : memref<1x128xi32, #tpu.memory_space<vmem>> -> memref<128xi32, #tpu.memory_space<vmem>>
      %dma_start3A_536 = arith.constant 0 : i32
      %dma_start3A_537 = tpu.memref_slice %arg11[%dma_start3A_536] : memref<10000xf32, #tpu.memory_space<vmem_shared>> -> memref<10000xf32, #tpu.memory_space<vmem_shared>>
      tpu.enqueue_indirect_dma source(%dma_start3A_532 : memref<128xf32, #tpu.memory_space<vmem>>) target(%dma_start3A_537 : memref<10000xf32, #tpu.memory_space<vmem_shared>>) offsets(%dma_start3A_535 : memref<128xi32, #tpu.memory_space<vmem>>) semaphore(%arg12 : memref<!tpu.dma_semaphore, #tpu.memory_space<semaphore_mem>>) {add = true}
      %dma_start3A_538 = arith.constant 1 : i32
      %dma_start3A_539 = arith.constant 128 : i32
      %dma_start3A_540 = tpu.memref_slice %arg9[%dma_start3A_539] : memref<1000xf32, #tpu.memory_space<vmem>> -> memref<128xf32, #tpu.memory_space<vmem>>
      %dma_start3A_541 = arith.constant 0 : i32
      %dma_start3A_542 = tpu.memref_slice %arg8[%dma_start3A_538, %dma_start3A_541] : memref<6x128xi32, #tpu.memory_space<vmem>> -> memref<1x128xi32, #tpu.memory_space<vmem>>
      %dma_start3A_543 = tpu.memref_squeeze %dma_start3A_542 : memref<1x128xi32, #tpu.memory_space<vmem>> -> memref<128xi32, #tpu.memory_space<vmem>>
      %dma_start3A_544 = arith.constant 0 : i32
      %dma_start3A_545 = tpu.memref_slice %arg11[%dma_start3A_544] : memref<10000xf32, #tpu.memory_space<vmem_shared>> -> memref<10000xf32, #tpu.memory_space<vmem_shared>>
      tpu.enqueue_indirect_dma source(%dma_start3A_540 : memref<128xf32, #tpu.memory_space<vmem>>) target(%dma_start3A_545 : memref<10000xf32, #tpu.memory_space<vmem_shared>>) offsets(%dma_start3A_543 : memref<128xi32, #tpu.memory_space<vmem>>) semaphore(%arg12 : memref<!tpu.dma_semaphore, #tpu.memory_space<semaphore_mem>>) {add = true}
      %dma_start3A_546 = arith.constant 2 : i32
      %dma_start3A_547 = arith.constant 256 : i32
      %dma_start3A_548 = tpu.memref_slice %arg9[%dma_start3A_547] : memref<1000xf32, #tpu.memory_space<vmem>> -> memref<128xf32, #tpu.memory_space<vmem>>
      %dma_start3A_549 = arith.constant 0 : i32
      %dma_start3A_550 = tpu.memref_slice %arg8[%dma_start3A_546, %dma_start3A_549] : memref<6x128xi32, #tpu.memory_space<vmem>> -> memref<1x128xi32, #tpu.memory_space<vmem>>
      %dma_start3A_551 = tpu.memref_squeeze %dma_start3A_550 : memref<1x128xi32, #tpu.memory_space<vmem>> -> memref<128xi32, #tpu.memory_space<vmem>>
      %dma_start3A_552 = arith.constant 0 : i32
      %dma_start3A_553 = tpu.memref_slice %arg11[%dma_start3A_552] : memref<10000xf32, #tpu.memory_space<vmem_shared>> -> memref<10000xf32, #tpu.memory_space<vmem_shared>>
      tpu.enqueue_indirect_dma source(%dma_start3A_548 : memref<128xf32, #tpu.memory_space<vmem>>) target(%dma_start3A_553 : memref<10000xf32, #tpu.memory_space<vmem_shared>>) offsets(%dma_start3A_551 : memref<128xi32, #tpu.memory_space<vmem>>) semaphore(%arg12 : memref<!tpu.dma_semaphore, #tpu.memory_space<semaphore_mem>>) {add = true}
      %dma_start3A_554 = arith.constant 3 : i32
      %dma_start3A_555 = arith.constant 384 : i32
      %dma_start3A_556 = tpu.memref_slice %arg9[%dma_start3A_555] : memref<1000xf32, #tpu.memory_space<vmem>> -> memref<128xf32, #tpu.memory_space<vmem>>
      %dma_start3A_557 = arith.constant 0 : i32
      %dma_start3A_558 = tpu.memref_slice %arg8[%dma_start3A_554, %dma_start3A_557] : memref<6x128xi32, #tpu.memory_space<vmem>> -> memref<1x128xi32, #tpu.memory_space<vmem>>
      %dma_start3A_559 = tpu.memref_squeeze %dma_start3A_558 : memref<1x128xi32, #tpu.memory_space<vmem>> -> memref<128xi32, #tpu.memory_space<vmem>>
      %dma_start3A_560 = arith.constant 0 : i32
      %dma_start3A_561 = tpu.memref_slice %arg11[%dma_start3A_560] : memref<10000xf32, #tpu.memory_space<vmem_shared>> -> memref<10000xf32, #tpu.memory_space<vmem_shared>>
      tpu.enqueue_indirect_dma source(%dma_start3A_556 : memref<128xf32, #tpu.memory_space<vmem>>) target(%dma_start3A_561 : memref<10000xf32, #tpu.memory_space<vmem_shared>>) offsets(%dma_start3A_559 : memref<128xi32, #tpu.memory_space<vmem>>) semaphore(%arg12 : memref<!tpu.dma_semaphore, #tpu.memory_space<semaphore_mem>>) {add = true}
      %dma_start3A_562 = arith.constant 4 : i32
      %dma_start3A_563 = arith.constant 512 : i32
      %dma_start3A_564 = tpu.memref_slice %arg9[%dma_start3A_563] : memref<1000xf32, #tpu.memory_space<vmem>> -> memref<128xf32, #tpu.memory_space<vmem>>
      %dma_start3A_565 = arith.constant 0 : i32
      %dma_start3A_566 = tpu.memref_slice %arg8[%dma_start3A_562, %dma_start3A_565] : memref<6x128xi32, #tpu.memory_space<vmem>> -> memref<1x128xi32, #tpu.memory_space<vmem>>
      %dma_start3A_567 = tpu.memref_squeeze %dma_start3A_566 : memref<1x128xi32, #tpu.memory_space<vmem>> -> memref<128xi32, #tpu.memory_space<vmem>>
      %dma_start3A_568 = arith.constant 0 : i32
      %dma_start3A_569 = tpu.memref_slice %arg11[%dma_start3A_568] : memref<10000xf32, #tpu.memory_space<vmem_shared>> -> memref<10000xf32, #tpu.memory_space<vmem_shared>>
      tpu.enqueue_indirect_dma source(%dma_start3A_564 : memref<128xf32, #tpu.memory_space<vmem>>) target(%dma_start3A_569 : memref<10000xf32, #tpu.memory_space<vmem_shared>>) offsets(%dma_start3A_567 : memref<128xi32, #tpu.memory_space<vmem>>) semaphore(%arg12 : memref<!tpu.dma_semaphore, #tpu.memory_space<semaphore_mem>>) {add = true}
      %dma_start3A_570 = arith.constant 5 : i32
      %dma_start3A_571 = arith.constant 640 : i32
      %dma_start3A_572 = tpu.memref_slice %arg9[%dma_start3A_571] : memref<1000xf32, #tpu.memory_space<vmem>> -> memref<128xf32, #tpu.memory_space<vmem>>
      %dma_start3A_573 = arith.constant 0 : i32
      %dma_start3A_574 = tpu.memref_slice %arg8[%dma_start3A_570, %dma_start3A_573] : memref<6x128xi32, #tpu.memory_space<vmem>> -> memref<1x128xi32, #tpu.memory_space<vmem>>
      %dma_start3A_575 = tpu.memref_squeeze %dma_start3A_574 : memref<1x128xi32, #tpu.memory_space<vmem>> -> memref<128xi32, #tpu.memory_space<vmem>>
      %dma_start3A_576 = arith.constant 0 : i32
      %dma_start3A_577 = tpu.memref_slice %arg11[%dma_start3A_576] : memref<10000xf32, #tpu.memory_space<vmem_shared>> -> memref<10000xf32, #tpu.memory_space<vmem_shared>>
      tpu.enqueue_indirect_dma source(%dma_start3A_572 : memref<128xf32, #tpu.memory_space<vmem>>) target(%dma_start3A_577 : memref<10000xf32, #tpu.memory_space<vmem_shared>>) offsets(%dma_start3A_575 : memref<128xi32, #tpu.memory_space<vmem>>) semaphore(%arg12 : memref<!tpu.dma_semaphore, #tpu.memory_space<semaphore_mem>>) {add = true}
      %dma_wait3A_578 = arith.constant 0 : i32
      %dma_wait3A_579 = arith.constant 0 : i32
      %dma_wait3A_580 = arith.constant 0 : i32
      %dma_wait3A_581 = tpu.memref_slice %arg6[%dma_wait3A_579, %dma_wait3A_580] : memref<1000x16xf32, #tpu.memory_space<vmem>> -> memref<128x16xf32, #tpu.memory_space<vmem>>
      %dma_wait3A_582 = arith.constant 0 : i32
      %dma_wait3A_583 = tpu.memref_slice %arg8[%dma_wait3A_578, %dma_wait3A_582] : memref<6x128xi32, #tpu.memory_space<vmem>> -> memref<1x128xi32, #tpu.memory_space<vmem>>
      %dma_wait3A_584 = tpu.memref_squeeze %dma_wait3A_583 : memref<1x128xi32, #tpu.memory_space<vmem>> -> memref<128xi32, #tpu.memory_space<vmem>>
      %dma_wait3A_585 = arith.constant 0 : i32
      %dma_wait3A_586 = arith.constant 0 : i32
      %dma_wait3A_587 = tpu.memref_slice %arg10[%dma_wait3A_585, %dma_wait3A_586] : memref<10000x16xf32, #tpu.memory_space<vmem_shared>> -> memref<10000x16xf32, #tpu.memory_space<vmem_shared>>
      tpu.wait_indirect_dma semaphore(%arg12 : memref<!tpu.dma_semaphore, #tpu.memory_space<semaphore_mem>>) src(%dma_wait3A_581 : memref<128x16xf32, #tpu.memory_space<vmem>>) dst(%dma_wait3A_587 : memref<10000x16xf32, #tpu.memory_space<vmem_shared>>)
      %dma_wait3A_588 = arith.constant 1 : i32
      %dma_wait3A_589 = arith.constant 128 : i32
      %dma_wait3A_590 = arith.constant 0 : i32
      %dma_wait3A_591 = tpu.memref_slice %arg6[%dma_wait3A_589, %dma_wait3A_590] : memref<1000x16xf32, #tpu.memory_space<vmem>> -> memref<128x16xf32, #tpu.memory_space<vmem>>
      %dma_wait3A_592 = arith.constant 0 : i32
      %dma_wait3A_593 = tpu.memref_slice %arg8[%dma_wait3A_588, %dma_wait3A_592] : memref<6x128xi32, #tpu.memory_space<vmem>> -> memref<1x128xi32, #tpu.memory_space<vmem>>
      %dma_wait3A_594 = tpu.memref_squeeze %dma_wait3A_593 : memref<1x128xi32, #tpu.memory_space<vmem>> -> memref<128xi32, #tpu.memory_space<vmem>>
      %dma_wait3A_595 = arith.constant 0 : i32
      %dma_wait3A_596 = arith.constant 0 : i32
      %dma_wait3A_597 = tpu.memref_slice %arg10[%dma_wait3A_595, %dma_wait3A_596] : memref<10000x16xf32, #tpu.memory_space<vmem_shared>> -> memref<10000x16xf32, #tpu.memory_space<vmem_shared>>
      tpu.wait_indirect_dma semaphore(%arg12 : memref<!tpu.dma_semaphore, #tpu.memory_space<semaphore_mem>>) src(%dma_wait3A_591 : memref<128x16xf32, #tpu.memory_space<vmem>>) dst(%dma_wait3A_597 : memref<10000x16xf32, #tpu.memory_space<vmem_shared>>)
      %dma_wait3A_598 = arith.constant 2 : i32
      %dma_wait3A_599 = arith.constant 256 : i32
      %dma_wait3A_600 = arith.constant 0 : i32
      %dma_wait3A_601 = tpu.memref_slice %arg6[%dma_wait3A_599, %dma_wait3A_600] : memref<1000x16xf32, #tpu.memory_space<vmem>> -> memref<128x16xf32, #tpu.memory_space<vmem>>
      %dma_wait3A_602 = arith.constant 0 : i32
      %dma_wait3A_603 = tpu.memref_slice %arg8[%dma_wait3A_598, %dma_wait3A_602] : memref<6x128xi32, #tpu.memory_space<vmem>> -> memref<1x128xi32, #tpu.memory_space<vmem>>
      %dma_wait3A_604 = tpu.memref_squeeze %dma_wait3A_603 : memref<1x128xi32, #tpu.memory_space<vmem>> -> memref<128xi32, #tpu.memory_space<vmem>>
      %dma_wait3A_605 = arith.constant 0 : i32
      %dma_wait3A_606 = arith.constant 0 : i32
      %dma_wait3A_607 = tpu.memref_slice %arg10[%dma_wait3A_605, %dma_wait3A_606] : memref<10000x16xf32, #tpu.memory_space<vmem_shared>> -> memref<10000x16xf32, #tpu.memory_space<vmem_shared>>
      tpu.wait_indirect_dma semaphore(%arg12 : memref<!tpu.dma_semaphore, #tpu.memory_space<semaphore_mem>>) src(%dma_wait3A_601 : memref<128x16xf32, #tpu.memory_space<vmem>>) dst(%dma_wait3A_607 : memref<10000x16xf32, #tpu.memory_space<vmem_shared>>)
      %dma_wait3A_608 = arith.constant 3 : i32
      %dma_wait3A_609 = arith.constant 384 : i32
      %dma_wait3A_610 = arith.constant 0 : i32
      %dma_wait3A_611 = tpu.memref_slice %arg6[%dma_wait3A_609, %dma_wait3A_610] : memref<1000x16xf32, #tpu.memory_space<vmem>> -> memref<128x16xf32, #tpu.memory_space<vmem>>
      %dma_wait3A_612 = arith.constant 0 : i32
      %dma_wait3A_613 = tpu.memref_slice %arg8[%dma_wait3A_608, %dma_wait3A_612] : memref<6x128xi32, #tpu.memory_space<vmem>> -> memref<1x128xi32, #tpu.memory_space<vmem>>
      %dma_wait3A_614 = tpu.memref_squeeze %dma_wait3A_613 : memref<1x128xi32, #tpu.memory_space<vmem>> -> memref<128xi32, #tpu.memory_space<vmem>>
      %dma_wait3A_615 = arith.constant 0 : i32
      %dma_wait3A_616 = arith.constant 0 : i32
      %dma_wait3A_617 = tpu.memref_slice %arg10[%dma_wait3A_615, %dma_wait3A_616] : memref<10000x16xf32, #tpu.memory_space<vmem_shared>> -> memref<10000x16xf32, #tpu.memory_space<vmem_shared>>
      tpu.wait_indirect_dma semaphore(%arg12 : memref<!tpu.dma_semaphore, #tpu.memory_space<semaphore_mem>>) src(%dma_wait3A_611 : memref<128x16xf32, #tpu.memory_space<vmem>>) dst(%dma_wait3A_617 : memref<10000x16xf32, #tpu.memory_space<vmem_shared>>)
      %dma_wait3A_618 = arith.constant 4 : i32
      %dma_wait3A_619 = arith.constant 512 : i32
      %dma_wait3A_620 = arith.constant 0 : i32
      %dma_wait3A_621 = tpu.memref_slice %arg6[%dma_wait3A_619, %dma_wait3A_620] : memref<1000x16xf32, #tpu.memory_space<vmem>> -> memref<128x16xf32, #tpu.memory_space<vmem>>
      %dma_wait3A_622 = arith.constant 0 : i32
      %dma_wait3A_623 = tpu.memref_slice %arg8[%dma_wait3A_618, %dma_wait3A_622] : memref<6x128xi32, #tpu.memory_space<vmem>> -> memref<1x128xi32, #tpu.memory_space<vmem>>
      %dma_wait3A_624 = tpu.memref_squeeze %dma_wait3A_623 : memref<1x128xi32, #tpu.memory_space<vmem>> -> memref<128xi32, #tpu.memory_space<vmem>>
      %dma_wait3A_625 = arith.constant 0 : i32
      %dma_wait3A_626 = arith.constant 0 : i32
      %dma_wait3A_627 = tpu.memref_slice %arg10[%dma_wait3A_625, %dma_wait3A_626] : memref<10000x16xf32, #tpu.memory_space<vmem_shared>> -> memref<10000x16xf32, #tpu.memory_space<vmem_shared>>
      tpu.wait_indirect_dma semaphore(%arg12 : memref<!tpu.dma_semaphore, #tpu.memory_space<semaphore_mem>>) src(%dma_wait3A_621 : memref<128x16xf32, #tpu.memory_space<vmem>>) dst(%dma_wait3A_627 : memref<10000x16xf32, #tpu.memory_space<vmem_shared>>)
      %dma_wait3A_628 = arith.constant 5 : i32
      %dma_wait3A_629 = arith.constant 640 : i32
      %dma_wait3A_630 = arith.constant 0 : i32
      %dma_wait3A_631 = tpu.memref_slice %arg6[%dma_wait3A_629, %dma_wait3A_630] : memref<1000x16xf32, #tpu.memory_space<vmem>> -> memref<128x16xf32, #tpu.memory_space<vmem>>
      %dma_wait3A_632 = arith.constant 0 : i32
      %dma_wait3A_633 = tpu.memref_slice %arg8[%dma_wait3A_628, %dma_wait3A_632] : memref<6x128xi32, #tpu.memory_space<vmem>> -> memref<1x128xi32, #tpu.memory_space<vmem>>
      %dma_wait3A_634 = tpu.memref_squeeze %dma_wait3A_633 : memref<1x128xi32, #tpu.memory_space<vmem>> -> memref<128xi32, #tpu.memory_space<vmem>>
      %dma_wait3A_635 = arith.constant 0 : i32
      %dma_wait3A_636 = arith.constant 0 : i32
      %dma_wait3A_637 = tpu.memref_slice %arg10[%dma_wait3A_635, %dma_wait3A_636] : memref<10000x16xf32, #tpu.memory_space<vmem_shared>> -> memref<10000x16xf32, #tpu.memory_space<vmem_shared>>
      tpu.wait_indirect_dma semaphore(%arg12 : memref<!tpu.dma_semaphore, #tpu.memory_space<semaphore_mem>>) src(%dma_wait3A_631 : memref<128x16xf32, #tpu.memory_space<vmem>>) dst(%dma_wait3A_637 : memref<10000x16xf32, #tpu.memory_space<vmem_shared>>)
      %dma_wait3A_638 = arith.constant 0 : i32
      %dma_wait3A_639 = arith.constant 0 : i32
      %dma_wait3A_640 = tpu.memref_slice %arg9[%dma_wait3A_639] : memref<1000xf32, #tpu.memory_space<vmem>> -> memref<128xf32, #tpu.memory_space<vmem>>
      %dma_wait3A_641 = arith.constant 0 : i32
      %dma_wait3A_642 = tpu.memref_slice %arg8[%dma_wait3A_638, %dma_wait3A_641] : memref<6x128xi32, #tpu.memory_space<vmem>> -> memref<1x128xi32, #tpu.memory_space<vmem>>
      %dma_wait3A_643 = tpu.memref_squeeze %dma_wait3A_642 : memref<1x128xi32, #tpu.memory_space<vmem>> -> memref<128xi32, #tpu.memory_space<vmem>>
      %dma_wait3A_644 = arith.constant 0 : i32
      %dma_wait3A_645 = tpu.memref_slice %arg11[%dma_wait3A_644] : memref<10000xf32, #tpu.memory_space<vmem_shared>> -> memref<10000xf32, #tpu.memory_space<vmem_shared>>
      tpu.wait_indirect_dma semaphore(%arg12 : memref<!tpu.dma_semaphore, #tpu.memory_space<semaphore_mem>>) src(%dma_wait3A_640 : memref<128xf32, #tpu.memory_space<vmem>>) dst(%dma_wait3A_645 : memref<10000xf32, #tpu.memory_space<vmem_shared>>)
      %dma_wait3A_646 = arith.constant 1 : i32
      %dma_wait3A_647 = arith.constant 128 : i32
      %dma_wait3A_648 = tpu.memref_slice %arg9[%dma_wait3A_647] : memref<1000xf32, #tpu.memory_space<vmem>> -> memref<128xf32, #tpu.memory_space<vmem>>
      %dma_wait3A_649 = arith.constant 0 : i32
      %dma_wait3A_650 = tpu.memref_slice %arg8[%dma_wait3A_646, %dma_wait3A_649] : memref<6x128xi32, #tpu.memory_space<vmem>> -> memref<1x128xi32, #tpu.memory_space<vmem>>
      %dma_wait3A_651 = tpu.memref_squeeze %dma_wait3A_650 : memref<1x128xi32, #tpu.memory_space<vmem>> -> memref<128xi32, #tpu.memory_space<vmem>>
      %dma_wait3A_652 = arith.constant 0 : i32
      %dma_wait3A_653 = tpu.memref_slice %arg11[%dma_wait3A_652] : memref<10000xf32, #tpu.memory_space<vmem_shared>> -> memref<10000xf32, #tpu.memory_space<vmem_shared>>
      tpu.wait_indirect_dma semaphore(%arg12 : memref<!tpu.dma_semaphore, #tpu.memory_space<semaphore_mem>>) src(%dma_wait3A_648 : memref<128xf32, #tpu.memory_space<vmem>>) dst(%dma_wait3A_653 : memref<10000xf32, #tpu.memory_space<vmem_shared>>)
      %dma_wait3A_654 = arith.constant 2 : i32
      %dma_wait3A_655 = arith.constant 256 : i32
      %dma_wait3A_656 = tpu.memref_slice %arg9[%dma_wait3A_655] : memref<1000xf32, #tpu.memory_space<vmem>> -> memref<128xf32, #tpu.memory_space<vmem>>
      %dma_wait3A_657 = arith.constant 0 : i32
      %dma_wait3A_658 = tpu.memref_slice %arg8[%dma_wait3A_654, %dma_wait3A_657] : memref<6x128xi32, #tpu.memory_space<vmem>> -> memref<1x128xi32, #tpu.memory_space<vmem>>
      %dma_wait3A_659 = tpu.memref_squeeze %dma_wait3A_658 : memref<1x128xi32, #tpu.memory_space<vmem>> -> memref<128xi32, #tpu.memory_space<vmem>>
      %dma_wait3A_660 = arith.constant 0 : i32
      %dma_wait3A_661 = tpu.memref_slice %arg11[%dma_wait3A_660] : memref<10000xf32, #tpu.memory_space<vmem_shared>> -> memref<10000xf32, #tpu.memory_space<vmem_shared>>
      tpu.wait_indirect_dma semaphore(%arg12 : memref<!tpu.dma_semaphore, #tpu.memory_space<semaphore_mem>>) src(%dma_wait3A_656 : memref<128xf32, #tpu.memory_space<vmem>>) dst(%dma_wait3A_661 : memref<10000xf32, #tpu.memory_space<vmem_shared>>)
      %dma_wait3A_662 = arith.constant 3 : i32
      %dma_wait3A_663 = arith.constant 384 : i32
      %dma_wait3A_664 = tpu.memref_slice %arg9[%dma_wait3A_663] : memref<1000xf32, #tpu.memory_space<vmem>> -> memref<128xf32, #tpu.memory_space<vmem>>
      %dma_wait3A_665 = arith.constant 0 : i32
      %dma_wait3A_666 = tpu.memref_slice %arg8[%dma_wait3A_662, %dma_wait3A_665] : memref<6x128xi32, #tpu.memory_space<vmem>> -> memref<1x128xi32, #tpu.memory_space<vmem>>
      %dma_wait3A_667 = tpu.memref_squeeze %dma_wait3A_666 : memref<1x128xi32, #tpu.memory_space<vmem>> -> memref<128xi32, #tpu.memory_space<vmem>>
      %dma_wait3A_668 = arith.constant 0 : i32
      %dma_wait3A_669 = tpu.memref_slice %arg11[%dma_wait3A_668] : memref<10000xf32, #tpu.memory_space<vmem_shared>> -> memref<10000xf32, #tpu.memory_space<vmem_shared>>
      tpu.wait_indirect_dma semaphore(%arg12 : memref<!tpu.dma_semaphore, #tpu.memory_space<semaphore_mem>>) src(%dma_wait3A_664 : memref<128xf32, #tpu.memory_space<vmem>>) dst(%dma_wait3A_669 : memref<10000xf32, #tpu.memory_space<vmem_shared>>)
      %dma_wait3A_670 = arith.constant 4 : i32
      %dma_wait3A_671 = arith.constant 512 : i32
      %dma_wait3A_672 = tpu.memref_slice %arg9[%dma_wait3A_671] : memref<1000xf32, #tpu.memory_space<vmem>> -> memref<128xf32, #tpu.memory_space<vmem>>
      %dma_wait3A_673 = arith.constant 0 : i32
      %dma_wait3A_674 = tpu.memref_slice %arg8[%dma_wait3A_670, %dma_wait3A_673] : memref<6x128xi32, #tpu.memory_space<vmem>> -> memref<1x128xi32, #tpu.memory_space<vmem>>
      %dma_wait3A_675 = tpu.memref_squeeze %dma_wait3A_674 : memref<1x128xi32, #tpu.memory_space<vmem>> -> memref<128xi32, #tpu.memory_space<vmem>>
      %dma_wait3A_676 = arith.constant 0 : i32
      %dma_wait3A_677 = tpu.memref_slice %arg11[%dma_wait3A_676] : memref<10000xf32, #tpu.memory_space<vmem_shared>> -> memref<10000xf32, #tpu.memory_space<vmem_shared>>
      tpu.wait_indirect_dma semaphore(%arg12 : memref<!tpu.dma_semaphore, #tpu.memory_space<semaphore_mem>>) src(%dma_wait3A_672 : memref<128xf32, #tpu.memory_space<vmem>>) dst(%dma_wait3A_677 : memref<10000xf32, #tpu.memory_space<vmem_shared>>)
      %dma_wait3A_678 = arith.constant 5 : i32
      %dma_wait3A_679 = arith.constant 640 : i32
      %dma_wait3A_680 = tpu.memref_slice %arg9[%dma_wait3A_679] : memref<1000xf32, #tpu.memory_space<vmem>> -> memref<128xf32, #tpu.memory_space<vmem>>
      %dma_wait3A_681 = arith.constant 0 : i32
      %dma_wait3A_682 = tpu.memref_slice %arg8[%dma_wait3A_678, %dma_wait3A_681] : memref<6x128xi32, #tpu.memory_space<vmem>> -> memref<1x128xi32, #tpu.memory_space<vmem>>
      %dma_wait3A_683 = tpu.memref_squeeze %dma_wait3A_682 : memref<1x128xi32, #tpu.memory_space<vmem>> -> memref<128xi32, #tpu.memory_space<vmem>>
      %dma_wait3A_684 = arith.constant 0 : i32
      %dma_wait3A_685 = tpu.memref_slice %arg11[%dma_wait3A_684] : memref<10000xf32, #tpu.memory_space<vmem_shared>> -> memref<10000xf32, #tpu.memory_space<vmem_shared>>
      tpu.wait_indirect_dma semaphore(%arg12 : memref<!tpu.dma_semaphore, #tpu.memory_space<semaphore_mem>>) src(%dma_wait3A_680 : memref<128xf32, #tpu.memory_space<vmem>>) dst(%dma_wait3A_685 : memref<10000xf32, #tpu.memory_space<vmem_shared>>)
    }
    %scan3A_30 = arith.constant 13 : i32
    %lt3A_31 = arith.constant 4 : i32
    %lt3A_32 = arith.cmpi slt, %add3A, %lt3A_31 : i32
    %convert_element_type3A_33 = arith.extui %lt3A_32 : i1 to i32
    %cond3A_34 = arith.constant 0 : i32
    %cond3A_35 = arith.cmpi ne, %convert_element_type3A_33, %cond3A_34 : i32
    scf.if %cond3A_35 {
      %add3A_42 = arith.constant 2496 : i32
      %add3A_43 = arith.addi %add3A_42, %add3A : i32
      %run_scoped3A = arith.constant 0 : i32
      %run_scoped3A_44 = arith.constant 0 : i32
      "tpu.region"() ({
        %run_scoped3A_60 = tpu.sem_alloc : memref<!tpu.dma_semaphore, #tpu.memory_space<semaphore_mem>>
        %dma_start3A = arith.constant 0 : i32
        %dma_start3A_61 = tpu.memref_slice %arg8[%run_scoped3A_44, %dma_start3A] : memref<6x128xi32, #tpu.memory_space<vmem>> -> memref<1x128xi32, #tpu.memory_space<vmem>>
        %dma_start3A_62 = tpu.memref_squeeze %dma_start3A_61 : memref<1x128xi32, #tpu.memory_space<vmem>> -> memref<128xi32, #tpu.memory_space<vmem>>
        %dma_start3A_63 = arith.constant 0 : i32
        %dma_start3A_64 = tpu.memref_slice %arg3[%add3A_43, %run_scoped3A, %dma_start3A_63] : memref<2500x2x128xi32, #tpu.memory_space<hbm>> -> memref<1x1x128xi32, #tpu.memory_space<hbm>>
        %dma_start3A_65 = tpu.memref_squeeze %dma_start3A_64 : memref<1x1x128xi32, #tpu.memory_space<hbm>> -> memref<128xi32, #tpu.memory_space<hbm>>
        %dma_start3A_66 = arith.constant 0 : i32
        %dma_start3A_67 = tpu.memref_slice %arg8[%run_scoped3A_44, %dma_start3A_66] : memref<6x128xi32, #tpu.memory_space<vmem>> -> memref<1x128xi32, #tpu.memory_space<vmem>>
        %dma_start3A_68 = tpu.memref_squeeze %dma_start3A_67 : memref<1x128xi32, #tpu.memory_space<vmem>> -> memref<128xi32, #tpu.memory_space<vmem>>
        %dma_start3A_69 = arith.constant 0 : i32
        %dma_start3A_70 = tpu.memref_slice %arg3[%add3A_43, %run_scoped3A, %dma_start3A_69] : memref<2500x2x128xi32, #tpu.memory_space<hbm>> -> memref<1x1x128xi32, #tpu.memory_space<hbm>>
        %dma_start3A_71 = tpu.memref_squeeze %dma_start3A_70 : memref<1x1x128xi32, #tpu.memory_space<hbm>> -> memref<128xi32, #tpu.memory_space<hbm>>
        tpu.enqueue_dma source(%dma_start3A_71 : memref<128xi32, #tpu.memory_space<hbm>>) target(%dma_start3A_68 : memref<128xi32, #tpu.memory_space<vmem>>) target_semaphore(%run_scoped3A_60 : memref<!tpu.dma_semaphore, #tpu.memory_space<semaphore_mem>>)
        %dma_wait3A = arith.constant 0 : i32
        %dma_wait3A_72 = tpu.memref_slice %arg8[%run_scoped3A_44, %dma_wait3A] : memref<6x128xi32, #tpu.memory_space<vmem>> -> memref<1x128xi32, #tpu.memory_space<vmem>>
        %dma_wait3A_73 = tpu.memref_squeeze %dma_wait3A_72 : memref<1x128xi32, #tpu.memory_space<vmem>> -> memref<128xi32, #tpu.memory_space<vmem>>
        %dma_wait3A_74 = arith.constant 0 : i32
        %dma_wait3A_75 = tpu.memref_slice %arg3[%add3A_43, %run_scoped3A, %dma_wait3A_74] : memref<2500x2x128xi32, #tpu.memory_space<hbm>> -> memref<1x1x128xi32, #tpu.memory_space<hbm>>
        %dma_wait3A_76 = tpu.memref_squeeze %dma_wait3A_75 : memref<1x1x128xi32, #tpu.memory_space<hbm>> -> memref<128xi32, #tpu.memory_space<hbm>>
        %dma_wait3A_77 = arith.constant 0 : i32
        %dma_wait3A_78 = tpu.memref_slice %arg8[%run_scoped3A_44, %dma_wait3A_77] : memref<6x128xi32, #tpu.memory_space<vmem>> -> memref<1x128xi32, #tpu.memory_space<vmem>>
        %dma_wait3A_79 = tpu.memref_squeeze %dma_wait3A_78 : memref<1x128xi32, #tpu.memory_space<vmem>> -> memref<128xi32, #tpu.memory_space<vmem>>
        %dma_wait3A_80 = arith.constant 0 : i32
        %dma_wait3A_81 = tpu.memref_slice %arg3[%add3A_43, %run_scoped3A, %dma_wait3A_80] : memref<2500x2x128xi32, #tpu.memory_space<hbm>> -> memref<1x1x128xi32, #tpu.memory_space<hbm>>
        %dma_wait3A_82 = tpu.memref_squeeze %dma_wait3A_81 : memref<1x1x128xi32, #tpu.memory_space<hbm>> -> memref<128xi32, #tpu.memory_space<hbm>>
        tpu.wait_dma2 semaphore(%run_scoped3A_60 : memref<!tpu.dma_semaphore, #tpu.memory_space<semaphore_mem>>) src(%dma_wait3A_82 : memref<128xi32, #tpu.memory_space<hbm>>) dst(%dma_wait3A_79 : memref<128xi32, #tpu.memory_space<vmem>>)
        tpu.yield
      }) : () -> ()
      %run_scoped3A_45 = arith.constant 0 : i32
      "tpu.region"() ({
        %run_scoped3A_60 = tpu.sem_alloc : memref<!tpu.dma_semaphore, #tpu.memory_space<semaphore_mem>>
        %dma_start3A = arith.constant 0 : i32
        %dma_start3A_61 = arith.constant 0 : i32
        %dma_start3A_62 = tpu.memref_slice %arg7[%dma_start3A, %dma_start3A_61] : memref<96x129xf32, #tpu.memory_space<vmem>> -> memref<8x128xf32, #tpu.memory_space<vmem>>
        %dma_start3A_63 = arith.constant 0 : i32
        %dma_start3A_64 = arith.constant 0 : i32
        %dma_start3A_65 = tpu.memref_slice %arg2[%run_scoped3A_45, %add3A_43, %dma_start3A_63, %dma_start3A_64] : memref<2x2500x8x128xf32, #tpu.memory_space<hbm>> -> memref<1x1x8x128xf32, #tpu.memory_space<hbm>>
        %dma_start3A_66 = tpu.memref_squeeze %dma_start3A_65 : memref<1x1x8x128xf32, #tpu.memory_space<hbm>> -> memref<8x128xf32, #tpu.memory_space<hbm>>
        %dma_start3A_67 = arith.constant 0 : i32
        %dma_start3A_68 = arith.constant 0 : i32
        %dma_start3A_69 = tpu.memref_slice %arg7[%dma_start3A_67, %dma_start3A_68] : memref<96x129xf32, #tpu.memory_space<vmem>> -> memref<8x128xf32, #tpu.memory_space<vmem>>
        %dma_start3A_70 = arith.constant 0 : i32
        %dma_start3A_71 = arith.constant 0 : i32
        %dma_start3A_72 = tpu.memref_slice %arg2[%run_scoped3A_45, %add3A_43, %dma_start3A_70, %dma_start3A_71] : memref<2x2500x8x128xf32, #tpu.memory_space<hbm>> -> memref<1x1x8x128xf32, #tpu.memory_space<hbm>>
        %dma_start3A_73 = tpu.memref_squeeze %dma_start3A_72 : memref<1x1x8x128xf32, #tpu.memory_space<hbm>> -> memref<8x128xf32, #tpu.memory_space<hbm>>
        tpu.enqueue_dma source(%dma_start3A_73 : memref<8x128xf32, #tpu.memory_space<hbm>>) target(%dma_start3A_69 : memref<8x128xf32, #tpu.memory_space<vmem>>) target_semaphore(%run_scoped3A_60 : memref<!tpu.dma_semaphore, #tpu.memory_space<semaphore_mem>>)
        %dma_wait3A = arith.constant 0 : i32
        %dma_wait3A_74 = arith.constant 0 : i32
        %dma_wait3A_75 = tpu.memref_slice %arg7[%dma_wait3A, %dma_wait3A_74] : memref<96x129xf32, #tpu.memory_space<vmem>> -> memref<8x128xf32, #tpu.memory_space<vmem>>
        %dma_wait3A_76 = arith.constant 0 : i32
        %dma_wait3A_77 = arith.constant 0 : i32
        %dma_wait3A_78 = tpu.memref_slice %arg2[%run_scoped3A_45, %add3A_43, %dma_wait3A_76, %dma_wait3A_77] : memref<2x2500x8x128xf32, #tpu.memory_space<hbm>> -> memref<1x1x8x128xf32, #tpu.memory_space<hbm>>
        %dma_wait3A_79 = tpu.memref_squeeze %dma_wait3A_78 : memref<1x1x8x128xf32, #tpu.memory_space<hbm>> -> memref<8x128xf32, #tpu.memory_space<hbm>>
        %dma_wait3A_80 = arith.constant 0 : i32
        %dma_wait3A_81 = arith.constant 0 : i32
        %dma_wait3A_82 = tpu.memref_slice %arg7[%dma_wait3A_80, %dma_wait3A_81] : memref<96x129xf32, #tpu.memory_space<vmem>> -> memref<8x128xf32, #tpu.memory_space<vmem>>
        %dma_wait3A_83 = arith.constant 0 : i32
        %dma_wait3A_84 = arith.constant 0 : i32
        %dma_wait3A_85 = tpu.memref_slice %arg2[%run_scoped3A_45, %add3A_43, %dma_wait3A_83, %dma_wait3A_84] : memref<2x2500x8x128xf32, #tpu.memory_space<hbm>> -> memref<1x1x8x128xf32, #tpu.memory_space<hbm>>
        %dma_wait3A_86 = tpu.memref_squeeze %dma_wait3A_85 : memref<1x1x8x128xf32, #tpu.memory_space<hbm>> -> memref<8x128xf32, #tpu.memory_space<hbm>>
        tpu.wait_dma2 semaphore(%run_scoped3A_60 : memref<!tpu.dma_semaphore, #tpu.memory_space<semaphore_mem>>) src(%dma_wait3A_86 : memref<8x128xf32, #tpu.memory_space<hbm>>) dst(%dma_wait3A_82 : memref<8x128xf32, #tpu.memory_space<vmem>>)
        tpu.yield
      }) : () -> ()
      %run_scoped3A_46 = arith.constant 1 : i32
      "tpu.region"() ({
        %run_scoped3A_60 = tpu.sem_alloc : memref<!tpu.dma_semaphore, #tpu.memory_space<semaphore_mem>>
        %dma_start3A = arith.constant 8 : i32
        %dma_start3A_61 = arith.constant 0 : i32
        %dma_start3A_62 = tpu.memref_slice %arg7[%dma_start3A, %dma_start3A_61] : memref<96x129xf32, #tpu.memory_space<vmem>> -> memref<8x128xf32, #tpu.memory_space<vmem>>
        %dma_start3A_63 = arith.constant 0 : i32
        %dma_start3A_64 = arith.constant 0 : i32
        %dma_start3A_65 = tpu.memref_slice %arg2[%run_scoped3A_46, %add3A_43, %dma_start3A_63, %dma_start3A_64] : memref<2x2500x8x128xf32, #tpu.memory_space<hbm>> -> memref<1x1x8x128xf32, #tpu.memory_space<hbm>>
        %dma_start3A_66 = tpu.memref_squeeze %dma_start3A_65 : memref<1x1x8x128xf32, #tpu.memory_space<hbm>> -> memref<8x128xf32, #tpu.memory_space<hbm>>
        %dma_start3A_67 = arith.constant 8 : i32
        %dma_start3A_68 = arith.constant 0 : i32
        %dma_start3A_69 = tpu.memref_slice %arg7[%dma_start3A_67, %dma_start3A_68] : memref<96x129xf32, #tpu.memory_space<vmem>> -> memref<8x128xf32, #tpu.memory_space<vmem>>
        %dma_start3A_70 = arith.constant 0 : i32
        %dma_start3A_71 = arith.constant 0 : i32
        %dma_start3A_72 = tpu.memref_slice %arg2[%run_scoped3A_46, %add3A_43, %dma_start3A_70, %dma_start3A_71] : memref<2x2500x8x128xf32, #tpu.memory_space<hbm>> -> memref<1x1x8x128xf32, #tpu.memory_space<hbm>>
        %dma_start3A_73 = tpu.memref_squeeze %dma_start3A_72 : memref<1x1x8x128xf32, #tpu.memory_space<hbm>> -> memref<8x128xf32, #tpu.memory_space<hbm>>
        tpu.enqueue_dma source(%dma_start3A_73 : memref<8x128xf32, #tpu.memory_space<hbm>>) target(%dma_start3A_69 : memref<8x128xf32, #tpu.memory_space<vmem>>) target_semaphore(%run_scoped3A_60 : memref<!tpu.dma_semaphore, #tpu.memory_space<semaphore_mem>>)
        %dma_wait3A = arith.constant 8 : i32
        %dma_wait3A_74 = arith.constant 0 : i32
        %dma_wait3A_75 = tpu.memref_slice %arg7[%dma_wait3A, %dma_wait3A_74] : memref<96x129xf32, #tpu.memory_space<vmem>> -> memref<8x128xf32, #tpu.memory_space<vmem>>
        %dma_wait3A_76 = arith.constant 0 : i32
        %dma_wait3A_77 = arith.constant 0 : i32
        %dma_wait3A_78 = tpu.memref_slice %arg2[%run_scoped3A_46, %add3A_43, %dma_wait3A_76, %dma_wait3A_77] : memref<2x2500x8x128xf32, #tpu.memory_space<hbm>> -> memref<1x1x8x128xf32, #tpu.memory_space<hbm>>
        %dma_wait3A_79 = tpu.memref_squeeze %dma_wait3A_78 : memref<1x1x8x128xf32, #tpu.memory_space<hbm>> -> memref<8x128xf32, #tpu.memory_space<hbm>>
        %dma_wait3A_80 = arith.constant 8 : i32
        %dma_wait3A_81 = arith.constant 0 : i32
        %dma_wait3A_82 = tpu.memref_slice %arg7[%dma_wait3A_80, %dma_wait3A_81] : memref<96x129xf32, #tpu.memory_space<vmem>> -> memref<8x128xf32, #tpu.memory_space<vmem>>
        %dma_wait3A_83 = arith.constant 0 : i32
        %dma_wait3A_84 = arith.constant 0 : i32
        %dma_wait3A_85 = tpu.memref_slice %arg2[%run_scoped3A_46, %add3A_43, %dma_wait3A_83, %dma_wait3A_84] : memref<2x2500x8x128xf32, #tpu.memory_space<hbm>> -> memref<1x1x8x128xf32, #tpu.memory_space<hbm>>
        %dma_wait3A_86 = tpu.memref_squeeze %dma_wait3A_85 : memref<1x1x8x128xf32, #tpu.memory_space<hbm>> -> memref<8x128xf32, #tpu.memory_space<hbm>>
        tpu.wait_dma2 semaphore(%run_scoped3A_60 : memref<!tpu.dma_semaphore, #tpu.memory_space<semaphore_mem>>) src(%dma_wait3A_86 : memref<8x128xf32, #tpu.memory_space<hbm>>) dst(%dma_wait3A_82 : memref<8x128xf32, #tpu.memory_space<vmem>>)
        tpu.yield
      }) : () -> ()
      %broadcast_in_dim3A_47 = arith.constant 0 : i32
      %broadcast_in_dim3A_48 = vector.broadcast %broadcast_in_dim3A_47 : i32 to vector<16xi32>
      %add3A_49 = arith.addi %iota3A, %broadcast_in_dim3A_48 : vector<16xi32>
      %broadcast_in_dim3A_50 = arith.constant 0 : i32
      %broadcast_in_dim3A_51 = vector.broadcast %broadcast_in_dim3A_50 : i32 to vector<16xi32>
      %scan3A_52 = arith.constant 0 : i32
      %scan3A_53 = arith.constant 32 : i32
      %scan3A_54 = arith.addi %scan3A_52, %scan3A_53 : i32
      %scan3A_55 = arith.constant 1 : i32
      %scan3A_56 = scf.for %scan3A_60 = %scan3A_52 to %scan3A_54 step %scan3A_55 iter_args(%scan3A_61 = %broadcast_in_dim3A_51) -> (vector<16xi32>)  : i32 {
        %mul3A_62 = arith.constant 4 : i32
        %mul3A_63 = arith.muli %scan3A_60, %mul3A_62 : i32
        %gather3A = tpu.vector_load_idx %arg7[%add3A_49, %scan3A_61] : memref<96x129xf32, #tpu.memory_space<vmem>>[vector<16xi32>, vector<16xi32>], vector<16xf32>,
        %add3A_64 = arith.addi %scan3A_61, %broadcast_in_dim3A_24 : vector<16xi32>
        %gather3A_65 = tpu.vector_load_idx %arg7[%add3A_49, %add3A_64] : memref<96x129xf32, #tpu.memory_space<vmem>>[vector<16xi32>, vector<16xi32>], vector<16xf32>,
        %add3A_66 = arith.addi %add3A_64, %broadcast_in_dim3A_24 : vector<16xi32>
        %gather3A_67 = tpu.vector_load_idx %arg7[%add3A_49, %add3A_66] : memref<96x129xf32, #tpu.memory_space<vmem>>[vector<16xi32>, vector<16xi32>], vector<16xf32>,
        %add3A_68 = arith.addi %add3A_66, %broadcast_in_dim3A_24 : vector<16xi32>
        %gather3A_69 = tpu.vector_load_idx %arg7[%add3A_49, %add3A_68] : memref<96x129xf32, #tpu.memory_space<vmem>>[vector<16xi32>, vector<16xi32>], vector<16xf32>,
        %add3A_70 = arith.addi %add3A_68, %broadcast_in_dim3A_24 : vector<16xi32>
        %add3A_71 = arith.constant 0 : i32
        %add3A_72 = arith.addi %add3A_71, %mul3A_63 : i32
        %add3A_73 = arith.constant 0 : i32
        %add3A_74 = arith.addi %add3A_72, %add3A_73 : i32
        %swap3A = arith.index_cast %add3A_74 : i32 to index
        %swap3A_75 = arith.constant 0 : index
        %swap3A_76 = tpu.vector_load %arg6[%swap3A, %swap3A_75] {strides = array<i32>} : memref<1000x16xf32, #tpu.memory_space<vmem>>, vector<16xf32>,
        tpu.vector_store %arg6[%swap3A, %swap3A_75], %gather3A {strides = array<i32>} : memref<1000x16xf32, #tpu.memory_space<vmem>>, vector<16xf32>,
        %add3A_77 = arith.constant 0 : i32
        %add3A_78 = arith.addi %add3A_77, %mul3A_63 : i32
        %add3A_79 = arith.constant 1 : i32
        %add3A_80 = arith.addi %add3A_78, %add3A_79 : i32
        %swap3A_81 = arith.index_cast %add3A_80 : i32 to index
        %swap3A_82 = arith.constant 0 : index
        %swap3A_83 = tpu.vector_load %arg6[%swap3A_81, %swap3A_82] {strides = array<i32>} : memref<1000x16xf32, #tpu.memory_space<vmem>>, vector<16xf32>,
        tpu.vector_store %arg6[%swap3A_81, %swap3A_82], %gather3A_65 {strides = array<i32>} : memref<1000x16xf32, #tpu.memory_space<vmem>>, vector<16xf32>,
        %add3A_84 = arith.constant 0 : i32
        %add3A_85 = arith.addi %add3A_84, %mul3A_63 : i32
        %add3A_86 = arith.constant 2 : i32
        %add3A_87 = arith.addi %add3A_85, %add3A_86 : i32
        %swap3A_88 = arith.index_cast %add3A_87 : i32 to index
        %swap3A_89 = arith.constant 0 : index
        %swap3A_90 = tpu.vector_load %arg6[%swap3A_88, %swap3A_89] {strides = array<i32>} : memref<1000x16xf32, #tpu.memory_space<vmem>>, vector<16xf32>,
        tpu.vector_store %arg6[%swap3A_88, %swap3A_89], %gather3A_67 {strides = array<i32>} : memref<1000x16xf32, #tpu.memory_space<vmem>>, vector<16xf32>,
        %add3A_91 = arith.constant 0 : i32
        %add3A_92 = arith.addi %add3A_91, %mul3A_63 : i32
        %add3A_93 = arith.constant 3 : i32
        %add3A_94 = arith.addi %add3A_92, %add3A_93 : i32
        %swap3A_95 = arith.index_cast %add3A_94 : i32 to index
        %swap3A_96 = arith.constant 0 : index
        %swap3A_97 = tpu.vector_load %arg6[%swap3A_95, %swap3A_96] {strides = array<i32>} : memref<1000x16xf32, #tpu.memory_space<vmem>>, vector<16xf32>,
        tpu.vector_store %arg6[%swap3A_95, %swap3A_96], %gather3A_69 {strides = array<i32>} : memref<1000x16xf32, #tpu.memory_space<vmem>>, vector<16xf32>,
        scf.yield %add3A_70 : vector<16xi32>
      }
      %scan3A_57 = arith.constant 32 : i32
      %run_scoped3A_58 = arith.constant 0 : i32
      "tpu.region"() ({
        %run_scoped3A_60 = tpu.sem_alloc : memref<!tpu.dma_semaphore, #tpu.memory_space<semaphore_mem>>
        %dma_start3A = arith.constant 0 : i32
        %dma_start3A_61 = arith.constant 0 : i32
        %dma_start3A_62 = tpu.memref_slice %arg6[%dma_start3A, %dma_start3A_61] : memref<1000x16xf32, #tpu.memory_space<vmem>> -> memref<128x16xf32, #tpu.memory_space<vmem>>
        %dma_start3A_63 = arith.constant 0 : i32
        %dma_start3A_64 = tpu.memref_slice %arg8[%run_scoped3A_58, %dma_start3A_63] : memref<6x128xi32, #tpu.memory_space<vmem>> -> memref<1x128xi32, #tpu.memory_space<vmem>>
        %dma_start3A_65 = tpu.memref_squeeze %dma_start3A_64 : memref<1x128xi32, #tpu.memory_space<vmem>> -> memref<128xi32, #tpu.memory_space<vmem>>
        %dma_start3A_66 = arith.constant 0 : i32
        %dma_start3A_67 = arith.constant 0 : i32
        %dma_start3A_68 = tpu.memref_slice %arg10[%dma_start3A_66, %dma_start3A_67] : memref<10000x16xf32, #tpu.memory_space<vmem_shared>> -> memref<10000x16xf32, #tpu.memory_space<vmem_shared>>
        tpu.enqueue_indirect_dma source(%dma_start3A_62 : memref<128x16xf32, #tpu.memory_space<vmem>>) target(%dma_start3A_68 : memref<10000x16xf32, #tpu.memory_space<vmem_shared>>) offsets(%dma_start3A_65 : memref<128xi32, #tpu.memory_space<vmem>>) semaphore(%run_scoped3A_60 : memref<!tpu.dma_semaphore, #tpu.memory_space<semaphore_mem>>) {add = true}
        %dma_wait3A = arith.constant 0 : i32
        %dma_wait3A_69 = arith.constant 0 : i32
        %dma_wait3A_70 = tpu.memref_slice %arg6[%dma_wait3A, %dma_wait3A_69] : memref<1000x16xf32, #tpu.memory_space<vmem>> -> memref<128x16xf32, #tpu.memory_space<vmem>>
        %dma_wait3A_71 = arith.constant 0 : i32
        %dma_wait3A_72 = tpu.memref_slice %arg8[%run_scoped3A_58, %dma_wait3A_71] : memref<6x128xi32, #tpu.memory_space<vmem>> -> memref<1x128xi32, #tpu.memory_space<vmem>>
        %dma_wait3A_73 = tpu.memref_squeeze %dma_wait3A_72 : memref<1x128xi32, #tpu.memory_space<vmem>> -> memref<128xi32, #tpu.memory_space<vmem>>
        %dma_wait3A_74 = arith.constant 0 : i32
        %dma_wait3A_75 = arith.constant 0 : i32
        %dma_wait3A_76 = tpu.memref_slice %arg10[%dma_wait3A_74, %dma_wait3A_75] : memref<10000x16xf32, #tpu.memory_space<vmem_shared>> -> memref<10000x16xf32, #tpu.memory_space<vmem_shared>>
        tpu.wait_indirect_dma semaphore(%run_scoped3A_60 : memref<!tpu.dma_semaphore, #tpu.memory_space<semaphore_mem>>) src(%dma_wait3A_70 : memref<128x16xf32, #tpu.memory_space<vmem>>) dst(%dma_wait3A_76 : memref<10000x16xf32, #tpu.memory_space<vmem_shared>>)
        tpu.yield
      }) : () -> ()
      %run_scoped3A_59 = arith.constant 0 : i32
      "tpu.region"() ({
        %run_scoped3A_60 = tpu.sem_alloc : memref<!tpu.dma_semaphore, #tpu.memory_space<semaphore_mem>>
        %dma_start3A = arith.constant 0 : i32
        %dma_start3A_61 = tpu.memref_slice %arg9[%dma_start3A] : memref<1000xf32, #tpu.memory_space<vmem>> -> memref<128xf32, #tpu.memory_space<vmem>>
        %dma_start3A_62 = arith.constant 0 : i32
        %dma_start3A_63 = tpu.memref_slice %arg8[%run_scoped3A_59, %dma_start3A_62] : memref<6x128xi32, #tpu.memory_space<vmem>> -> memref<1x128xi32, #tpu.memory_space<vmem>>
        %dma_start3A_64 = tpu.memref_squeeze %dma_start3A_63 : memref<1x128xi32, #tpu.memory_space<vmem>> -> memref<128xi32, #tpu.memory_space<vmem>>
        %dma_start3A_65 = arith.constant 0 : i32
        %dma_start3A_66 = tpu.memref_slice %arg11[%dma_start3A_65] : memref<10000xf32, #tpu.memory_space<vmem_shared>> -> memref<10000xf32, #tpu.memory_space<vmem_shared>>
        tpu.enqueue_indirect_dma source(%dma_start3A_61 : memref<128xf32, #tpu.memory_space<vmem>>) target(%dma_start3A_66 : memref<10000xf32, #tpu.memory_space<vmem_shared>>) offsets(%dma_start3A_64 : memref<128xi32, #tpu.memory_space<vmem>>) semaphore(%run_scoped3A_60 : memref<!tpu.dma_semaphore, #tpu.memory_space<semaphore_mem>>) {add = true}
        %dma_wait3A = arith.constant 0 : i32
        %dma_wait3A_67 = tpu.memref_slice %arg9[%dma_wait3A] : memref<1000xf32, #tpu.memory_space<vmem>> -> memref<128xf32, #tpu.memory_space<vmem>>
        %dma_wait3A_68 = arith.constant 0 : i32
        %dma_wait3A_69 = tpu.memref_slice %arg8[%run_scoped3A_59, %dma_wait3A_68] : memref<6x128xi32, #tpu.memory_space<vmem>> -> memref<1x128xi32, #tpu.memory_space<vmem>>
        %dma_wait3A_70 = tpu.memref_squeeze %dma_wait3A_69 : memref<1x128xi32, #tpu.memory_space<vmem>> -> memref<128xi32, #tpu.memory_space<vmem>>
        %dma_wait3A_71 = arith.constant 0 : i32
        %dma_wait3A_72 = tpu.memref_slice %arg11[%dma_wait3A_71] : memref<10000xf32, #tpu.memory_space<vmem_shared>> -> memref<10000xf32, #tpu.memory_space<vmem_shared>>
        tpu.wait_indirect_dma semaphore(%run_scoped3A_60 : memref<!tpu.dma_semaphore, #tpu.memory_space<semaphore_mem>>) src(%dma_wait3A_67 : memref<128xf32, #tpu.memory_space<vmem>>) dst(%dma_wait3A_72 : memref<10000xf32, #tpu.memory_space<vmem_shared>>)
        tpu.yield
      }) : () -> ()
    } else {
    }
    %barrier3A_36 = arith.constant 0 : index
    tpu.barrier barrier_id(%barrier3A_36)
    %lt3A_37 = arith.constant 10 : i32
    %lt3A_38 = arith.cmpi slt, %arg1, %lt3A_37 : i32
    %convert_element_type3A_39 = arith.extui %lt3A_38 : i1 to i32
    %cond3A_40 = arith.constant 0 : i32
    %cond3A_41 = arith.cmpi ne, %convert_element_type3A_39, %cond3A_40 : i32
    scf.if %cond3A_41 {
      %mul3A_42 = arith.constant 1000 : i32
      %mul3A_43 = arith.muli %arg1, %mul3A_42 : i32
      "tpu.region"() ({
        %run_scoped3A = tpu.sem_alloc : memref<!tpu.dma_semaphore, #tpu.memory_space<semaphore_mem>>
        %dma_start3A = arith.constant 0 : i32
        %dma_start3A_50 = arith.constant 0 : i32
        %dma_start3A_51 = tpu.memref_slice %arg6[%dma_start3A, %dma_start3A_50] : memref<1000x16xf32, #tpu.memory_space<vmem>> -> memref<1000x16xf32, #tpu.memory_space<vmem>>
        %dma_start3A_52 = arith.constant 0 : i32
        %dma_start3A_53 = tpu.memref_slice %arg10[%mul3A_43, %dma_start3A_52] : memref<10000x16xf32, #tpu.memory_space<vmem_shared>> -> memref<1000x16xf32, #tpu.memory_space<vmem_shared>>
        %dma_start3A_54 = arith.constant 0 : i32
        %dma_start3A_55 = arith.constant 0 : i32
        %dma_start3A_56 = tpu.memref_slice %arg6[%dma_start3A_54, %dma_start3A_55] : memref<1000x16xf32, #tpu.memory_space<vmem>> -> memref<1000x16xf32, #tpu.memory_space<vmem>>
        %dma_start3A_57 = arith.constant 0 : i32
        %dma_start3A_58 = tpu.memref_slice %arg10[%mul3A_43, %dma_start3A_57] : memref<10000x16xf32, #tpu.memory_space<vmem_shared>> -> memref<1000x16xf32, #tpu.memory_space<vmem_shared>>
        tpu.enqueue_dma source(%dma_start3A_58 : memref<1000x16xf32, #tpu.memory_space<vmem_shared>>) target(%dma_start3A_56 : memref<1000x16xf32, #tpu.memory_space<vmem>>) target_semaphore(%run_scoped3A : memref<!tpu.dma_semaphore, #tpu.memory_space<semaphore_mem>>)
        %dma_wait3A = arith.constant 0 : i32
        %dma_wait3A_59 = arith.constant 0 : i32
        %dma_wait3A_60 = tpu.memref_slice %arg6[%dma_wait3A, %dma_wait3A_59] : memref<1000x16xf32, #tpu.memory_space<vmem>> -> memref<1000x16xf32, #tpu.memory_space<vmem>>
        %dma_wait3A_61 = arith.constant 0 : i32
        %dma_wait3A_62 = tpu.memref_slice %arg10[%mul3A_43, %dma_wait3A_61] : memref<10000x16xf32, #tpu.memory_space<vmem_shared>> -> memref<1000x16xf32, #tpu.memory_space<vmem_shared>>
        %dma_wait3A_63 = arith.constant 0 : i32
        %dma_wait3A_64 = arith.constant 0 : i32
        %dma_wait3A_65 = tpu.memref_slice %arg6[%dma_wait3A_63, %dma_wait3A_64] : memref<1000x16xf32, #tpu.memory_space<vmem>> -> memref<1000x16xf32, #tpu.memory_space<vmem>>
        %dma_wait3A_66 = arith.constant 0 : i32
        %dma_wait3A_67 = tpu.memref_slice %arg10[%mul3A_43, %dma_wait3A_66] : memref<10000x16xf32, #tpu.memory_space<vmem_shared>> -> memref<1000x16xf32, #tpu.memory_space<vmem_shared>>
        tpu.wait_dma2 semaphore(%run_scoped3A : memref<!tpu.dma_semaphore, #tpu.memory_space<semaphore_mem>>) src(%dma_wait3A_67 : memref<1000x16xf32, #tpu.memory_space<vmem_shared>>) dst(%dma_wait3A_65 : memref<1000x16xf32, #tpu.memory_space<vmem>>)
        tpu.yield
      }) : () -> ()
      %mul3A_44 = arith.constant 1000 : i32
      %mul3A_45 = arith.muli %arg1, %mul3A_44 : i32
      "tpu.region"() ({
        %run_scoped3A = tpu.sem_alloc : memref<!tpu.dma_semaphore, #tpu.memory_space<semaphore_mem>>
        %dma_start3A = arith.constant 0 : i32
        %dma_start3A_50 = arith.constant 0 : i32
        %dma_start3A_51 = tpu.memref_slice %arg6[%dma_start3A, %dma_start3A_50] : memref<1000x16xf32, #tpu.memory_space<vmem>> -> memref<1000x16xf32, #tpu.memory_space<vmem>>
        %dma_start3A_52 = arith.constant 0 : i32
        %dma_start3A_53 = tpu.memref_slice %arg4[%arg0, %mul3A_45, %dma_start3A_52] : memref<2x10000x16xf32, #tpu.memory_space<hbm>> -> memref<1x1000x16xf32, #tpu.memory_space<hbm>>
        %dma_start3A_54 = tpu.memref_squeeze %dma_start3A_53 : memref<1x1000x16xf32, #tpu.memory_space<hbm>> -> memref<1000x16xf32, #tpu.memory_space<hbm>>
        %dma_start3A_55 = arith.constant 0 : i32
        %dma_start3A_56 = tpu.memref_slice %arg4[%arg0, %mul3A_45, %dma_start3A_55] : memref<2x10000x16xf32, #tpu.memory_space<hbm>> -> memref<1x1000x16xf32, #tpu.memory_space<hbm>>
        %dma_start3A_57 = tpu.memref_squeeze %dma_start3A_56 : memref<1x1000x16xf32, #tpu.memory_space<hbm>> -> memref<1000x16xf32, #tpu.memory_space<hbm>>
        %dma_start3A_58 = arith.constant 0 : i32
        %dma_start3A_59 = arith.constant 0 : i32
        %dma_start3A_60 = tpu.memref_slice %arg6[%dma_start3A_58, %dma_start3A_59] : memref<1000x16xf32, #tpu.memory_space<vmem>> -> memref<1000x16xf32, #tpu.memory_space<vmem>>
        tpu.enqueue_dma source(%dma_start3A_60 : memref<1000x16xf32, #tpu.memory_space<vmem>>) target(%dma_start3A_57 : memref<1000x16xf32, #tpu.memory_space<hbm>>) target_semaphore(%run_scoped3A : memref<!tpu.dma_semaphore, #tpu.memory_space<semaphore_mem>>)
        %dma_wait3A = arith.constant 0 : i32
        %dma_wait3A_61 = arith.constant 0 : i32
        %dma_wait3A_62 = tpu.memref_slice %arg6[%dma_wait3A, %dma_wait3A_61] : memref<1000x16xf32, #tpu.memory_space<vmem>> -> memref<1000x16xf32, #tpu.memory_space<vmem>>
        %dma_wait3A_63 = arith.constant 0 : i32
        %dma_wait3A_64 = tpu.memref_slice %arg4[%arg0, %mul3A_45, %dma_wait3A_63] : memref<2x10000x16xf32, #tpu.memory_space<hbm>> -> memref<1x1000x16xf32, #tpu.memory_space<hbm>>
        %dma_wait3A_65 = tpu.memref_squeeze %dma_wait3A_64 : memref<1x1000x16xf32, #tpu.memory_space<hbm>> -> memref<1000x16xf32, #tpu.memory_space<hbm>>
        %dma_wait3A_66 = arith.constant 0 : i32
        %dma_wait3A_67 = tpu.memref_slice %arg4[%arg0, %mul3A_45, %dma_wait3A_66] : memref<2x10000x16xf32, #tpu.memory_space<hbm>> -> memref<1x1000x16xf32, #tpu.memory_space<hbm>>
        %dma_wait3A_68 = tpu.memref_squeeze %dma_wait3A_67 : memref<1x1000x16xf32, #tpu.memory_space<hbm>> -> memref<1000x16xf32, #tpu.memory_space<hbm>>
        %dma_wait3A_69 = arith.constant 0 : i32
        %dma_wait3A_70 = arith.constant 0 : i32
        %dma_wait3A_71 = tpu.memref_slice %arg6[%dma_wait3A_69, %dma_wait3A_70] : memref<1000x16xf32, #tpu.memory_space<vmem>> -> memref<1000x16xf32, #tpu.memory_space<vmem>>
        tpu.wait_dma2 semaphore(%run_scoped3A : memref<!tpu.dma_semaphore, #tpu.memory_space<semaphore_mem>>) src(%dma_wait3A_71 : memref<1000x16xf32, #tpu.memory_space<vmem>>) dst(%dma_wait3A_68 : memref<1000x16xf32, #tpu.memory_space<hbm>>)
        tpu.yield
      }) : () -> ()
      %mul3A_46 = arith.constant 1000 : i32
      %mul3A_47 = arith.muli %arg1, %mul3A_46 : i32
      "tpu.region"() ({
        %run_scoped3A = tpu.sem_alloc : memref<!tpu.dma_semaphore, #tpu.memory_space<semaphore_mem>>
        %dma_start3A = arith.constant 0 : i32
        %dma_start3A_50 = tpu.memref_slice %arg9[%dma_start3A] : memref<1000xf32, #tpu.memory_space<vmem>> -> memref<1000xf32, #tpu.memory_space<vmem>>
        %dma_start3A_51 = tpu.memref_slice %arg11[%mul3A_47] : memref<10000xf32, #tpu.memory_space<vmem_shared>> -> memref<1000xf32, #tpu.memory_space<vmem_shared>>
        %dma_start3A_52 = arith.constant 0 : i32
        %dma_start3A_53 = tpu.memref_slice %arg9[%dma_start3A_52] : memref<1000xf32, #tpu.memory_space<vmem>> -> memref<1000xf32, #tpu.memory_space<vmem>>
        %dma_start3A_54 = tpu.memref_slice %arg11[%mul3A_47] : memref<10000xf32, #tpu.memory_space<vmem_shared>> -> memref<1000xf32, #tpu.memory_space<vmem_shared>>
        tpu.enqueue_dma source(%dma_start3A_54 : memref<1000xf32, #tpu.memory_space<vmem_shared>>) target(%dma_start3A_53 : memref<1000xf32, #tpu.memory_space<vmem>>) target_semaphore(%run_scoped3A : memref<!tpu.dma_semaphore, #tpu.memory_space<semaphore_mem>>)
        %dma_wait3A = arith.constant 0 : i32
        %dma_wait3A_55 = tpu.memref_slice %arg9[%dma_wait3A] : memref<1000xf32, #tpu.memory_space<vmem>> -> memref<1000xf32, #tpu.memory_space<vmem>>
        %dma_wait3A_56 = tpu.memref_slice %arg11[%mul3A_47] : memref<10000xf32, #tpu.memory_space<vmem_shared>> -> memref<1000xf32, #tpu.memory_space<vmem_shared>>
        %dma_wait3A_57 = arith.constant 0 : i32
        %dma_wait3A_58 = tpu.memref_slice %arg9[%dma_wait3A_57] : memref<1000xf32, #tpu.memory_space<vmem>> -> memref<1000xf32, #tpu.memory_space<vmem>>
        %dma_wait3A_59 = tpu.memref_slice %arg11[%mul3A_47] : memref<10000xf32, #tpu.memory_space<vmem_shared>> -> memref<1000xf32, #tpu.memory_space<vmem_shared>>
        tpu.wait_dma2 semaphore(%run_scoped3A : memref<!tpu.dma_semaphore, #tpu.memory_space<semaphore_mem>>) src(%dma_wait3A_59 : memref<1000xf32, #tpu.memory_space<vmem_shared>>) dst(%dma_wait3A_58 : memref<1000xf32, #tpu.memory_space<vmem>>)
        tpu.yield
      }) : () -> ()
      %mul3A_48 = arith.constant 1000 : i32
      %mul3A_49 = arith.muli %arg1, %mul3A_48 : i32
      "tpu.region"() ({
        %run_scoped3A = tpu.sem_alloc : memref<!tpu.dma_semaphore, #tpu.memory_space<semaphore_mem>>
        %dma_start3A = arith.constant 0 : i32
        %dma_start3A_50 = tpu.memref_slice %arg9[%dma_start3A] : memref<1000xf32, #tpu.memory_space<vmem>> -> memref<1000xf32, #tpu.memory_space<vmem>>
        %dma_start3A_51 = tpu.memref_slice %arg5[%arg0, %mul3A_49] : memref<2x10000xf32, #tpu.memory_space<hbm>> -> memref<1x1000xf32, #tpu.memory_space<hbm>>
        %dma_start3A_52 = tpu.memref_squeeze %dma_start3A_51 : memref<1x1000xf32, #tpu.memory_space<hbm>> -> memref<1000xf32, #tpu.memory_space<hbm>>
        %dma_start3A_53 = tpu.memref_slice %arg5[%arg0, %mul3A_49] : memref<2x10000xf32, #tpu.memory_space<hbm>> -> memref<1x1000xf32, #tpu.memory_space<hbm>>
        %dma_start3A_54 = tpu.memref_squeeze %dma_start3A_53 : memref<1x1000xf32, #tpu.memory_space<hbm>> -> memref<1000xf32, #tpu.memory_space<hbm>>
        %dma_start3A_55 = arith.constant 0 : i32
        %dma_start3A_56 = tpu.memref_slice %arg9[%dma_start3A_55] : memref<1000xf32, #tpu.memory_space<vmem>> -> memref<1000xf32, #tpu.memory_space<vmem>>
        tpu.enqueue_dma source(%dma_start3A_56 : memref<1000xf32, #tpu.memory_space<vmem>>) target(%dma_start3A_54 : memref<1000xf32, #tpu.memory_space<hbm>>) target_semaphore(%run_scoped3A : memref<!tpu.dma_semaphore, #tpu.memory_space<semaphore_mem>>)
        %dma_wait3A = arith.constant 0 : i32
        %dma_wait3A_57 = tpu.memref_slice %arg9[%dma_wait3A] : memref<1000xf32, #tpu.memory_space<vmem>> -> memref<1000xf32, #tpu.memory_space<vmem>>
        %dma_wait3A_58 = tpu.memref_slice %arg5[%arg0, %mul3A_49] : memref<2x10000xf32, #tpu.memory_space<hbm>> -> memref<1x1000xf32, #tpu.memory_space<hbm>>
        %dma_wait3A_59 = tpu.memref_squeeze %dma_wait3A_58 : memref<1x1000xf32, #tpu.memory_space<hbm>> -> memref<1000xf32, #tpu.memory_space<hbm>>
        %dma_wait3A_60 = tpu.memref_slice %arg5[%arg0, %mul3A_49] : memref<2x10000xf32, #tpu.memory_space<hbm>> -> memref<1x1000xf32, #tpu.memory_space<hbm>>
        %dma_wait3A_61 = tpu.memref_squeeze %dma_wait3A_60 : memref<1x1000xf32, #tpu.memory_space<hbm>> -> memref<1000xf32, #tpu.memory_space<hbm>>
        %dma_wait3A_62 = arith.constant 0 : i32
        %dma_wait3A_63 = tpu.memref_slice %arg9[%dma_wait3A_62] : memref<1000xf32, #tpu.memory_space<vmem>> -> memref<1000xf32, #tpu.memory_space<vmem>>
        tpu.wait_dma2 semaphore(%run_scoped3A : memref<!tpu.dma_semaphore, #tpu.memory_space<semaphore_mem>>) src(%dma_wait3A_63 : memref<1000xf32, #tpu.memory_space<vmem>>) dst(%dma_wait3A_61 : memref<1000xf32, #tpu.memory_space<hbm>>)
        tpu.yield
      }) : () -> ()
    } else {
    }
    return
  }
}

module attributes {stable_mosaic.version = 14 : i64} {
  func.func @_tc_mlp_body(%arg0: i32, %arg1: memref<1000x128xf32, #tpu.memory_space<vmem>>, %arg2: memref<2x1000x16xf32, #tpu.memory_space<vmem>>, %arg3: memref<1000x2xf32, #tpu.memory_space<vmem>>, %arg4: memref<1x1x1000xi32, #tpu.memory_space<vmem>>, %arg5: memref<16x64xf32, #tpu.memory_space<vmem>>, %arg6: memref<128x128xf32, #tpu.memory_space<vmem>>, %arg7: memref<16x128xf32, #tpu.memory_space<vmem>>, %arg8: memref<64x128xf32, #tpu.memory_space<vmem>>, %arg9: memref<1x128xf32, #tpu.memory_space<vmem>>, %arg10: memref<128x128xf32, #tpu.memory_space<vmem>>, %arg11: memref<1x128xf32, #tpu.memory_space<vmem>>, %arg12: memref<1000x128xf32, #tpu.memory_space<vmem>>) attributes {dimension_semantics = [#tpu.dimension_semantics<arbitrary>], iteration_bounds = array<i64: 10>, scalar_prefetch = 0 : i64, scratch_operands = 0 : i64, tpu.core_type = #tpu.core_type<tc>, window_params = [{transform_indices = @transform_0, window_bounds = array<i64: 1000, 128>}, {transform_indices = @transform_1, window_bounds = array<i64: 2, 1000, 16>}, {transform_indices = @transform_2, window_bounds = array<i64: 1000, 2>}, {transform_indices = @transform_3, window_bounds = array<i64: 1, 1, 1000>}, {pipeline_mode = #tpu.pipeline_mode<synchronous>, transform_indices = @transform_4, window_bounds = array<i64: 16, 64>}, {pipeline_mode = #tpu.pipeline_mode<synchronous>, transform_indices = @transform_5, window_bounds = array<i64: 128, 128>}, {pipeline_mode = #tpu.pipeline_mode<synchronous>, transform_indices = @transform_6, window_bounds = array<i64: 16, 128>}, {pipeline_mode = #tpu.pipeline_mode<synchronous>, transform_indices = @transform_7, window_bounds = array<i64: 64, 128>}, {pipeline_mode = #tpu.pipeline_mode<synchronous>, transform_indices = @transform_8, window_bounds = array<i64: 1, 128>}, {pipeline_mode = #tpu.pipeline_mode<synchronous>, transform_indices = @transform_9, window_bounds = array<i64: 128, 128>}, {pipeline_mode = #tpu.pipeline_mode<synchronous>, transform_indices = @transform_10, window_bounds = array<i64: 1, 128>}, {transform_indices = @transform_11, window_bounds = array<i64: 1000, 128>}]} {
    %get3A = arith.constant 0 : index
    %get3A_0 = arith.constant 0 : index
    %get3A_1 = arith.constant 0 : index
    %get3A_2 = vector.load %arg2[%get3A, %get3A_0, %get3A_1] : memref<2x1000x16xf32, #tpu.memory_space<vmem>>, vector<2x1000x16xf32>
    %slice3A = vector.extract_strided_slice %get3A_2 {offsets = [0, 0, 0], sizes = [1, 1000, 16], strides = [1, 1, 1]} : vector<2x1000x16xf32> to vector<1x1000x16xf32>
    %squeeze3A = vector.shape_cast %slice3A : vector<1x1000x16xf32> to vector<1000x16xf32>
    %slice3A_3 = vector.extract_strided_slice %get3A_2 {offsets = [1, 0, 0], sizes = [1, 1000, 16], strides = [1, 1, 1]} : vector<2x1000x16xf32> to vector<1x1000x16xf32>
    %squeeze3A_4 = vector.shape_cast %slice3A_3 : vector<1x1000x16xf32> to vector<1000x16xf32>
    %add3A = arith.addf %squeeze3A, %squeeze3A_4 : vector<1000x16xf32>
    %get3A_5 = arith.constant 0 : index
    %get3A_6 = arith.constant 0 : index
    %get3A_7 = vector.load %arg3[%get3A_5, %get3A_6] : memref<1000x2xf32, #tpu.memory_space<vmem>>, vector<1000x2xf32>
    %slice3A_8 = vector.extract_strided_slice %get3A_7 {offsets = [0, 0], sizes = [1000, 1], strides = [1, 1]} : vector<1000x2xf32> to vector<1000x1xf32>
    %slice3A_9 = vector.extract_strided_slice %get3A_7 {offsets = [0, 1], sizes = [1000, 1], strides = [1, 1]} : vector<1000x2xf32> to vector<1000x1xf32>
    %add3A_10 = arith.addf %slice3A_8, %slice3A_9 : vector<1000x1xf32>
    %max3A = arith.constant 1.000000e+00 : f32
    %max3A_11 = vector.broadcast %max3A : f32 to vector<1000x1xf32>
    %max3A_12 = arith.maximumf %add3A_10, %max3A_11 : vector<1000x1xf32>
    %div3A = vector.broadcast %max3A_12 : vector<1000x1xf32> to vector<1000x16xf32>
    %div3A_13 = arith.divf %add3A, %div3A : vector<1000x16xf32>
    %get3A_14 = arith.constant 0 : index
    %get3A_15 = arith.constant 0 : index
    %get3A_16 = arith.constant 0 : index
    %get3A_17 = vector.load %arg4[%get3A_14, %get3A_15, %get3A_16] : memref<1x1x1000xi32, #tpu.memory_space<vmem>>, vector<1x1x1000xi32>
    %get3A_18 = vector.shape_cast %get3A_17 : vector<1x1x1000xi32> to vector<1x1000xi32>
    %iota3A = tpu.iota {dimensions = array<i32: 0>} : vector<16x1000xi32>
    %broadcast_in_dim3A = vector.shape_cast %get3A_18 : vector<1x1000xi32> to vector<1x1000xi32>
    %broadcast_in_dim3A_19 = vector.broadcast %broadcast_in_dim3A : vector<1x1000xi32> to vector<16x1000xi32>
    %eq3A = arith.cmpi eq, %iota3A, %broadcast_in_dim3A_19 : vector<16x1000xi32>
    %convert_element_type3A = arith.extui %eq3A : vector<16x1000xi1> to vector<16x1000xi32>
    %convert_element_type3A_20 = arith.sitofp %convert_element_type3A : vector<16x1000xi32> to vector<16x1000xf32>
    %get3A_21 = arith.constant 0 : index
    %get3A_22 = arith.constant 0 : index
    %get3A_23 = vector.load %arg5[%get3A_21, %get3A_22] : memref<16x64xf32, #tpu.memory_space<vmem>>, vector<16x64xf32>
    %get3A_24 = arith.constant 0 : index
    %get3A_25 = arith.constant 0 : index
    %get3A_26 = vector.load %arg8[%get3A_24, %get3A_25] : memref<64x128xf32, #tpu.memory_space<vmem>>, vector<64x128xf32>
    %dot_general3A = arith.constant dense<0.000000e+00> : vector<16x128xf32>
    %dot_general3A_27 = tpu.matmul %get3A_23, %get3A_26, %dot_general3A {dimension_numbers = #tpu.dot_dimension_numbers<[1], [0], [0], [1], [0, 0, 1, 1], [], []>, transpose_lhs_hint = false} : vector<16x64xf32>, vector<64x128xf32>, vector<16x128xf32> -> vector<16x128xf32>
    %dot_general3A_28 = arith.constant dense<0.000000e+00> : vector<1000x128xf32>
    %dot_general3A_29 = tpu.matmul %convert_element_type3A_20, %dot_general3A_27, %dot_general3A_28 {dimension_numbers = #tpu.dot_dimension_numbers<[0], [0], [1], [1], [0, 1, 1, 1], [], []>, transpose_lhs_hint = false} : vector<16x1000xf32>, vector<16x128xf32>, vector<1000x128xf32> -> vector<1000x128xf32>
    %get3A_30 = arith.constant 0 : index
    %get3A_31 = arith.constant 0 : index
    %get3A_32 = vector.load %arg1[%get3A_30, %get3A_31] : memref<1000x128xf32, #tpu.memory_space<vmem>>, vector<1000x128xf32>
    %get3A_33 = arith.constant 0 : index
    %get3A_34 = arith.constant 0 : index
    %get3A_35 = vector.load %arg6[%get3A_33, %get3A_34] : memref<128x128xf32, #tpu.memory_space<vmem>>, vector<128x128xf32>
    %dot_general3A_36 = arith.constant dense<0.000000e+00> : vector<1000x128xf32>
    %dot_general3A_37 = tpu.matmul %get3A_32, %get3A_35, %dot_general3A_36 {dimension_numbers = #tpu.dot_dimension_numbers<[1], [0], [0], [1], [0, 0, 1, 1], [], []>, transpose_lhs_hint = false} : vector<1000x128xf32>, vector<128x128xf32>, vector<1000x128xf32> -> vector<1000x128xf32>
    %get3A_38 = arith.constant 0 : index
    %get3A_39 = arith.constant 0 : index
    %get3A_40 = vector.load %arg7[%get3A_38, %get3A_39] : memref<16x128xf32, #tpu.memory_space<vmem>>, vector<16x128xf32>
    %dot_general3A_41 = arith.constant dense<0.000000e+00> : vector<1000x128xf32>
    %dot_general3A_42 = tpu.matmul %div3A_13, %get3A_40, %dot_general3A_41 {dimension_numbers = #tpu.dot_dimension_numbers<[1], [0], [0], [1], [0, 0, 1, 1], [], []>, transpose_lhs_hint = false} : vector<1000x16xf32>, vector<16x128xf32>, vector<1000x128xf32> -> vector<1000x128xf32>
    %add3A_43 = arith.addf %dot_general3A_37, %dot_general3A_42 : vector<1000x128xf32>
    %add3A_44 = arith.addf %add3A_43, %dot_general3A_29 : vector<1000x128xf32>
    %get3A_45 = arith.constant 0 : index
    %get3A_46 = arith.constant 0 : index
    %get3A_47 = vector.load %arg9[%get3A_45, %get3A_46] : memref<1x128xf32, #tpu.memory_space<vmem>>, vector<1x128xf32>
    %add3A_48 = vector.broadcast %get3A_47 : vector<1x128xf32> to vector<1000x128xf32>
    %add3A_49 = arith.addf %add3A_44, %add3A_48 : vector<1000x128xf32>
    %max3A_50 = arith.constant 0.000000e+00 : f32
    %max3A_51 = vector.broadcast %max3A_50 : f32 to vector<1000x128xf32>
    %max3A_52 = arith.maximumf %add3A_49, %max3A_51 : vector<1000x128xf32>
    %get3A_53 = arith.constant 0 : index
    %get3A_54 = arith.constant 0 : index
    %get3A_55 = vector.load %arg10[%get3A_53, %get3A_54] : memref<128x128xf32, #tpu.memory_space<vmem>>, vector<128x128xf32>
    %dot_general3A_56 = arith.constant dense<0.000000e+00> : vector<1000x128xf32>
    %dot_general3A_57 = tpu.matmul %max3A_52, %get3A_55, %dot_general3A_56 {dimension_numbers = #tpu.dot_dimension_numbers<[1], [0], [0], [1], [0, 0, 1, 1], [], []>, transpose_lhs_hint = false} : vector<1000x128xf32>, vector<128x128xf32>, vector<1000x128xf32> -> vector<1000x128xf32>
    %get3A_58 = arith.constant 0 : index
    %get3A_59 = arith.constant 0 : index
    %get3A_60 = vector.load %arg11[%get3A_58, %get3A_59] : memref<1x128xf32, #tpu.memory_space<vmem>>, vector<1x128xf32>
    %add3A_61 = vector.broadcast %get3A_60 : vector<1x128xf32> to vector<1000x128xf32>
    %add3A_62 = arith.addf %dot_general3A_57, %add3A_61 : vector<1000x128xf32>
    %swap3A = arith.constant 0 : index
    %swap3A_63 = arith.constant 0 : index
    %swap3A_64 = vector.load %arg12[%swap3A, %swap3A_63] : memref<1000x128xf32, #tpu.memory_space<vmem>>, vector<1000x128xf32>
    tpu.vector_store %arg12[%swap3A, %swap3A_63], %add3A_62 {strides = array<i32>} : memref<1000x128xf32, #tpu.memory_space<vmem>>, vector<1000x128xf32>,
    return
  }
  func.func @transform_0(%arg0: i32) -> (i32, i32) {
    %c0_i32 = arith.constant 0 : i32
    %c0_i32_0 = arith.constant 0 : i32
    return %arg0, %c0_i32 : i32, i32
  }
  func.func @transform_1(%arg0: i32) -> (i32, i32, i32) {
    %c0_i32 = arith.constant 0 : i32
    %c0_i32_0 = arith.constant 0 : i32
    %c0_i32_1 = arith.constant 0 : i32
    return %c0_i32, %arg0, %c0_i32_0 : i32, i32, i32
  }
  func.func @transform_2(%arg0: i32) -> (i32, i32) {
    %c0_i32 = arith.constant 0 : i32
    %c0_i32_0 = arith.constant 0 : i32
    return %arg0, %c0_i32 : i32, i32
  }
  func.func @transform_3(%arg0: i32) -> (i32, i32, i32) {
    %c0_i32 = arith.constant 0 : i32
    %c0_i32_0 = arith.constant 0 : i32
    %c0_i32_1 = arith.constant 0 : i32
    return %arg0, %c0_i32, %c0_i32_0 : i32, i32, i32
  }
  func.func @transform_4(%arg0: i32) -> (i32, i32) {
    %c0_i32 = arith.constant 0 : i32
    %c0_i32_0 = arith.constant 0 : i32
    %c0_i32_1 = arith.constant 0 : i32
    return %c0_i32, %c0_i32_0 : i32, i32
  }
  func.func @transform_5(%arg0: i32) -> (i32, i32) {
    %c0_i32 = arith.constant 0 : i32
    %c0_i32_0 = arith.constant 0 : i32
    %c0_i32_1 = arith.constant 0 : i32
    return %c0_i32, %c0_i32_0 : i32, i32
  }
  func.func @transform_6(%arg0: i32) -> (i32, i32) {
    %c0_i32 = arith.constant 0 : i32
    %c0_i32_0 = arith.constant 0 : i32
    %c0_i32_1 = arith.constant 0 : i32
    return %c0_i32, %c0_i32_0 : i32, i32
  }
  func.func @transform_7(%arg0: i32) -> (i32, i32) {
    %c0_i32 = arith.constant 0 : i32
    %c0_i32_0 = arith.constant 0 : i32
    %c0_i32_1 = arith.constant 0 : i32
    return %c0_i32, %c0_i32_0 : i32, i32
  }
  func.func @transform_8(%arg0: i32) -> (i32, i32) {
    %c0_i32 = arith.constant 0 : i32
    %c0_i32_0 = arith.constant 0 : i32
    %c0_i32_1 = arith.constant 0 : i32
    return %c0_i32, %c0_i32_0 : i32, i32
  }
  func.func @transform_9(%arg0: i32) -> (i32, i32) {
    %c0_i32 = arith.constant 0 : i32
    %c0_i32_0 = arith.constant 0 : i32
    %c0_i32_1 = arith.constant 0 : i32
    return %c0_i32, %c0_i32_0 : i32, i32
  }
  func.func @transform_10(%arg0: i32) -> (i32, i32) {
    %c0_i32 = arith.constant 0 : i32
    %c0_i32_0 = arith.constant 0 : i32
    %c0_i32_1 = arith.constant 0 : i32
    return %c0_i32, %c0_i32_0 : i32, i32
  }
  func.func @transform_11(%arg0: i32) -> (i32, i32) {
    %c0_i32 = arith.constant 0 : i32
    %c0_i32_0 = arith.constant 0 : i32
    return %arg0, %c0_i32 : i32, i32
  }
}

</mosaic_0001>

<sc_bundles>
// kernel: kernel.4.cloned.1.call-start
scs
__scs_entry_jumppad:
0x0: {  	(pc) =	sbr.rel $0x88, $3  }
0x1: {  	(tag) =	ssettag $0x0;
	lr =	simm.s32 $0x1  }
0x2: {  	[smem:$0x3F98] =	sst lr;
	_ =	strace $0xD0000000  }
0x3: {  	_ = 	snop  }
0x4: {  	_ = 	snop  }
0x5: {  	_ = 	snop  }
0x6: {  	_ = 	snop  }
0x7: {  	_ = 	snop  }
__scs_overlays_trampoline_lowered:
0x8: {  	[smem:$0x3FA7] =	sst s0  }
0x9: {  	[smem:$0x3FA8] =	sst s1  }
0xa: {  	[smem:$0x3FA9] =	sst s2  }
0xb: {  	[smem:$0x3FAA] =	sst s3  }
0xc: {  	[smem:$0x3FAB] =	sst s4  }
0xd: {  	[smem:$0x3FAC] =	sst s5  }
0xe: {  	[smem:$0x3FAD] =	sst s6  }
0xf: {  	[smem:$0x3FAE] =	sst s7  }
0x10: {  	[smem:$0x3FAF] =	sst s8  }
0x11: {  	[smem:$0x3FB0] =	sst s9;
	s0 =	simm.s32 @!p0 $0x0  }
0x12: {  	s1 =	sld [smem:$0x3F96];
	s0 =	simm.s32 @p0 $0x1  }
0x13: {  	[smem:$0x3FB1] =	sst s0;
	s0 =	simm.s32 @!p1 $0x0  }
0x14: {  	s2 =	sld [smem:$0x3F95];
	s0 =	simm.s32 @p1 $0x1  }
0x15: {  	[smem:$0x3FB2] =	sst s0;
	s0 =	simm.s32 @!p2 $0x0  }
0x16: {  	s3 =	sld [smem:$0x3FDB];
	s0 =	simm.s32 @p2 $0x1  }
0x17: {  	s4 =	simm.s32 $0x1BF5;
	[smem:$0x3FB4] =	sst s0  }
0x18: {  	s0 =	sld [smem:$0x3F97];
	_ =	swait.ge [sflag:s4], $0x0  }
0x19: {  	s7 =	sld [smem:$0x3F98]  }
0x1a: {  	s8 =	sadd.s32 $0xFFFFE003, lr  }
0x1b: {  	s9 =	sadd.s32 $0xFFFFFEF7, lr;
	s5 =	simm.s32 $0xFFFFFFFF;
	p2 =	slt.u32 s8, $0xFFFFF086  }
0x1c: {  	p1 =	slt.u32 s9, $0xF7A;
	s5 =	simm.s32 @!p2 $0x0  }
0x1d: {  	s5 =	simm.s32 @p1 $0x1;
	p0 =	seq.s32 s7, s2  }
0x1e: {  	s7 =	smul.u32 @!p0 $0xF7A, s2;
	p2 =	seq.s32 @!p0 s5, $0x0  }
0x1f: {  	s9 =	smul.u32 $0xF7A, s1;
	s8 =	simm.s32 @!p0 $0x1BF5;
	p2 =	por !p2, p0  }
0x20: {  	[sflag:s8] =	ssyncset.s32 @!p0 $0xFFFFF086;
	s6 =	sadd.s32 @!p0 s3, s7;
	s7 =	simm.s32 @!p0 $0x108  }
0x21: {  	s3 =	sadd.s32 s3, s9;
	s6 =	sadd.s32 @!p0 $0x88, s6;
	s7 =	simm.s32 @p2 $0x1082  }
0x22: {  	[simem:s7], [sflag:s8] =	dma.local @!p0 [hbm:s6], $0xF7A  }
0x23: {  	s9 =	sor.u32 $0xD0000000, s2;
	s6 =	simm.s32 $0x108;
	_ =	swait.ge @!p0 [sflag:s8], $0x0  }
0x24: {  	s3 =	sadd.s32 $0x88, s3;
	s6 =	simm.s32 @!p1 $0x1082;
	[sflag:s4] =	ssyncset.s32 $0xFFFFF086  }
0x25: {  	[simem:s6], [sflag:s4] =	dma.local [hbm:s3], $0xF7A  }
0x26: {  	[smem:$0x3F98] =	sst s1;
	(tag) =	ssettag s2;
	_ =	strace s9  }
0x27: {  	s1 =	sld [smem:$0x3FA8]  }
0x28: {  	s2 =	sld [smem:$0x3FA9]  }
0x29: {  	s4 =	sld [smem:$0x3FAB]  }
0x2a: {  	p0 =	seq.s32 s5, $0x0;
	s5 =	sld [smem:$0x3FAC]  }
0x2b: {  	s6 =	sld [smem:$0x3FAD]  }
0x2c: {  	s7 =	sld [smem:$0x3FAE]  }
0x2d: {  	s3 =	simm.s32 $0x108;
	s8 =	sld [smem:$0x3FAF]  }
0x2e: {  	s3 =	simm.s32 @!p0 $0x1082;
	s9 =	sld [smem:$0x3FB0]  }
0x2f: {  	lr =	sadd.s32 s0, s3;
	s0 =	sld [smem:$0x3FA7]  }
0x30: {  	s3 =	sld [smem:$0x3FAA]  }
0x31: {  	[smem:$0x3FB3] =	sst s10  }
0x32: {  	s10 =	sld [smem:$0x3FB1];
	_ =	sdelay $0x3  }
0x33: {  	p0 =	seq.s32 s10, $0x1;
	s10 =	sld [smem:$0x3FB3];
	_ =	sdelay $0x3  }
0x34: {  	[smem:$0x3FB3] =	sst s10  }
0x35: {  	s10 =	sld [smem:$0x3FB2];
	_ =	sdelay $0x3  }
0x36: {  	p1 =	seq.s32 s10, $0x1;
	s10 =	sld [smem:$0x3FB3];
	_ =	sdelay $0x3  }
0x37: {  	[smem:$0x3FB3] =	sst s10  }
0x38: {  	s10 =	sld [smem:$0x3FB4]  }
0x39: {  	_ = 	snop;
	(pc) =	sbr.ind lr, $3  }
0x3a: {  	_ = 	snop  }
0x3b: {  	_ = 	snop  }
0x3c: {  	p2 =	seq.s32 s10, $0x1;
	s10 =	sld [smem:$0x3FB3]  }
0x3d: {  	_ =	shalt  }
0x3e: {  	_ =	shalt  }
0x3f: {  	_ =	shalt  }
0x40: {  	_ =	shalt  }
0x41: {  	_ =	shalt  }
0x42: {  	_ =	shalt  }
0x43: {  	_ =	shalt  }
0x44: {  	_ =	shalt  }
0x45: {  	_ =	shalt  }
0x46: {  	_ =	shalt  }
0x47: {  	_ =	shalt  }
0x48: {  	_ =	shalt  }
0x49: {  	_ =	shalt  }
0x4a: {  	_ =	shalt  }
0x4b: {  	_ =	shalt  }
0x4c: {  	_ =	shalt  }
0x4d: {  	_ =	shalt  }
0x4e: {  	_ =	shalt  }
0x4f: {  	_ =	shalt  }
0x50: {  	_ =	shalt  }
0x51: {  	_ =	shalt  }
0x52: {  	_ =	shalt  }
0x53: {  	_ =	shalt  }
0x54: {  	_ =	shalt  }
0x55: {  	_ =	shalt  }
0x56: {  	_ =	shalt  }
0x57: {  	_ =	shalt  }
0x58: {  	_ =	shalt  }
0x59: {  	_ =	shalt  }
0x5a: {  	_ =	shalt  }
0x5b: {  	_ =	shalt  }
0x5c: {  	_ =	shalt  }
0x5d: {  	_ =	shalt  }
0x5e: {  	_ =	shalt  }
0x5f: {  	_ =	shalt  }
0x60: {  	_ =	shalt  }
0x61: {  	_ =	shalt  }
0x62: {  	_ =	shalt  }
0x63: {  	_ =	shalt  }
0x64: {  	_ =	shalt  }
0x65: {  	_ =	shalt  }
0x66: {  	_ =	shalt  }
0x67: {  	_ =	shalt  }
0x68: {  	_ =	shalt  }
0x69: {  	_ =	shalt  }
0x6a: {  	_ =	shalt  }
0x6b: {  	_ =	shalt  }
0x6c: {  	_ =	shalt  }
0x6d: {  	_ =	shalt  }
0x6e: {  	_ =	shalt  }
0x6f: {  	_ =	shalt  }
0x70: {  	_ =	shalt  }
0x71: {  	_ =	shalt  }
0x72: {  	_ =	shalt  }
0x73: {  	_ =	shalt  }
0x74: {  	_ =	shalt  }
0x75: {  	_ =	shalt  }
0x76: {  	_ =	shalt  }
0x77: {  	_ =	shalt  }
0x78: {  	_ =	shalt  }
0x79: {  	_ =	shalt  }
0x7a: {  	_ =	shalt  }
0x7b: {  	_ =	shalt  }
0x7c: {  	_ =	shalt  }
0x7d: {  	_ =	shalt  }
0x7e: {  	_ =	shalt  }
0x7f: {  	_ =	shalt  }
0x80: {  	_ =	shalt  }
0x81: {  	_ =	shalt  }
0x82: {  	_ =	shalt  }
0x83: {  	_ =	shalt  }
0x84: {  	_ =	shalt  }
0x85: {  	_ =	shalt  }
0x86: {  	_ =	shalt  }
0x87: {  	_ =	shalt  }
.Lfunc_end0:
.L_simem_size_0:
called_computation_lowered:
.L_overlay_start_0:
0x88: {  	s2 =	sld [smem:$0x3FD9]  }
0x89: {  	s3 =	sld [smem:$0x3FFE];
	_ =	sdelay $0x1  }
0x8a: {  	s1 =	srdreg.scid  }
0x8b: {  	s0 =	sand.u32 $0x1, s1  }
0x8c: {  	s17 =	sshll.u32 s0, $0xA;
	s2 =	sadd.s32 s3, s2  }
0x8d: {  	s2 =	sadd.s32 s2, s17  }
0x8e: {  	[smem:$0x3FBF] =	sst s2  }
0x8f: {  	_ = 	snop  }
0x90: {  	s2 =	sld [smem:$0x3FC8]  }
0x91: {  	s18 =	sld [smem:$0x3FC7]  }
0x92: {  	s4 =	sld [smem:$0x3FD0];
	(tm) =	ssettm $0x1  }
0x93: {  	s5 =	sld [smem:$0x3FFB];
	_ =	sdelay $0x3  }
0x94: {  	_ =	strace s5  }
0x95: {  	s5 =	sld [smem:$0x3FFC];
	_ =	sdelay $0x3  }
0x96: {  	_ =	strace s5  }
0x97: {  	s5 =	sld [smem:$0x3FFD];
	_ =	sdelay $0x3  }
0x98: {  	_ =	strace s5  }
0x99: {  	_ =	strace $0x8FFFFFFF  }
0x9a: {  	s19 =	sld [smem:$0x3FDB];
	_ =	sdelay $0x1  }
0x9b: {  	s6 =	simm.s32 $_scs_section_size  }
0x9c: {  	s7 =	simm.s32 $_size__tile_overlayer_lowered;
	s8 =	simm.s32 $_tile_overlayer_lowered  }
0x9d: {  	s22 =	simm.s32 $0x1BFF;
	s21 =	sshll.u32 s8, $0x1;
	s5 =	sadd.s32 s6, s19  }
0x9e: {  	s9 =	simm.s32 $0x0;
	s20 =	sshll.u32 s7, $0x1;
	s7 =	sadd.s32 s21, s5  }
0x9f: {  	[timem:s9], [sflag:s22] =	dma.local [hbm:s7], s20  }
0xa0: {  	_ =	swait.ge [sflag:s22], s20  }
0xa1: {  	s6 =	ssub.s32 $0x0, s20;
	[sflag:s22] =	ssyncset.done $0x0  }
0xa2: {  	[sflag:s22] =	ssyncadd.s32 s6;
	_ =	sdelay $0x1  }
0xa3: {  	s23 =	simm.s32 $0x1B8B  }
0xa4: {  	_ =	swait.ge [sflag:s23], $0x1  }
0xa5: {  	[sflag:s23] =	ssyncset.done $0x0  }
0xa6: {  	s25 =	simm.s32 $0x1B8E;
	s24 =	sld [smem:$0x3FFE];
	[sflag:s23] =	ssyncadd.s32 $0xFFFFFFFF  }
0xa7: {  	s26 =	simm.s32 $execute0_lowered;
	[smem:$0x3FD2] =	sst s25  }
0xa8: {  	s7 =	sshll.u32 s26, $0x1;
	_ =	strace $0x80000046;
	[dreg:$0x1] =	wrdreg $0xFFFFFFFF  }
0xa9: {  	s28 =	simm.s32 $_size_execute0_lowered;
	s5 =	sadd.s32 s5, s7;
	[dreg:$0x0] =	wrdreg $0x0  }
0xaa: {  	s7 =	sshll.u32 s28, $0x1;
	[dreg:$0x2] =	wrdreg s5  }
0xab: {  	[dreg:$0x3] =	wrdreg s7  }
0xac: {  	[dreg:$0x4] =	wrdreg $0xC0  }
0xad: {  	_ =	task [dreg:s9], $0x5FFFF  }
0xae: {  	[dreg:$0x1] =	wrdreg $0xFFFFFFFF  }
0xaf: {  	[dreg:$0x0] =	wrdreg $0x60  }
0xb0: {  	[dreg:$0x2] =	wrdreg s18  }
0xb1: {  	[dreg:$0x3] =	wrdreg s2  }
0xb2: {  	[dreg:$0x4] =	wrdreg s4  }
0xb3: {  	[dreg:$0x5] =	wrdreg s24  }
0xb4: {  	[dreg:$0x6] =	wrdreg $0x78680  }
0xb5: {  	[dreg:$0x7] =	wrdreg $0x9F780  }
0xb6: {  	[dreg:$0x8] =	wrdreg $0x9  }
0xb7: {  	_ =	task.clear_ibuf [dreg:s9], $0x9FFFF;
	_ =	strace $0x90000046  }
0xb8: {  	s29 =	simm.s32 $0x9;
	_ =	strace $0x80000048  }
0xb9: {  	_ =	swait.ge [sflag:s29], $0x1  }
0xba: {  	[sflag:s29] =	ssyncadd.s32 $0xFFFFFFFF  }
0xbb: {  	_ =	strace $0x90000048  }
0xbc: {  	_ =	sfence  }
0xbd: {  	s30 =	sld [smem:$0x0];
	_ =	sdelay $0x2  }
0xbe: {  	s31 =	sshll.u32 s1, $0xD;
	s1 =	sshrl.u32 s1, $0x2  }
0xbf: {  	s3 =	sand.u32 $0x4000, s31;
	s1 =	sadd.s32 s1, s30  }
0xc0: {  	s0 =	sor.u32 s3, s0;
	s1 =	sshll.u32 s1, $0x11  }
0xc1: {  	s0 =	sor.u32 s1, s0  }
0xc2: {  	s0 =	sadd.s32 $0x8F2B, s0  }
0xc3: {  	[sflag:s0] =	ssyncadd.remote.s32 $0x1  }
0xc4: {  	_ =	sfence.sel $0xFFFF  }
0xc5: {  	[dreg:$0x0] =	wrdreg $0xFFFFFFFF;
	(pc) =	sbr.abs _section_cstart, $3  }
0xc6: {  	[dreg:$0x1] =	wrdreg $0xFFFFFFFF  }
0xc7: {  	_ =	task.clear_ibuf [dreg:s9], $0x2FFFF;
	_ =	strace $0x9FFFFFFF  }
0xc8: {  	(tm) =	ssettm $0x7FFFFFFF  }
0xc9: {  	_ =	shalt  }
tec
execute0_lowered:
.L_overlay_start_1:
0x0: {  	(tag) =	ssettag $0x1  }
0x1: {  	s1 =	rddreg [dreg:$0x0]  }
0x2: {  	s17 =	rddreg [dreg:$0x1]  }
0x3: {  	s0 =	rddreg [dreg:$0x2]  }
0x4: {  	s2 =	srdreg.scid;
	s3 =	rddreg [dreg:$0x3]  }
0x5: {  	s16 =	stileid.u32;
	s4 =	rddreg [dreg:$0x4]  }
0x6: {  	s5 =	rddreg [dreg:$0x5];
	s6 =	simm.s32 $0x0;
	s28 =	simm.s32 $0x7280  }
0x7: {  	s18 =	simm.s32 $0x1800;
	s29 =	simm.s32 $0x7380;
	s8 =	smul.u32 $0x3E8, s16  }
0x8: {  	s19 =	simm.s32 $0x2000;
	s30 =	simm.s32 $0x7480;
	s10 =	smul.u32 $0xFA00, s16  }
0x9: {  	s31 =	simm.s32 $0x7600;
	s2 =	sand.u32 $0x1, s2;
	s12 =	smul.u32 $0xFA0, s16  }
0xa: {  	[smem:$0x7FF] =	sst s6;
	s9 =	sshll.u32 s16, $0x1;
	s14 =	smul.u32 $0x3E80, s16  }
0xb: {  	p0 =	sgt.u32 s16, $0x9;
	p1 =	sgt.u32 s16, $0x1;
	s7 =	smul.u32 $0x2710, s2  }
0xc: {  	_ =	strace $0x80000047;
	s20 =	ssub.s32 $0x2, s2;
	s9 =	sor.u32 s2, s9  }
0xd: {  	s2 =	smul.u32 $0x27100, s2;
	s11 =	sshrl.u32 s20, $0x1;
	s10 =	sshrl.u32 s10, $0x2  }
0xe: {  	s21 =	sshrl.u32 s12, $0x2;
	s12 =	sadd.s32 $0x4E280, s1;
	s23 =	sadd.s32 s14, s4  }
0xf: {  	s24 =	sadd.s32 s8, s5;
	s7 =	sadd.s32 s8, s7;
	s13 =	ssub.s32 s20, s11  }
0x10: {  	s10 =	sadd.s32 s10, s4;
	s11 =	sadd.s32 $0x80, s1;
	[dreg:$0xc] =	wrdreg s23  }
0x11: {  	s2 =	sadd.s32 s14, s2;
	[dreg:$0xe] =	wrdreg s24;
	s23 =	simm.s32 $0x7180  }
0x12: {  	s24 =	simm.s32 $0x3E80;
	s20 =	simm.s32 $0x7200;
	s14 =	simm.s32 $0x7300  }
0x13: {  	s8 =	simm.s32 $0x2800;
	s7 =	sshrl.u32 s7, $0x3;
	[dreg:$0x7] =	wrdreg s10  }
0x14: {  	s10 =	sadd.s32 s21, s5;
	s2 =	sshrl.u32 s2, $0x3;
	s26 =	smax.u32 s13, $0x1  }
0x15: {  	s21 =	simm.s32 $0x80;
	s13 =	simm.s32 $0x1;
	s3 =	sadd.s32 s7, s3  }
0x16: {  	s7 =	smul.u32 $0x4E, s9;
	[dreg:$0x8] =	wrdreg s10;
	s9 =	sor.u32 $0x9C0, s9  }
0x17: {  	s0 =	sadd.s32 s0, s2;
	[dreg:$0x10] =	wrdreg s26;
	s15 =	sshll.u32 s9, $0x5  }
0x18: {  	s9 =	sshll.u32 s9, $0x7;
	[dreg:$0xd] =	wrdreg s0;
	s25 =	sadd.s32 $0x1E00, s3  }
.Ltmp0:
0x19: {  	v0 =	vlaneseq.u32;
	s15 =	sadd.s32 s17, s15;
	[dreg:$0xf] =	wrdreg s25;
	(pc) =	sbr.rel .LBB2_1-.Ltmp0, $4  }
0x1a: {  	v0 =	vmul.u32 $0x88, v0;
	s10 =	sadd.s32 $0x4E200, s1;
	s22 =	sadd.s32 s1, s9;
	[dreg:$0x9] =	wrdreg s15  }
0x1b: {  	v1 =	vimm.f32 $0.0e+00;
	s2 =	simm.s32 $0x7580;
	s9 =	sadd.s32 s9, s10;
	[dreg:$0xa] =	wrdreg s22  }
0x1c: {  	v2 =	vimm.f32 $1.000000000e+00;
	v3 =	vadd.s32 $0x880, v0;
	v4 =	vadd.s32 $0x1100, v0;
	s3 =	simm.s32 $0x7700;
	s17 =	simm.s32 $0x0;
	[dreg:$0xb] =	wrdreg s9  }
0x1d: {  	v5 =	vadd.s32 $0x1980, v0;
	v6 =	vadd.s32 $0x2200, v0;
	v7 =	vadd.s32 $0x2A80, v0;
	s15 =	simm.s32 $0x7400;
	s9 =	simm.s32 $0x7500;
	s22 =	simm.s32 $0x7680  }
.LBB2_16:
0x1e: {  	s0 =	rddreg [dreg:$0xc];
	s16 =	simm.s32 $0x2  }
0x1f: {  	[tilespmem:s6], [sflag:$0x2] =	stream.linear.gather [spmem:s0], $0x3E80, $0x38;
	[tilespmem:$0xA1F0] =	vst v63  }
0x20: {  	_ =	swait.ge [sflag:s16], $0x3E80  }
0x21: {  	[sflag:s16] =	ssyncset.done $0x0  }
0x22: {  	s26 =	rddreg [dreg:$0xd];
	[sflag:s16] =	ssyncadd.s32 $0xFFFFC180  }
0x23: {  	[hbm4b:s26+s6] =	stream.linear.scatter [tilespmem:s6], [sflag:$0x2], $0x3E80, $0x38;
	[tilespmem:$0xA1F0] =	vst v63  }
0x24: {  	_ =	swait.ge [sflag:s16], $0x3E80  }
0x25: {  	[sflag:s16] =	ssyncset.done $0x0  }
0x26: {  	s25 =	rddreg [dreg:$0xe];
	[sflag:s16] =	ssyncadd.s32 $0xFFFFC180  }
0x27: {  	[tilespmem:s30], [sflag:$0x2] =	stream.linear.gather [spmem:s25], $0x3E8, $0x38;
	[tilespmem:$0xA1F0] =	vst v63  }
0x28: {  	_ =	swait.ge [sflag:s16], $0x3E8  }
0x29: {  	[sflag:s16] =	ssyncset.done $0x0  }
0x2a: {  	s26 =	rddreg [dreg:$0xf];
	[sflag:s16] =	ssyncadd.s32 $0xFFFFFC18  }
0x2b: {  	[hbm4b:s26+s6] =	stream.linear.scatter [tilespmem:s30], [sflag:$0x2], $0x3E8, $0x38;
	[tilespmem:$0xA1F0] =	vst v63  }
0x2c: {  	_ =	swait.ge [sflag:s16], $0x3E8  }
0x2d: {  	[sflag:s16] =	ssyncset.done $0x0  }
0x2e: {  	[sflag:s16] =	ssyncadd.s32 $0xFFFFFC18  }
.LBB2_17:
0x2f: {  	s17 =	sadd.s32 $0x1, s17;
	s0 =	rddreg [dreg:$0x10]  }
0x30: {  	p2 =	sne.s32 s17, s0  }
.Ltmp1:
0x31: {  	_ = 	snop;
	(pc) =	sbr.rel @!p2 .LBB2_18-.Ltmp1, $1  }
0x32: {  	_ =	sdelay $0x3  }
.LBB2_1:
0x33: {  	[dreg:$0x11] =	wrdreg s17;
	s0 =	simm.s32 $0x0  }
.LBB2_2:
0x34: {  	p2 =	sne.s32 s0, $0xF9C0  }
.Ltmp2:
0x35: {  	_ = 	snop;
	(pc) =	sbr.rel @p2 .LBB2_2-.Ltmp2, $3  }
0x36: {  	_ =	sdelay $0x1  }
0x37: {  	s16 =	sshra.s32 s0, $0x2  }
0x38: {  	s0 =	sadd.s32 $0x40, s0;
	[tilespmem:s16+$0x0] =	vst v1  }
0x39: {  	s0 =	simm.s32 $0x40;
	s16 =	simm.s32 $0x0  }
.LBB2_4:
0x3a: {  	p2 =	sne.s32 s0, $0xF40;
	[tilespmem:s16+$0x7480] =	vst v1;
	s16 =	smov.u32 s0;
	s0 =	sadd.s32 $0x40, s0  }
.Ltmp3:
0x3b: {  	(pc) =	sbr.rel @p2 .LBB2_4-.Ltmp3, $2  }
0x3c: {  	_ =	sdelay $0x2  }
0x3d: {  	s16 =	sshra.s32 s16, $0x2  }
0x3e: {  	[tilespmem:s16+$0x7480] =	vst v1;
	s0 =	simm.s32 @!p0 $0x0;
	s16 =	rddreg [dreg:$0x7]  }
0x3f: {  	[spmem:s16] =	stream.linear.scatter @!p0 [tilespmem:s0], [sflag:$0x2], $0x3E80, $0x38;
	[tilespmem:$0xA1F0] =	vst v63  }
0x40: {  	s0 =	simm.s32 @!p0 $0x2  }
0x41: {  	_ =	swait.ge @!p0 [sflag:s0], $0x3E80  }
0x42: {  	[sflag:s0] =	ssyncset.done @!p0 $0x0  }
0x43: {  	s16 =	simm.s32 @!p0 $0x7480;
	s25 =	rddreg [dreg:$0x8];
	[sflag:s0] =	ssyncadd.s32 @!p0 $0xFFFFC180  }
0x44: {  	[spmem:s25] =	stream.linear.scatter @!p0 [tilespmem:s16], [sflag:$0x2], $0x3E8, $0x38;
	[tilespmem:$0xA1F0] =	vst v63  }
0x45: {  	_ =	swait.ge @!p0 [sflag:s0], $0x3E8  }
0x46: {  	[sflag:s0] =	ssyncset.done @!p0 $0x0  }
0x47: {  	s16 =	simm.s32 $0x0;
	[sflag:s0] =	ssyncadd.s32 @!p0 $0xFFFFFC18;
	s0 =	simm.s32 $0x40  }
.LBB2_6:
0x48: {  	p2 =	sne.s32 s0, $0xF40;
	[tilespmem:s16+$0x7480] =	vst v2;
	s16 =	smov.u32 s0;
	s0 =	sadd.s32 $0x40, s0  }
.Ltmp4:
0x49: {  	(pc) =	sbr.rel @p2 .LBB2_6-.Ltmp4, $2  }
0x4a: {  	_ =	sdelay $0x2  }
0x4b: {  	s16 =	sshra.s32 s16, $0x2  }
0x4c: {  	[tilespmem:s16+$0x7480] =	vst v2  }
0x4d: {  	s25 =	simm.s32 $0x0;
	[bflag:$0x0] =	sbarrier.arrive $0xFFFF  }
.LBB2_8:
0x4e: {  	s0 =	smul.u32 $0x6, s25;
	_ =	sdelay $0x1  }
0x4f: {  	s0 =	sadd.s32 s7, s0  }
0x50: {  	s26 =	rddreg [dreg:$0x1];
	s16 =	sshll.u32 s0, $0x5  }
0x51: {  	s17 =	simm.s32 $0x100;
	s0 =	sshll.u32 s0, $0x7;
	s16 =	sadd.s32 s26, s16  }
0x52: {  	[tilespmem:s23], [sflag:$0x1] =	stream.strided.gather [hbm4b:s16+s21], $0x300, s17, s21, $0x38;
	[tilespmem:$0xA1F0] =	vst v63  }
0x53: {  	s16 =	sadd.s32 s1, s0  }
0x54: {  	[tilespmem:s24], [sflag:$0x1] =	stream.linear.gather [hbm4b:s16+s6], $0x80, $0x38;
	[tilespmem:$0xA1F0] =	vst v63  }
0x55: {  	s17 =	simm.s32 $0x3F08;
	s26 =	sadd.s32 $0x10, s16  }
0x56: {  	[tilespmem:s17], [sflag:$0x1] =	stream.linear.gather [hbm4b:s26+s6], $0x80, $0x38;
	[tilespmem:$0xA1F0] =	vst v63  }
0x57: {  	s26 =	sadd.s32 $0x20, s16;
	s17 =	simm.s32 $0x3F90  }
0x58: {  	[tilespmem:s17], [sflag:$0x1] =	stream.linear.gather [hbm4b:s26+s6], $0x80, $0x38;
	[tilespmem:$0xA1F0] =	vst v63  }
0x59: {  	s26 =	sadd.s32 $0x30, s16;
	s17 =	simm.s32 $0x4018  }
0x5a: {  	[tilespmem:s17], [sflag:$0x1] =	stream.linear.gather [hbm4b:s26+s6], $0x80, $0x38;
	[tilespmem:$0xA1F0] =	vst v63  }
0x5b: {  	s26 =	sadd.s32 $0x40, s16;
	s17 =	simm.s32 $0x40A0  }
0x5c: {  	[tilespmem:s17], [sflag:$0x1] =	stream.linear.gather [hbm4b:s26+s6], $0x80, $0x38;
	[tilespmem:$0xA1F0] =	vst v63  }
0x5d: {  	s26 =	sadd.s32 $0x50, s16;
	s17 =	simm.s32 $0x4128  }
0x5e: {  	[tilespmem:s17], [sflag:$0x1] =	stream.linear.gather [hbm4b:s26+s6], $0x80, $0x38;
	[tilespmem:$0xA1F0] =	vst v63  }
0x5f: {  	s26 =	sadd.s32 $0x60, s16;
	s17 =	simm.s32 $0x41B0  }
0x60: {  	[tilespmem:s17], [sflag:$0x1] =	stream.linear.gather [hbm4b:s26+s6], $0x80, $0x38;
	[tilespmem:$0xA1F0] =	vst v63  }
0x61: {  	s16 =	sadd.s32 $0x70, s16;
	s26 =	simm.s32 $0x4238  }
0x62: {  	[tilespmem:s26], [sflag:$0x1] =	stream.linear.gather [hbm4b:s16+s6], $0x80, $0x38;
	[tilespmem:$0xA1F0] =	vst v63  }
0x63: {  	s16 =	sadd.s32 s0, s10;
	s26 =	simm.s32 $0x42C0  }
0x64: {  	[tilespmem:s26], [sflag:$0x1] =	stream.linear.gather [hbm4b:s16+s6], $0x80, $0x38;
	[tilespmem:$0xA1F0] =	vst v63  }
0x65: {  	s17 =	simm.s32 $0x4348;
	s26 =	sadd.s32 $0x10, s16  }
0x66: {  	[tilespmem:s17], [sflag:$0x1] =	stream.linear.gather [hbm4b:s26+s6], $0x80, $0x38;
	[tilespmem:$0xA1F0] =	vst v63  }
0x67: {  	s26 =	sadd.s32 $0x20, s16;
	s17 =	simm.s32 $0x43D0  }
0x68: {  	[tilespmem:s17], [sflag:$0x1] =	stream.linear.gather [hbm4b:s26+s6], $0x80, $0x38;
	[tilespmem:$0xA1F0] =	vst v63  }
0x69: {  	s26 =	sadd.s32 $0x30, s16;
	s17 =	simm.s32 $0x4458  }
0x6a: {  	[tilespmem:s17], [sflag:$0x1] =	stream.linear.gather [hbm4b:s26+s6], $0x80, $0x38;
	[tilespmem:$0xA1F0] =	vst v63  }
0x6b: {  	s26 =	sadd.s32 $0x40, s16;
	s17 =	simm.s32 $0x44E0  }
0x6c: {  	[tilespmem:s17], [sflag:$0x1] =	stream.linear.gather [hbm4b:s26+s6], $0x80, $0x38;
	[tilespmem:$0xA1F0] =	vst v63  }
0x6d: {  	s26 =	sadd.s32 $0x50, s16;
	s17 =	simm.s32 $0x4568  }
0x6e: {  	[tilespmem:s17], [sflag:$0x1] =	stream.linear.gather [hbm4b:s26+s6], $0x80, $0x38;
	[tilespmem:$0xA1F0] =	vst v63  }
0x6f: {  	s26 =	sadd.s32 $0x60, s16;
	s17 =	simm.s32 $0x45F0  }
0x70: {  	[tilespmem:s17], [sflag:$0x1] =	stream.linear.gather [hbm4b:s26+s6], $0x80, $0x38;
	[tilespmem:$0xA1F0] =	vst v63  }
0x71: {  	s16 =	sadd.s32 $0x70, s16;
	s26 =	simm.s32 $0x4678  }
0x72: {  	[tilespmem:s26], [sflag:$0x1] =	stream.linear.gather [hbm4b:s16+s6], $0x80, $0x38;
	[tilespmem:$0xA1F0] =	vst v63  }
0x73: {  	s16 =	sadd.s32 s0, s11;
	s26 =	simm.s32 $0x4700  }
0x74: {  	[tilespmem:s26], [sflag:$0x1] =	stream.linear.gather [hbm4b:s16+s6], $0x80, $0x38;
	[tilespmem:$0xA1F0] =	vst v63  }
0x75: {  	s17 =	simm.s32 $0x4788;
	s26 =	sadd.s32 $0x10, s16  }
0x76: {  	[tilespmem:s17], [sflag:$0x1] =	stream.linear.gather [hbm4b:s26+s6], $0x80, $0x38;
	[tilespmem:$0xA1F0] =	vst v63  }
0x77: {  	s26 =	sadd.s32 $0x20, s16;
	s17 =	simm.s32 $0x4810  }
0x78: {  	[tilespmem:s17], [sflag:$0x1] =	stream.linear.gather [hbm4b:s26+s6], $0x80, $0x38;
	[tilespmem:$0xA1F0] =	vst v63  }
0x79: {  	s26 =	sadd.s32 $0x30, s16;
	s17 =	simm.s32 $0x4898  }
0x7a: {  	[tilespmem:s17], [sflag:$0x1] =	stream.linear.gather [hbm4b:s26+s6], $0x80, $0x38;
	[tilespmem:$0xA1F0] =	vst v63  }
0x7b: {  	s26 =	sadd.s32 $0x40, s16;
	s17 =	simm.s32 $0x4920  }
0x7c: {  	[tilespmem:s17], [sflag:$0x1] =	stream.linear.gather [hbm4b:s26+s6], $0x80, $0x38;
	[tilespmem:$0xA1F0] =	vst v63  }
0x7d: {  	s26 =	sadd.s32 $0x50, s16;
	s17 =	simm.s32 $0x49A8  }
0x7e: {  	[tilespmem:s17], [sflag:$0x1] =	stream.linear.gather [hbm4b:s26+s6], $0x80, $0x38;
	[tilespmem:$0xA1F0] =	vst v63  }
0x7f: {  	s26 =	sadd.s32 $0x60, s16;
	s17 =	simm.s32 $0x4A30  }
0x80: {  	[tilespmem:s17], [sflag:$0x1] =	stream.linear.gather [hbm4b:s26+s6], $0x80, $0x38;
	[tilespmem:$0xA1F0] =	vst v63  }
0x81: {  	s16 =	sadd.s32 $0x70, s16;
	s26 =	simm.s32 $0x4AB8  }
0x82: {  	[tilespmem:s26], [sflag:$0x1] =	stream.linear.gather [hbm4b:s16+s6], $0x80, $0x38;
	[tilespmem:$0xA1F0] =	vst v63  }
0x83: {  	s16 =	sadd.s32 s0, s12;
	s26 =	simm.s32 $0x4B40  }
0x84: {  	[tilespmem:s26], [sflag:$0x1] =	stream.linear.gather [hbm4b:s16+s6], $0x80, $0x38;
	[tilespmem:$0xA1F0] =	vst v63  }
0x85: {  	s17 =	simm.s32 $0x4BC8;
	s26 =	sadd.s32 $0x10, s16  }
0x86: {  	[tilespmem:s17], [sflag:$0x1] =	stream.linear.gather [hbm4b:s26+s6], $0x80, $0x38;
	[tilespmem:$0xA1F0] =	vst v63  }
0x87: {  	s26 =	sadd.s32 $0x20, s16;
	s17 =	simm.s32 $0x4C50  }
0x88: {  	[tilespmem:s17], [sflag:$0x1] =	stream.linear.gather [hbm4b:s26+s6], $0x80, $0x38;
	[tilespmem:$0xA1F0] =	vst v63  }
0x89: {  	s26 =	sadd.s32 $0x30, s16;
	s17 =	simm.s32 $0x4CD8  }
0x8a: {  	[tilespmem:s17], [sflag:$0x1] =	stream.linear.gather [hbm4b:s26+s6], $0x80, $0x38;
	[tilespmem:$0xA1F0] =	vst v63  }
0x8b: {  	s26 =	sadd.s32 $0x40, s16;
	s17 =	simm.s32 $0x4D60  }
0x8c: {  	[tilespmem:s17], [sflag:$0x1] =	stream.linear.gather [hbm4b:s26+s6], $0x80, $0x38;
	[tilespmem:$0xA1F0] =	vst v63  }
0x8d: {  	s26 =	sadd.s32 $0x50, s16;
	s17 =	simm.s32 $0x4DE8  }
0x8e: {  	[tilespmem:s17], [sflag:$0x1] =	stream.linear.gather [hbm4b:s26+s6], $0x80, $0x38;
	[tilespmem:$0xA1F0] =	vst v63  }
0x8f: {  	s0 =	sand.u32 $0x1FFFFF80, s0;
	s26 =	sadd.s32 $0x60, s16;
	s17 =	simm.s32 $0x4E70  }
0x90: {  	[tilespmem:s17], [sflag:$0x1] =	stream.linear.gather [hbm4b:s26+s6], $0x80, $0x38;
	[tilespmem:$0xA1F0] =	vst v63  }
0x91: {  	s0 =	sadd.s32 s1, s0;
	s16 =	sadd.s32 $0x70, s16;
	s26 =	simm.s32 $0x4EF8  }
0x92: {  	[tilespmem:s26], [sflag:$0x1] =	stream.linear.gather [hbm4b:s16+s6], $0x80, $0x38;
	[tilespmem:$0xA1F0] =	vst v63  }
0x93: {  	s17 =	sadd.s32 $0x100, s0;
	s26 =	simm.s32 $0x4F80  }
0x94: {  	[tilespmem:s26], [sflag:$0x1] =	stream.linear.gather [hbm4b:s17+s6], $0x80, $0x38;
	[tilespmem:$0xA1F0] =	vst v63  }
0x95: {  	s17 =	sadd.s32 $0x110, s0;
	s26 =	simm.s32 $0x5008  }
0x96: {  	[tilespmem:s26], [sflag:$0x1] =	stream.linear.gather [hbm4b:s17+s6], $0x80, $0x38;
	[tilespmem:$0xA1F0] =	vst v63  }
0x97: {  	s17 =	sadd.s32 $0x120, s0;
	s26 =	simm.s32 $0x5090  }
0x98: {  	[tilespmem:s26], [sflag:$0x1] =	stream.linear.gather [hbm4b:s17+s6], $0x80, $0x38;
	[tilespmem:$0xA1F0] =	vst v63  }
0x99: {  	s17 =	sadd.s32 $0x130, s0;
	s26 =	simm.s32 $0x5118  }
0x9a: {  	[tilespmem:s26], [sflag:$0x1] =	stream.linear.gather [hbm4b:s17+s6], $0x80, $0x38;
	[tilespmem:$0xA1F0] =	vst v63  }
0x9b: {  	s17 =	sadd.s32 $0x140, s0;
	s26 =	simm.s32 $0x51A0  }
0x9c: {  	[tilespmem:s26], [sflag:$0x1] =	stream.linear.gather [hbm4b:s17+s6], $0x80, $0x38;
	[tilespmem:$0xA1F0] =	vst v63  }
0x9d: {  	s17 =	sadd.s32 $0x150, s0;
	s26 =	simm.s32 $0x5228  }
0x9e: {  	[tilespmem:s26], [sflag:$0x1] =	stream.linear.gather [hbm4b:s17+s6], $0x80, $0x38;
	[tilespmem:$0xA1F0] =	vst v63  }
0x9f: {  	s17 =	sadd.s32 $0x160, s0;
	s26 =	simm.s32 $0x52B0  }
0xa0: {  	[tilespmem:s26], [sflag:$0x1] =	stream.linear.gather [hbm4b:s17+s6], $0x80, $0x38;
	[tilespmem:$0xA1F0] =	vst v63  }
0xa1: {  	s17 =	sadd.s32 $0x170, s0;
	s26 =	simm.s32 $0x5338  }
0xa2: {  	[tilespmem:s26], [sflag:$0x1] =	stream.linear.gather [hbm4b:s17+s6], $0x80, $0x38;
	[tilespmem:$0xA1F0] =	vst v63  }
0xa3: {  	s16 =	sadd.s32 $0x4E300, s0;
	s26 =	simm.s32 $0x53C0  }
0xa4: {  	[tilespmem:s26], [sflag:$0x1] =	stream.linear.gather [hbm4b:s16+s6], $0x80, $0x38;
	[tilespmem:$0xA1F0] =	vst v63  }
0xa5: {  	s17 =	simm.s32 $0x5448;
	s26 =	sadd.s32 $0x10, s16  }
0xa6: {  	[tilespmem:s17], [sflag:$0x1] =	stream.linear.gather [hbm4b:s26+s6], $0x80, $0x38;
	[tilespmem:$0xA1F0] =	vst v63  }
0xa7: {  	s26 =	sadd.s32 $0x20, s16;
	s17 =	simm.s32 $0x54D0  }
0xa8: {  	[tilespmem:s17], [sflag:$0x1] =	stream.linear.gather [hbm4b:s26+s6], $0x80, $0x38;
	[tilespmem:$0xA1F0] =	vst v63  }
0xa9: {  	s26 =	sadd.s32 $0x30, s16;
	s17 =	simm.s32 $0x5558  }
0xaa: {  	[tilespmem:s17], [sflag:$0x1] =	stream.linear.gather [hbm4b:s26+s6], $0x80, $0x38;
	[tilespmem:$0xA1F0] =	vst v63  }
0xab: {  	s26 =	sadd.s32 $0x40, s16;
	s17 =	simm.s32 $0x55E0  }
0xac: {  	[tilespmem:s17], [sflag:$0x1] =	stream.linear.gather [hbm4b:s26+s6], $0x80, $0x38;
	[tilespmem:$0xA1F0] =	vst v63  }
0xad: {  	s26 =	sadd.s32 $0x50, s16;
	s17 =	simm.s32 $0x5668  }
0xae: {  	[tilespmem:s17], [sflag:$0x1] =	stream.linear.gather [hbm4b:s26+s6], $0x80, $0x38;
	[tilespmem:$0xA1F0] =	vst v63  }
0xaf: {  	s26 =	sadd.s32 $0x60, s16;
	s17 =	simm.s32 $0x56F0  }
0xb0: {  	[tilespmem:s17], [sflag:$0x1] =	stream.linear.gather [hbm4b:s26+s6], $0x80, $0x38;
	[tilespmem:$0xA1F0] =	vst v63  }
0xb1: {  	s16 =	sadd.s32 $0x70, s16;
	s26 =	simm.s32 $0x5778  }
0xb2: {  	[tilespmem:s26], [sflag:$0x1] =	stream.linear.gather [hbm4b:s16+s6], $0x80, $0x38;
	[tilespmem:$0xA1F0] =	vst v63  }
0xb3: {  	s17 =	sadd.s32 $0x180, s0;
	s26 =	simm.s32 $0x5800  }
0xb4: {  	[tilespmem:s26], [sflag:$0x1] =	stream.linear.gather [hbm4b:s17+s6], $0x80, $0x38;
	[tilespmem:$0xA1F0] =	vst v63  }
0xb5: {  	s17 =	sadd.s32 $0x190, s0;
	s26 =	simm.s32 $0x5888  }
0xb6: {  	[tilespmem:s26], [sflag:$0x1] =	stream.linear.gather [hbm4b:s17+s6], $0x80, $0x38;
	[tilespmem:$0xA1F0] =	vst v63  }
0xb7: {  	s17 =	sadd.s32 $0x1A0, s0;
	s26 =	simm.s32 $0x5910  }
0xb8: {  	[tilespmem:s26], [sflag:$0x1] =	stream.linear.gather [hbm4b:s17+s6], $0x80, $0x38;
	[tilespmem:$0xA1F0] =	vst v63  }
0xb9: {  	s17 =	sadd.s32 $0x1B0, s0;
	s26 =	simm.s32 $0x5998  }
0xba: {  	[tilespmem:s26], [sflag:$0x1] =	stream.linear.gather [hbm4b:s17+s6], $0x80, $0x38;
	[tilespmem:$0xA1F0] =	vst v63  }
0xbb: {  	s17 =	sadd.s32 $0x1C0, s0;
	s26 =	simm.s32 $0x5A20  }
0xbc: {  	[tilespmem:s26], [sflag:$0x1] =	stream.linear.gather [hbm4b:s17+s6], $0x80, $0x38;
	[tilespmem:$0xA1F0] =	vst v63  }
0xbd: {  	s17 =	sadd.s32 $0x1D0, s0;
	s26 =	simm.s32 $0x5AA8  }
0xbe: {  	[tilespmem:s26], [sflag:$0x1] =	stream.linear.gather [hbm4b:s17+s6], $0x80, $0x38;
	[tilespmem:$0xA1F0] =	vst v63  }
0xbf: {  	s17 =	sadd.s32 $0x1E0, s0;
	s26 =	simm.s32 $0x5B30  }
0xc0: {  	[tilespmem:s26], [sflag:$0x1] =	stream.linear.gather [hbm4b:s17+s6], $0x80, $0x38;
	[tilespmem:$0xA1F0] =	vst v63  }
0xc1: {  	s17 =	sadd.s32 $0x1F0, s0;
	s26 =	simm.s32 $0x5BB8  }
0xc2: {  	[tilespmem:s26], [sflag:$0x1] =	stream.linear.gather [hbm4b:s17+s6], $0x80, $0x38;
	[tilespmem:$0xA1F0] =	vst v63  }
0xc3: {  	s16 =	sadd.s32 $0x4E380, s0;
	s26 =	simm.s32 $0x5C40  }
0xc4: {  	[tilespmem:s26], [sflag:$0x1] =	stream.linear.gather [hbm4b:s16+s6], $0x80, $0x38;
	[tilespmem:$0xA1F0] =	vst v63  }
0xc5: {  	s17 =	simm.s32 $0x5CC8;
	s26 =	sadd.s32 $0x10, s16  }
0xc6: {  	[tilespmem:s17], [sflag:$0x1] =	stream.linear.gather [hbm4b:s26+s6], $0x80, $0x38;
	[tilespmem:$0xA1F0] =	vst v63  }
0xc7: {  	s26 =	sadd.s32 $0x20, s16;
	s17 =	simm.s32 $0x5D50  }
0xc8: {  	[tilespmem:s17], [sflag:$0x1] =	stream.linear.gather [hbm4b:s26+s6], $0x80, $0x38;
	[tilespmem:$0xA1F0] =	vst v63  }
0xc9: {  	s26 =	sadd.s32 $0x30, s16;
	s17 =	simm.s32 $0x5DD8  }
0xca: {  	[tilespmem:s17], [sflag:$0x1] =	stream.linear.gather [hbm4b:s26+s6], $0x80, $0x38;
	[tilespmem:$0xA1F0] =	vst v63  }
0xcb: {  	s26 =	sadd.s32 $0x40, s16;
	s17 =	simm.s32 $0x5E60  }
0xcc: {  	[tilespmem:s17], [sflag:$0x1] =	stream.linear.gather [hbm4b:s26+s6], $0x80, $0x38;
	[tilespmem:$0xA1F0] =	vst v63  }
0xcd: {  	s26 =	sadd.s32 $0x50, s16;
	s17 =	simm.s32 $0x5EE8  }
0xce: {  	[tilespmem:s17], [sflag:$0x1] =	stream.linear.gather [hbm4b:s26+s6], $0x80, $0x38;
	[tilespmem:$0xA1F0] =	vst v63  }
0xcf: {  	s26 =	sadd.s32 $0x60, s16;
	s17 =	simm.s32 $0x5F70  }
0xd0: {  	[tilespmem:s17], [sflag:$0x1] =	stream.linear.gather [hbm4b:s26+s6], $0x80, $0x38;
	[tilespmem:$0xA1F0] =	vst v63  }
0xd1: {  	s16 =	sadd.s32 $0x70, s16;
	s26 =	simm.s32 $0x5FF8  }
0xd2: {  	[tilespmem:s26], [sflag:$0x1] =	stream.linear.gather [hbm4b:s16+s6], $0x80, $0x38;
	[tilespmem:$0xA1F0] =	vst v63  }
0xd3: {  	s17 =	sadd.s32 $0x200, s0;
	s26 =	simm.s32 $0x6080  }
0xd4: {  	[tilespmem:s26], [sflag:$0x1] =	stream.linear.gather [hbm4b:s17+s6], $0x80, $0x38;
	[tilespmem:$0xA1F0] =	vst v63  }
0xd5: {  	s17 =	sadd.s32 $0x210, s0;
	s26 =	simm.s32 $0x6108  }
0xd6: {  	[tilespmem:s26], [sflag:$0x1] =	stream.linear.gather [hbm4b:s17+s6], $0x80, $0x38;
	[tilespmem:$0xA1F0] =	vst v63  }
0xd7: {  	s17 =	sadd.s32 $0x220, s0;
	s26 =	simm.s32 $0x6190  }
0xd8: {  	[tilespmem:s26], [sflag:$0x1] =	stream.linear.gather [hbm4b:s17+s6], $0x80, $0x38;
	[tilespmem:$0xA1F0] =	vst v63  }
0xd9: {  	s17 =	sadd.s32 $0x230, s0;
	s26 =	simm.s32 $0x6218  }
0xda: {  	[tilespmem:s26], [sflag:$0x1] =	stream.linear.gather [hbm4b:s17+s6], $0x80, $0x38;
	[tilespmem:$0xA1F0] =	vst v63  }
0xdb: {  	s17 =	sadd.s32 $0x240, s0;
	s26 =	simm.s32 $0x62A0  }
0xdc: {  	[tilespmem:s26], [sflag:$0x1] =	stream.linear.gather [hbm4b:s17+s6], $0x80, $0x38;
	[tilespmem:$0xA1F0] =	vst v63  }
0xdd: {  	s17 =	sadd.s32 $0x250, s0;
	s26 =	simm.s32 $0x6328  }
0xde: {  	[tilespmem:s26], [sflag:$0x1] =	stream.linear.gather [hbm4b:s17+s6], $0x80, $0x38;
	[tilespmem:$0xA1F0] =	vst v63  }
0xdf: {  	s17 =	sadd.s32 $0x260, s0;
	s26 =	simm.s32 $0x63B0  }
0xe0: {  	[tilespmem:s26], [sflag:$0x1] =	stream.linear.gather [hbm4b:s17+s6], $0x80, $0x38;
	[tilespmem:$0xA1F0] =	vst v63  }
0xe1: {  	s17 =	sadd.s32 $0x270, s0;
	s26 =	simm.s32 $0x6438  }
0xe2: {  	[tilespmem:s26], [sflag:$0x1] =	stream.linear.gather [hbm4b:s17+s6], $0x80, $0x38;
	[tilespmem:$0xA1F0] =	vst v63  }
0xe3: {  	s16 =	sadd.s32 $0x4E400, s0;
	s26 =	simm.s32 $0x64C0  }
0xe4: {  	[tilespmem:s26], [sflag:$0x1] =	stream.linear.gather [hbm4b:s16+s6], $0x80, $0x38;
	[tilespmem:$0xA1F0] =	vst v63  }
0xe5: {  	s17 =	simm.s32 $0x6548;
	s26 =	sadd.s32 $0x10, s16  }
0xe6: {  	[tilespmem:s17], [sflag:$0x1] =	stream.linear.gather [hbm4b:s26+s6], $0x80, $0x38;
	[tilespmem:$0xA1F0] =	vst v63  }
0xe7: {  	s26 =	sadd.s32 $0x20, s16;
	s17 =	simm.s32 $0x65D0  }
0xe8: {  	[tilespmem:s17], [sflag:$0x1] =	stream.linear.gather [hbm4b:s26+s6], $0x80, $0x38;
	[tilespmem:$0xA1F0] =	vst v63  }
0xe9: {  	s26 =	sadd.s32 $0x30, s16;
	s17 =	simm.s32 $0x6658  }
0xea: {  	[tilespmem:s17], [sflag:$0x1] =	stream.linear.gather [hbm4b:s26+s6], $0x80, $0x38;
	[tilespmem:$0xA1F0] =	vst v63  }
0xeb: {  	s26 =	sadd.s32 $0x40, s16;
	s17 =	simm.s32 $0x66E0  }
0xec: {  	[tilespmem:s17], [sflag:$0x1] =	stream.linear.gather [hbm4b:s26+s6], $0x80, $0x38;
	[tilespmem:$0xA1F0] =	vst v63  }
0xed: {  	s26 =	sadd.s32 $0x50, s16;
	s17 =	simm.s32 $0x6768  }
0xee: {  	[tilespmem:s17], [sflag:$0x1] =	stream.linear.gather [hbm4b:s26+s6], $0x80, $0x38;
	[tilespmem:$0xA1F0] =	vst v63  }
0xef: {  	s26 =	sadd.s32 $0x60, s16;
	s17 =	simm.s32 $0x67F0  }
0xf0: {  	[tilespmem:s17], [sflag:$0x1] =	stream.linear.gather [hbm4b:s26+s6], $0x80, $0x38;
	[tilespmem:$0xA1F0] =	vst v63  }
0xf1: {  	s16 =	sadd.s32 $0x70, s16;
	s26 =	simm.s32 $0x6878  }
0xf2: {  	[tilespmem:s26], [sflag:$0x1] =	stream.linear.gather [hbm4b:s16+s6], $0x80, $0x38;
	[tilespmem:$0xA1F0] =	vst v63  }
0xf3: {  	s17 =	sadd.s32 $0x280, s0;
	s26 =	simm.s32 $0x6900  }
0xf4: {  	[tilespmem:s26], [sflag:$0x1] =	stream.linear.gather [hbm4b:s17+s6], $0x80, $0x38;
	[tilespmem:$0xA1F0] =	vst v63  }
0xf5: {  	s17 =	sadd.s32 $0x290, s0;
	s26 =	simm.s32 $0x6988  }
0xf6: {  	[tilespmem:s26], [sflag:$0x1] =	stream.linear.gather [hbm4b:s17+s6], $0x80, $0x38;
	[tilespmem:$0xA1F0] =	vst v63  }
0xf7: {  	s17 =	sadd.s32 $0x2A0, s0;
	s26 =	simm.s32 $0x6A10  }
0xf8: {  	[tilespmem:s26], [sflag:$0x1] =	stream.linear.gather [hbm4b:s17+s6], $0x80, $0x38;
	[tilespmem:$0xA1F0] =	vst v63  }
0xf9: {  	s17 =	sadd.s32 $0x2B0, s0;
	s26 =	simm.s32 $0x6A98  }
0xfa: {  	[tilespmem:s26], [sflag:$0x1] =	stream.linear.gather [hbm4b:s17+s6], $0x80, $0x38;
	[tilespmem:$0xA1F0] =	vst v63  }
0xfb: {  	s17 =	sadd.s32 $0x2C0, s0;
	s26 =	simm.s32 $0x6B20  }
0xfc: {  	[tilespmem:s26], [sflag:$0x1] =	stream.linear.gather [hbm4b:s17+s6], $0x80, $0x38;
	[tilespmem:$0xA1F0] =	vst v63  }
0xfd: {  	s17 =	sadd.s32 $0x2D0, s0;
	s26 =	simm.s32 $0x6BA8  }
0xfe: {  	[tilespmem:s26], [sflag:$0x1] =	stream.linear.gather [hbm4b:s17+s6], $0x80, $0x38;
	[tilespmem:$0xA1F0] =	vst v63  }
0xff: {  	s17 =	sadd.s32 $0x2E0, s0;
	s26 =	simm.s32 $0x6C30  }
0x100: {  	[tilespmem:s26], [sflag:$0x1] =	stream.linear.gather [hbm4b:s17+s6], $0x80, $0x38;
	[tilespmem:$0xA1F0] =	vst v63  }
0x101: {  	s17 =	sadd.s32 $0x2F0, s0;
	s26 =	simm.s32 $0x6CB8  }
0x102: {  	[tilespmem:s26], [sflag:$0x1] =	stream.linear.gather [hbm4b:s17+s6], $0x80, $0x38;
	[tilespmem:$0xA1F0] =	vst v63  }
0x103: {  	s0 =	sadd.s32 $0x4E480, s0;
	s26 =	simm.s32 $0x6D40  }
0x104: {  	[tilespmem:s26], [sflag:$0x1] =	stream.linear.gather [hbm4b:s0+s6], $0x80, $0x38;
	[tilespmem:$0xA1F0] =	vst v63  }
0x105: {  	s17 =	sadd.s32 $0x10, s0;
	s26 =	simm.s32 $0x6DC8  }
0x106: {  	[tilespmem:s26], [sflag:$0x1] =	stream.linear.gather [hbm4b:s17+s6], $0x80, $0x38;
	[tilespmem:$0xA1F0] =	vst v63  }
0x107: {  	s17 =	sadd.s32 $0x20, s0;
	s26 =	simm.s32 $0x6E50  }
0x108: {  	[tilespmem:s26], [sflag:$0x1] =	stream.linear.gather [hbm4b:s17+s6], $0x80, $0x38;
	[tilespmem:$0xA1F0] =	vst v63  }
0x109: {  	s17 =	sadd.s32 $0x30, s0;
	s26 =	simm.s32 $0x6ED8  }
0x10a: {  	[tilespmem:s26], [sflag:$0x1] =	stream.linear.gather [hbm4b:s17+s6], $0x80, $0x38;
	[tilespmem:$0xA1F0] =	vst v63  }
0x10b: {  	s17 =	sadd.s32 $0x40, s0;
	s26 =	simm.s32 $0x6F60  }
0x10c: {  	[tilespmem:s26], [sflag:$0x1] =	stream.linear.gather [hbm4b:s17+s6], $0x80, $0x38;
	[tilespmem:$0xA1F0] =	vst v63  }
0x10d: {  	s17 =	sadd.s32 $0x50, s0;
	s26 =	simm.s32 $0x6FE8  }
0x10e: {  	[tilespmem:s26], [sflag:$0x1] =	stream.linear.gather [hbm4b:s17+s6], $0x80, $0x38;
	[tilespmem:$0xA1F0] =	vst v63  }
0x10f: {  	s17 =	sadd.s32 $0x60, s0;
	s26 =	simm.s32 $0x7070  }
0x110: {  	[tilespmem:s26], [sflag:$0x1] =	stream.linear.gather [hbm4b:s17+s6], $0x80, $0x38;
	[tilespmem:$0xA1F0] =	vst v63  }
0x111: {  	s0 =	sadd.s32 $0x70, s0;
	s26 =	simm.s32 $0x70F8  }
0x112: {  	[tilespmem:s26], [sflag:$0x1] =	stream.linear.gather [hbm4b:s0+s6], $0x80, $0x38;
	[tilespmem:$0xA1F0] =	vst v63  }
0x113: {  	_ =	swait.ge [sflag:s13], $0x300  }
0x114: {  	[sflag:s13] =	ssyncset.done $0x0  }
0x115: {  	[sflag:s13] =	ssyncadd.s32 $0xFFFFFD00  }
0x116: {  	_ =	swait.ge [sflag:s13], $0x400  }
0x117: {  	[sflag:s13] =	ssyncset.done $0x0  }
0x118: {  	[sflag:s13] =	ssyncadd.s32 $0xFFFFFC00  }
0x119: {  	_ =	swait.ge [sflag:s13], $0x400  }
0x11a: {  	[sflag:s13] =	ssyncset.done $0x0  }
0x11b: {  	[sflag:s13] =	ssyncadd.s32 $0xFFFFFC00  }
0x11c: {  	_ =	swait.ge [sflag:s13], $0x400  }
0x11d: {  	[sflag:s13] =	ssyncset.done $0x0  }
0x11e: {  	[sflag:s13] =	ssyncadd.s32 $0xFFFFFC00  }
0x11f: {  	_ =	swait.ge [sflag:s13], $0x400  }
0x120: {  	[sflag:s13] =	ssyncset.done $0x0  }
0x121: {  	[sflag:s13] =	ssyncadd.s32 $0xFFFFFC00  }
0x122: {  	_ =	swait.ge [sflag:s13], $0x400  }
0x123: {  	[sflag:s13] =	ssyncset.done $0x0  }
0x124: {  	[sflag:s13] =	ssyncadd.s32 $0xFFFFFC00  }
0x125: {  	_ =	swait.ge [sflag:s13], $0x400  }
0x126: {  	[sflag:s13] =	ssyncset.done $0x0  }
0x127: {  	[sflag:s13] =	ssyncadd.s32 $0xFFFFFC00  }
0x128: {  	_ =	swait.ge [sflag:s13], $0x400  }
0x129: {  	[sflag:s13] =	ssyncset.done $0x0  }
0x12a: {  	[sflag:s13] =	ssyncadd.s32 $0xFFFFFC00  }
0x12b: {  	_ =	swait.ge [sflag:s13], $0x400  }
0x12c: {  	[sflag:s13] =	ssyncset.done $0x0  }
0x12d: {  	[sflag:s13] =	ssyncadd.s32 $0xFFFFFC00  }
0x12e: {  	_ =	swait.ge [sflag:s13], $0x400  }
0x12f: {  	[sflag:s13] =	ssyncset.done $0x0  }
0x130: {  	[sflag:s13] =	ssyncadd.s32 $0xFFFFFC00  }
0x131: {  	_ =	swait.ge [sflag:s13], $0x400  }
0x132: {  	v8 =	vimm.s32 $0x0;
	[sflag:s13] =	ssyncset.done $0x0  }
0x133: {  	v9 =	vand.u32 $0xFFFFFFF8, v8;
	[sflag:s13] =	ssyncadd.s32 $0xFFFFFC00  }
0x134: {  	v22 =	vand.u32 $0x4, v8;
	v10 =	vadd.s32 v0, v9;
	_ =	swait.ge [sflag:s13], $0x400  }
0x135: {  	v12 =	vadd.s32 v3, v9;
	v11 =	vor.u32 v22, v10;
	[sflag:s13] =	ssyncset.done $0x0  }
0x136: {  	v14 =	vadd.s32 v4, v9;
	v13 =	vor.u32 v22, v12;
	[sflag:s13] =	ssyncadd.s32 $0xFFFFFC00  }
0x137: {  	v18 =	vadd.s32 v5, v9;
	v15 =	vor.u32 v22, v14;
	_ =	swait.ge [sflag:s13], $0x400  }
0x138: {  	v17 =	vadd.s32 v6, v9;
	v16 =	vor.u32 v22, v18;
	[sflag:s13] =	ssyncset.done $0x0  }
0x139: {  	v26 =	vadd.s32 v7, v9;
	v19 =	vor.u32 v22, v17;
	[sflag:s13] =	ssyncadd.s32 $0xFFFFFC00  }
0x13a: {  	v24 =	vor.u32 $0x1, v22;
	v20 =	vor.u32 v22, v26;
	v9 =	vld.idx.msk [tilespmem:v11+s24+$0x0], $0xffff  }
0x13b: {  	v21 =	vor.u32 v24, v10;
	v11 =	vld.idx.msk [tilespmem:v13+s24+$0x0], $0xffff  }
0x13c: {  	v23 =	vor.u32 v24, v12;
	v13 =	vld.idx.msk [tilespmem:v15+s24+$0x0], $0xffff  }
0x13d: {  	v25 =	vor.u32 v24, v14;
	v15 =	vld.idx.msk [tilespmem:v16+s24+$0x0], $0xffff  }
0x13e: {  	v29 =	vor.u32 v24, v18;
	v16 =	vld.idx.msk [tilespmem:v19+s24+$0x0], $0xffff  }
0x13f: {  	v30 =	vor.u32 v24, v17;
	v19 =	vld.idx.msk [tilespmem:v20+s24+$0x0], $0xffff  }
0x140: {  	v27 =	vor.u32 $0x2, v22;
	v32 =	vor.u32 v24, v26;
	v20 =	vld.idx.msk [tilespmem:v21+s24+$0x0], $0xffff  }
0x141: {  	v28 =	vor.u32 v27, v10;
	v21 =	vld.idx.msk [tilespmem:v23+s24+$0x0], $0xffff  }
0x142: {  	v31 =	vor.u32 v27, v12;
	v23 =	vld.idx.msk [tilespmem:v25+s24+$0x0], $0xffff  }
0x143: {  	v24 =	vld.idx.msk [tilespmem:v29+s24+$0x0], $0xffff;
	v29 =	vor.u32 v27, v14  }
0x144: {  	s0 =	simm.s32 $0xFFFFE000;
	s26 =	simm.s32 $0xFFFFE100;
	v25 =	vld.idx.msk [tilespmem:v30+s24+$0x0], $0xffff;
	v30 =	vor.u32 v27, v18  }
.LBB2_9:
0x145: {  	p2 =	sne.s32 s26, $0xFFFFFF00;
	v32 =	vld.idx.msk [tilespmem:v32+s24+$0x0], $0xffff;
	v33 =	vor.u32 v27, v17;
	v22 =	vor.u32 $0x3, v22  }
0x146: {  	v28 =	vld.idx.msk [tilespmem:v28+s24+$0x0], $0xffff;
	v34 =	vor.u32 v22, v26  }
0x147: {  	v26 =	vor.u32 v27, v26;
	v31 =	vld.idx.msk [tilespmem:v31+s24+$0x0], $0xffff  }
0x148: {  	v10 =	vor.u32 v22, v10;
	v27 =	vld.idx.msk [tilespmem:v29+s24+$0x0], $0xffff  }
0x149: {  	v12 =	vor.u32 v22, v12;
	v29 =	vld.idx.msk [tilespmem:v30+s24+$0x0], $0xffff  }
0x14a: {  	v14 =	vor.u32 v22, v14;
	v30 =	vld.idx.msk [tilespmem:v33+s24+$0x0], $0xffff  }
0x14b: {  	v18 =	vor.u32 v22, v18;
	v33 =	vld.idx.msk [tilespmem:v34+s24+$0x0], $0xffff  }
0x14c: {  	v17 =	vor.u32 v22, v17;
	v26 =	vld.idx.msk [tilespmem:v26+s24+$0x0], $0xffff  }
0x14d: {  	v34 =	vld.idx.msk [tilespmem:v10+s24+$0x0], $0xffff  }
0x14e: {  	v35 =	vld.idx.msk [tilespmem:v12+s24+$0x0], $0xffff  }
0x14f: {  	v36 =	vld.idx.msk [tilespmem:v14+s24+$0x0], $0xffff  }
0x150: {  	s16 =	sshra.s32 s0, $0x2;
	s0 =	smov.u32 s26;
	v37 =	vld.idx.msk [tilespmem:v18+s24+$0x0], $0xffff  }
0x151: {  	v38 =	vld.idx.msk [tilespmem:v17+s24+$0x0], $0xffff;
	[tilespmem:s16+$0x3030] =	vst v33  }
0x152: {  	[tilespmem:s16+$0x800] =	vst v9  }
0x153: {  	[tilespmem:s16+$0x1000] =	vst v11  }
0x154: {  	[tilespmem:s16+$0x1800] =	vst v13  }
0x155: {  	[tilespmem:s16+$0x2000] =	vst v15  }
0x156: {  	[tilespmem:s16+$0x2800] =	vst v16  }
0x157: {  	[tilespmem:s16+$0x3000] =	vst v19  }
0x158: {  	[tilespmem:s16+$0x810] =	vst v20  }
0x159: {  	[tilespmem:s16+$0x1010] =	vst v21  }
0x15a: {  	[tilespmem:s16+$0x1810] =	vst v23  }
0x15b: {  	[tilespmem:s16+$0x2010] =	vst v24  }
0x15c: {  	[tilespmem:s16+$0x2810] =	vst v25  }
0x15d: {  	[tilespmem:s16+$0x3010] =	vst v32  }
0x15e: {  	[tilespmem:s16+$0x820] =	vst v28  }
0x15f: {  	[tilespmem:s16+$0x1020] =	vst v31  }
0x160: {  	[tilespmem:s16+$0x1820] =	vst v27  }
0x161: {  	v8 =	vadd.s32 $0x4, v8;
	[tilespmem:s16+$0x2020] =	vst v29  }
0x162: {  	v9 =	vand.u32 $0xFFFFFFF8, v8;
	[tilespmem:s16+$0x2820] =	vst v30  }
0x163: {  	v22 =	vand.u32 $0x4, v8;
	v10 =	vadd.s32 v0, v9;
	[tilespmem:s16+$0x3020] =	vst v26  }
0x164: {  	v12 =	vadd.s32 v3, v9;
	v11 =	vor.u32 v22, v10;
	[tilespmem:s16+$0x830] =	vst v34  }
0x165: {  	v14 =	vadd.s32 v4, v9;
	v13 =	vor.u32 v22, v12;
	[tilespmem:s16+$0x1030] =	vst v35  }
0x166: {  	v18 =	vadd.s32 v5, v9;
	v15 =	vor.u32 v22, v14;
	[tilespmem:s16+$0x1830] =	vst v36  }
0x167: {  	v17 =	vadd.s32 v6, v9;
	v16 =	vor.u32 v22, v18;
	[tilespmem:s16+$0x2030] =	vst v37  }
0x168: {  	v19 =	vor.u32 v22, v17;
	v26 =	vadd.s32 v7, v9;
	[tilespmem:s16+$0x2830] =	vst v38  }
0x169: {  	v21 =	vor.u32 $0x1, v22;
	v20 =	vor.u32 v22, v26;
	v9 =	vld.idx.msk [tilespmem:v11+s24+$0x0], $0xffff  }
0x16a: {  	v23 =	vor.u32 v21, v10;
	v11 =	vld.idx.msk [tilespmem:v13+s24+$0x0], $0xffff  }
0x16b: {  	v24 =	vor.u32 v21, v12;
	v13 =	vld.idx.msk [tilespmem:v15+s24+$0x0], $0xffff  }
0x16c: {  	v25 =	vor.u32 v21, v14;
	v15 =	vld.idx.msk [tilespmem:v16+s24+$0x0], $0xffff  }
0x16d: {  	v29 =	vor.u32 v21, v18;
	v16 =	vld.idx.msk [tilespmem:v19+s24+$0x0], $0xffff  }
0x16e: {  	v30 =	vor.u32 v21, v17;
	v19 =	vld.idx.msk [tilespmem:v20+s24+$0x0], $0xffff  }
.Ltmp5:
0x16f: {  	v27 =	vor.u32 $0x2, v22;
	v32 =	vor.u32 v21, v26;
	v20 =	vld.idx.msk [tilespmem:v23+s24+$0x0], $0xffff;
	(pc) =	sbr.rel @p2 .LBB2_9-.Ltmp5, $4  }
0x170: {  	v28 =	vor.u32 v27, v10;
	v21 =	vld.idx.msk [tilespmem:v24+s24+$0x0], $0xffff  }
0x171: {  	v31 =	vor.u32 v27, v12;
	v23 =	vld.idx.msk [tilespmem:v25+s24+$0x0], $0xffff  }
0x172: {  	v24 =	vld.idx.msk [tilespmem:v29+s24+$0x0], $0xffff;
	v29 =	vor.u32 v27, v14  }
0x173: {  	s26 =	sadd.s32 $0x100, s26;
	v25 =	vld.idx.msk [tilespmem:v30+s24+$0x0], $0xffff;
	v30 =	vor.u32 v27, v18  }
0x174: {  	_ =	sdelay $0x3  }
0x175: {  	v8 =	vld.idx.msk [tilespmem:v32+s24+$0x0], $0xffff;
	v57 =	vor.u32 v27, v17  }
0x176: {  	v22 =	vor.u32 $0x3, v22;
	v28 =	vld.idx.msk [tilespmem:v28+s24+$0x0], $0xffff;
	v58 =	vor.u32 v27, v26  }
0x177: {  	v31 =	vld.idx.msk [tilespmem:v31+s24+$0x0], $0xffff;
	v33 =	vor.u32 v22, v26  }
0x178: {  	v59 =	vld.idx.msk [tilespmem:v29+s24+$0x0], $0xffff;
	v10 =	vor.u32 v22, v10  }
0x179: {  	v60 =	vld.idx.msk [tilespmem:v30+s24+$0x0], $0xffff;
	v12 =	vor.u32 v22, v12  }
0x17a: {  	v14 =	vor.u32 v22, v14;
	v61 =	vld.idx.msk [tilespmem:v57+s24+$0x0], $0xffff  }
0x17b: {  	v18 =	vor.u32 v22, v18;
	v26 =	vld.idx.msk [tilespmem:v58+s24+$0x0], $0xffff  }
0x17c: {  	v63 =	vor.u32 v22, v17;
	v62 =	vld.idx.msk [tilespmem:v33+s24+$0x0], $0xffff  }
0x17d: {  	v10 =	vld.idx.msk [tilespmem:v10+s24+$0x0], $0xffff  }
0x17e: {  	v12 =	vld.idx.msk [tilespmem:v12+s24+$0x0], $0xffff  }
0x17f: {  	v14 =	vld.idx.msk [tilespmem:v14+s24+$0x0], $0xffff  }
0x180: {  	s0 =	sshra.s32 s0, $0x2;
	v18 =	vld.idx.msk [tilespmem:v18+s24+$0x0], $0xffff  }
0x181: {  	v17 =	vld.idx.msk [tilespmem:v63+s24+$0x0], $0xffff;
	[tilespmem:s0+$0x800] =	vst v9  }
0x182: {  	[tilespmem:s0+$0x1000] =	vst v11  }
0x183: {  	[tilespmem:s0+$0x1800] =	vst v13  }
0x184: {  	[tilespmem:s0+$0x2000] =	vst v15  }
0x185: {  	[tilespmem:s0+$0x2800] =	vst v16  }
0x186: {  	[tilespmem:s0+$0x3000] =	vst v19  }
0x187: {  	[tilespmem:s0+$0x810] =	vst v20  }
0x188: {  	[tilespmem:s0+$0x1010] =	vst v21  }
0x189: {  	[tilespmem:s0+$0x1810] =	vst v23  }
0x18a: {  	[tilespmem:s0+$0x2010] =	vst v24  }
0x18b: {  	[tilespmem:s0+$0x2810] =	vst v25  }
0x18c: {  	[tilespmem:s0+$0x3010] =	vst v8  }
0x18d: {  	[tilespmem:s0+$0x820] =	vst v28  }
0x18e: {  	[tilespmem:s0+$0x1020] =	vst v31  }
0x18f: {  	[tilespmem:s0+$0x1820] =	vst v59  }
0x190: {  	[tilespmem:s0+$0x2020] =	vst v60  }
0x191: {  	[tilespmem:s0+$0x2820] =	vst v61  }
0x192: {  	[tilespmem:s0+$0x3020] =	vst v26  }
0x193: {  	[tilespmem:s0+$0x3030] =	vst v62  }
0x194: {  	[tilespmem:s0+$0x830] =	vst v10  }
0x195: {  	[tilespmem:s0+$0x1030] =	vst v12  }
0x196: {  	[tilespmem:s0+$0x1830] =	vst v14  }
0x197: {  	[tilespmem:s0+$0x2030] =	vst v18  }
0x198: {  	[tilespmem:s0+$0x2830] =	vst v17  }
0x199: {  	[spmem:s4] =	stream.indirect.scatter.add.f32 [tilespmem:s6], [sflag:$0x1], $0x10, s23, s21, $0xb8;
	[tilespmem:$0xA1F0] =	vst v63  }
0x19a: {  	s17 =	simm.s32 $0x800  }
0x19b: {  	[spmem:s4] =	stream.indirect.scatter.add.f32 [tilespmem:s17], [sflag:$0x1], $0x10, s20, s21, $0xb8;
	[tilespmem:$0xA1F0] =	vst v63  }
0x19c: {  	s26 =	simm.s32 $0x1000  }
0x19d: {  	[spmem:s4] =	stream.indirect.scatter.add.f32 [tilespmem:s26], [sflag:$0x1], $0x10, s28, s21, $0xb8;
	[tilespmem:$0xA1F0] =	vst v63  }
0x19e: {  	_ = 	snop  }
0x19f: {  	[spmem:s4] =	stream.indirect.scatter.add.f32 [tilespmem:s18], [sflag:$0x1], $0x10, s14, s21, $0xb8;
	[tilespmem:$0xA1F0] =	vst v63  }
0x1a0: {  	_ = 	snop  }
0x1a1: {  	[spmem:s4] =	stream.indirect.scatter.add.f32 [tilespmem:s19], [sflag:$0x1], $0x10, s29, s21, $0xb8;
	[tilespmem:$0xA1F0] =	vst v63  }
0x1a2: {  	_ = 	snop  }
0x1a3: {  	[spmem:s4] =	stream.indirect.scatter.add.f32 [tilespmem:s8], [sflag:$0x1], $0x10, s15, s21, $0xb8;
	[tilespmem:$0xA1F0] =	vst v63  }
0x1a4: {  	_ = 	snop  }
0x1a5: {  	[spmem:s5] =	stream.indirect.scatter.add.f32 [tilespmem:s30], [sflag:$0x1], $0x1, s23, s21, $0xb8;
	[tilespmem:$0xA1F0] =	vst v63  }
0x1a6: {  	_ = 	snop  }
0x1a7: {  	[spmem:s5] =	stream.indirect.scatter.add.f32 [tilespmem:s9], [sflag:$0x1], $0x1, s20, s21, $0xb8;
	[tilespmem:$0xA1F0] =	vst v63  }
0x1a8: {  	_ = 	snop  }
0x1a9: {  	[spmem:s5] =	stream.indirect.scatter.add.f32 [tilespmem:s2], [sflag:$0x1], $0x1, s28, s21, $0xb8;
	[tilespmem:$0xA1F0] =	vst v63  }
0x1aa: {  	_ = 	snop  }
0x1ab: {  	[spmem:s5] =	stream.indirect.scatter.add.f32 [tilespmem:s31], [sflag:$0x1], $0x1, s14, s21, $0xb8;
	[tilespmem:$0xA1F0] =	vst v63  }
0x1ac: {  	_ = 	snop  }
0x1ad: {  	[spmem:s5] =	stream.indirect.scatter.add.f32 [tilespmem:s22], [sflag:$0x1], $0x1, s29, s21, $0xb8;
	[tilespmem:$0xA1F0] =	vst v63  }
0x1ae: {  	_ = 	snop  }
0x1af: {  	[spmem:s5] =	stream.indirect.scatter.add.f32 [tilespmem:s3], [sflag:$0x1], $0x1, s15, s21, $0xb8;
	[tilespmem:$0xA1F0] =	vst v63  }
0x1b0: {  	_ =	swait.ge [sflag:s13], $0x800  }
0x1b1: {  	[sflag:s13] =	ssyncset.done $0x0  }
0x1b2: {  	[sflag:s13] =	ssyncadd.s32 $0xFFFFF800  }
0x1b3: {  	_ =	swait.ge [sflag:s13], $0x800  }
0x1b4: {  	[sflag:s13] =	ssyncset.done $0x0  }
0x1b5: {  	[sflag:s13] =	ssyncadd.s32 $0xFFFFF800  }
0x1b6: {  	_ =	swait.ge [sflag:s13], $0x800  }
0x1b7: {  	[sflag:s13] =	ssyncset.done $0x0  }
0x1b8: {  	[sflag:s13] =	ssyncadd.s32 $0xFFFFF800  }
0x1b9: {  	_ =	swait.ge [sflag:s13], $0x800  }
0x1ba: {  	[sflag:s13] =	ssyncset.done $0x0  }
0x1bb: {  	[sflag:s13] =	ssyncadd.s32 $0xFFFFF800  }
0x1bc: {  	_ =	swait.ge [sflag:s13], $0x800  }
0x1bd: {  	[sflag:s13] =	ssyncset.done $0x0  }
0x1be: {  	[sflag:s13] =	ssyncadd.s32 $0xFFFFF800  }
0x1bf: {  	_ =	swait.ge [sflag:s13], $0x800  }
0x1c0: {  	[sflag:s13] =	ssyncset.done $0x0  }
0x1c1: {  	[sflag:s13] =	ssyncadd.s32 $0xFFFFF800  }
0x1c2: {  	_ =	swait.ge [sflag:s13], $0x80  }
0x1c3: {  	[sflag:s13] =	ssyncset.done $0x0  }
0x1c4: {  	[sflag:s13] =	ssyncadd.s32 $0xFFFFFF80  }
0x1c5: {  	_ =	swait.ge [sflag:s13], $0x80  }
0x1c6: {  	[sflag:s13] =	ssyncset.done $0x0  }
0x1c7: {  	[sflag:s13] =	ssyncadd.s32 $0xFFFFFF80  }
0x1c8: {  	_ =	swait.ge [sflag:s13], $0x80  }
0x1c9: {  	[sflag:s13] =	ssyncset.done $0x0  }
0x1ca: {  	[sflag:s13] =	ssyncadd.s32 $0xFFFFFF80  }
0x1cb: {  	_ =	swait.ge [sflag:s13], $0x80  }
0x1cc: {  	[sflag:s13] =	ssyncset.done $0x0  }
0x1cd: {  	s25 =	sadd.s32 $0x1, s25;
	[sflag:s13] =	ssyncadd.s32 $0xFFFFFF80  }
0x1ce: {  	p2 =	sne.s32 s25, $0xD;
	_ =	swait.ge [sflag:s13], $0x80  }
.Ltmp6:
0x1cf: {  	[sflag:s13] =	ssyncset.done $0x0;
	(pc) =	sbr.rel @p2 .LBB2_8-.Ltmp6, $4  }
0x1d0: {  	[sflag:s13] =	ssyncadd.s32 $0xFFFFFF80  }
0x1d1: {  	_ =	swait.ge [sflag:s13], $0x80  }
0x1d2: {  	[sflag:s13] =	ssyncset.done $0x0  }
0x1d3: {  	[sflag:s13] =	ssyncadd.s32 $0xFFFFFF80  }
.Ltmp7:
0x1d4: {  	(pc) =	sbr.rel @p1 .LBB2_15-.Ltmp7, $1  }
0x1d5: {  	_ =	sdelay $0x3  }
0x1d6: {  	s0 =	simm.s32 $0x0;
	s16 =	rddreg [dreg:$0x9];
	s26 =	simm.s32 $0x2  }
0x1d7: {  	[tilespmem:s23], [sflag:$0x2] =	stream.linear.gather [hbm4b:s16+s0], $0x80, $0x38;
	[tilespmem:$0xA1F0] =	vst v63  }
0x1d8: {  	_ =	swait.ge [sflag:s26], $0x80  }
0x1d9: {  	[sflag:s26] =	ssyncset.done $0x0  }
0x1da: {  	s25 =	rddreg [dreg:$0xa];
	[sflag:s26] =	ssyncadd.s32 $0xFFFFFF80  }
0x1db: {  	[tilespmem:s24], [sflag:$0x2] =	stream.linear.gather [hbm4b:s25+s0], $0x80, $0x38;
	[tilespmem:$0xA1F0] =	vst v63  }
0x1dc: {  	s17 =	simm.s32 $0x3F08;
	s16 =	sadd.s32 $0x10, s25  }
0x1dd: {  	[tilespmem:s17], [sflag:$0x2] =	stream.linear.gather [hbm4b:s16+s0], $0x80, $0x38;
	[tilespmem:$0xA1F0] =	vst v63  }
0x1de: {  	s16 =	sadd.s32 $0x20, s25;
	s17 =	simm.s32 $0x3F90  }
0x1df: {  	[tilespmem:s17], [sflag:$0x2] =	stream.linear.gather [hbm4b:s16+s0], $0x80, $0x38;
	[tilespmem:$0xA1F0] =	vst v63  }
0x1e0: {  	s16 =	sadd.s32 $0x30, s25;
	s17 =	simm.s32 $0x4018  }
0x1e1: {  	[tilespmem:s17], [sflag:$0x2] =	stream.linear.gather [hbm4b:s16+s0], $0x80, $0x38;
	[tilespmem:$0xA1F0] =	vst v63  }
0x1e2: {  	s16 =	sadd.s32 $0x40, s25;
	s17 =	simm.s32 $0x40A0  }
0x1e3: {  	[tilespmem:s17], [sflag:$0x2] =	stream.linear.gather [hbm4b:s16+s0], $0x80, $0x38;
	[tilespmem:$0xA1F0] =	vst v63  }
0x1e4: {  	s16 =	sadd.s32 $0x50, s25;
	s17 =	simm.s32 $0x4128  }
0x1e5: {  	[tilespmem:s17], [sflag:$0x2] =	stream.linear.gather [hbm4b:s16+s0], $0x80, $0x38;
	[tilespmem:$0xA1F0] =	vst v63  }
0x1e6: {  	s16 =	sadd.s32 $0x60, s25;
	s17 =	simm.s32 $0x41B0  }
0x1e7: {  	[tilespmem:s17], [sflag:$0x2] =	stream.linear.gather [hbm4b:s16+s0], $0x80, $0x38;
	[tilespmem:$0xA1F0] =	vst v63  }
0x1e8: {  	s17 =	sadd.s32 $0x70, s25;
	s25 =	simm.s32 $0x4238  }
0x1e9: {  	[tilespmem:s25], [sflag:$0x2] =	stream.linear.gather [hbm4b:s17+s0], $0x80, $0x38;
	[tilespmem:$0xA1F0] =	vst v63  }
0x1ea: {  	_ =	swait.ge [sflag:s26], $0x400  }
0x1eb: {  	[sflag:s26] =	ssyncset.done $0x0  }
0x1ec: {  	s17 =	simm.s32 $0x42C0;
	s25 =	rddreg [dreg:$0xb];
	[sflag:s26] =	ssyncadd.s32 $0xFFFFFC00  }
0x1ed: {  	[tilespmem:s17], [sflag:$0x2] =	stream.linear.gather [hbm4b:s25+s0], $0x80, $0x38;
	[tilespmem:$0xA1F0] =	vst v63  }
0x1ee: {  	s16 =	sadd.s32 $0x10, s25;
	s17 =	simm.s32 $0x4348  }
0x1ef: {  	[tilespmem:s17], [sflag:$0x2] =	stream.linear.gather [hbm4b:s16+s0], $0x80, $0x38;
	[tilespmem:$0xA1F0] =	vst v63  }
0x1f0: {  	s16 =	sadd.s32 $0x20, s25;
	s17 =	simm.s32 $0x43D0  }
0x1f1: {  	[tilespmem:s17], [sflag:$0x2] =	stream.linear.gather [hbm4b:s16+s0], $0x80, $0x38;
	[tilespmem:$0xA1F0] =	vst v63  }
0x1f2: {  	s16 =	sadd.s32 $0x30, s25;
	s17 =	simm.s32 $0x4458  }
0x1f3: {  	[tilespmem:s17], [sflag:$0x2] =	stream.linear.gather [hbm4b:s16+s0], $0x80, $0x38;
	[tilespmem:$0xA1F0] =	vst v63  }
0x1f4: {  	s16 =	sadd.s32 $0x40, s25;
	s17 =	simm.s32 $0x44E0  }
0x1f5: {  	[tilespmem:s17], [sflag:$0x2] =	stream.linear.gather [hbm4b:s16+s0], $0x80, $0x38;
	[tilespmem:$0xA1F0] =	vst v63  }
0x1f6: {  	s16 =	sadd.s32 $0x50, s25;
	s17 =	simm.s32 $0x4568  }
0x1f7: {  	[tilespmem:s17], [sflag:$0x2] =	stream.linear.gather [hbm4b:s16+s0], $0x80, $0x38;
	[tilespmem:$0xA1F0] =	vst v63  }
0x1f8: {  	v8 =	vimm.s32 $0x0;
	s16 =	sadd.s32 $0x60, s25;
	s17 =	simm.s32 $0x45F0  }
0x1f9: {  	v9 =	vand.u32 $0xFFFFFFFC, v8;
	[tilespmem:s17], [sflag:$0x2] =	stream.linear.gather [hbm4b:s16+s0], $0x80, $0x38;
	[tilespmem:$0xA1F0] =	vst v63  }
0x1fa: {  	v9 =	vadd.s32 v0, v9;
	s17 =	sadd.s32 $0x70, s25;
	s25 =	simm.s32 $0x4678  }
0x1fb: {  	v10 =	vor.u32 $0x3, v9;
	[tilespmem:s25], [sflag:$0x2] =	stream.linear.gather [hbm4b:s17+s0], $0x80, $0x38;
	[tilespmem:$0xA1F0] =	vst v63  }
0x1fc: {  	v11 =	vor.u32 $0x1, v9;
	_ =	swait.ge [sflag:s26], $0x400  }
0x1fd: {  	v12 =	vor.u32 $0x2, v9;
	[sflag:s26] =	ssyncset.done $0x0  }
0x1fe: {  	[sflag:s26] =	ssyncadd.s32 $0xFFFFFC00  }
0x1ff: {  	v16 =	vld.idx.msk [tilespmem:v9+s24+$0x0], $0xffff  }
0x200: {  	v10 =	vld.idx.msk [tilespmem:v10+s24+$0x0], $0xffff  }
0x201: {  	v8 =	vadd.s32 $0x4, v8;
	v9 =	vld.idx.msk [tilespmem:v11+s24+$0x0], $0xffff  }
0x202: {  	v13 =	vand.u32 $0xFFFFFFFC, v8;
	v11 =	vld.idx.msk [tilespmem:v12+s24+$0x0], $0xffff  }
0x203: {  	s25 =	simm.s32 $0x0;
	v12 =	vadd.s32 v0, v13  }
0x204: {  	s16 =	simm.s32 $0x200;
	s0 =	simm.s32 $0x100;
	v14 =	vor.u32 $0x1, v12;
	v13 =	vor.u32 $0x2, v12;
	v15 =	vor.u32 $0x3, v12;
	[tilespmem:s25+$0x0] =	vst v16  }
.LBB2_13:
0x205: {  	p2 =	sne.s32 s16, $0x1F00;
	[tilespmem:s25+$0x30] =	vst v10;
	s26 =	smov.u32 s16;
	s16 =	sadd.s32 $0x100, s16  }
0x206: {  	[tilespmem:s25+$0x10] =	vst v9  }
0x207: {  	[tilespmem:s25+$0x20] =	vst v11  }
0x208: {  	v16 =	vld.idx.msk [tilespmem:v12+s24+$0x0], $0xffff  }
0x209: {  	v10 =	vld.idx.msk [tilespmem:v15+s24+$0x0], $0xffff  }
.Ltmp8:
0x20a: {  	v9 =	vld.idx.msk [tilespmem:v14+s24+$0x0], $0xffff;
	(pc) =	sbr.rel @p2 .LBB2_13-.Ltmp8, $4  }
0x20b: {  	v8 =	vadd.s32 $0x4, v8;
	v11 =	vld.idx.msk [tilespmem:v13+s24+$0x0], $0xffff  }
0x20c: {  	v12 =	vand.u32 $0xFFFFFFFC, v8  }
0x20d: {  	s25 =	sshra.s32 s0, $0x2;
	s0 =	smov.u32 s26;
	v12 =	vadd.s32 v0, v12  }
0x20e: {  	v14 =	vor.u32 $0x1, v12;
	v15 =	vor.u32 $0x3, v12;
	v13 =	vor.u32 $0x2, v12;
	[tilespmem:s25+$0x0] =	vst v16  }
0x20f: {  	_ = 	snop  }
0x210: {  	[tilespmem:s25+$0x30] =	vst v10  }
0x211: {  	[tilespmem:s25+$0x10] =	vst v9  }
0x212: {  	[tilespmem:s25+$0x20] =	vst v11  }
0x213: {  	v8 =	vld.idx.msk [tilespmem:v12+s24+$0x0], $0xffff  }
0x214: {  	v9 =	vld.idx.msk [tilespmem:v15+s24+$0x0], $0xffff  }
0x215: {  	v10 =	vld.idx.msk [tilespmem:v14+s24+$0x0], $0xffff  }
0x216: {  	v11 =	vld.idx.msk [tilespmem:v13+s24+$0x0], $0xffff  }
0x217: {  	s0 =	sshra.s32 s0, $0x2  }
0x218: {  	[tilespmem:s0+$0x0] =	vst v8  }
0x219: {  	[tilespmem:s0+$0x30] =	vst v9  }
0x21a: {  	[tilespmem:s0+$0x10] =	vst v10  }
0x21b: {  	s26 =	simm.s32 $0x2;
	[tilespmem:s0+$0x20] =	vst v11  }
0x21c: {  	[spmem:s4] =	stream.indirect.scatter.add.f32 [tilespmem:s6], [sflag:$0x2], $0x10, s23, s21, $0xb8;
	[tilespmem:$0xA1F0] =	vst v63  }
0x21d: {  	_ =	swait.ge [sflag:s26], $0x800  }
0x21e: {  	[sflag:s26] =	ssyncset.done $0x0  }
0x21f: {  	[sflag:s26] =	ssyncadd.s32 $0xFFFFF800  }
0x220: {  	[spmem:s5] =	stream.indirect.scatter.add.f32 [tilespmem:s30], [sflag:$0x2], $0x1, s23, s21, $0xb8;
	[tilespmem:$0xA1F0] =	vst v63  }
.Ltmp9:
0x221: {  	_ =	swait.ge [sflag:s26], $0x80;
	(pc) =	sbr.rel .LBB2_16-.Ltmp9, $4  }
0x222: {  	[sflag:s26] =	ssyncset.done $0x0  }
0x223: {  	[sflag:s26] =	ssyncadd.s32 $0xFFFFFF80  }
0x224: {  	[bflag:$0x0] =	sbarrier.arrive $0xFFFF  }
0x225: {  	s17 =	rddreg [dreg:$0x11]  }
.LBB2_15:
.Ltmp10:
0x226: {  	(pc) =	sbr.rel @p0 .LBB2_17-.Ltmp10, $4  }
.Ltmp11:
0x227: {  	(pc) =	sbr.rel @!p0 .LBB2_16-.Ltmp11, $4  }
0x228: {  	_ = 	snop  }
0x229: {  	[bflag:$0x0] =	sbarrier.arrive $0xFFFF  }
0x22a: {  	s17 =	rddreg [dreg:$0x11]  }
0x22b: {  	_ = 	snop  }
.LBB2_18:
0x22c: {  	_ =	sfence.sel $0x180000  }
0x22d: {  	[bflag:$0x0] =	sbarrier.arrive $0xFFFF  }
0x22e: {  	_ =	strace $0x90000047  }
0x22f: {  	s0 =	stileid.u32;
	[bflag:$0x2] =	sbarrier.arrive $0xFFFF  }
0x230: {  	p0 =	sne.s32 s0, $0x0;
	s0 =	rddreg [dreg:$0x6]  }
0x231: {  	s0 =	sadd.s32 @!p0 $0x100000, s0  }
0x232: {  	[sflag:s0] =	ssyncadd.tile.s32 @!p0 $0x1;
	_ =	shalt  }
.Lfunc_end2:
_tile_overlayer_lowered:
.L_overlay_start_2:
0x233: {  	(tag) =	ssettag $0x2  }
0x234: {  	s0 =	rddreg [dreg:$0x0];
	s2 =	stileid.u32  }
0x235: {  	s1 =	rddreg [dreg:$0x1];
	p0 =	sne.s32 s2, $0x0  }
0x236: {  	s3 =	rddreg [dreg:$0x2];
	[bflag:$0x3] =	sbarrier.arrive $0xFFFF;
	s2 =	simm.s32 @!p0 $0x1C02  }
0x237: {  	[timem:s3], [sflag:s2] =	dma.local @!p0 [hbm:s0], s1  }
0x238: {  	s0 =	simm.s32 @!p0 $0x2  }
0x239: {  	_ =	swait.ge @!p0 [sflag:s0], s1  }
0x23a: {  	s1 =	ssub.s32 @!p0 $0x0, s1;
	[sflag:s0] =	ssyncset.done @!p0 $0x0  }
0x23b: {  	[sflag:s0] =	ssyncadd.s32 @!p0 s1  }
0x23c: {  	[bflag:$0x3] =	sbarrier.arrive $0xFFFF  }
0x23d: {  	_ =	shalt  }

</sc_bundles>
